<compile_context>
chip_gen: v7x
topology: tpu7x:2x2x1
jax: 0.10.2.dev20260603
libtpu: 0.0.44.dev20260713+nightly
codegen_flags: <defaults>
</compile_context>

<pallas_src>
import functools

import jax
import jax.numpy as jnp
from jax import lax
from jax.experimental import pallas as pl
from jax.experimental.pallas import tpu as pltpu
from jax.experimental.pallas import tpu_sc as plsc

NFIELD = 26
FIELD = 38461
EMBED = 32
BATCH = 16384
VOCAB = FIELD * NFIELD

NC = 2
NS = 16
SLAB = 38912
TCHUNK = SLAB // NS
QUARTER = BATCH // 4
QCH = QUARTER // NS
MAX_START = 961152
UNROLL = 16


def _emb_body(x_hbm, table_hbm, out_hbm, spm_slab, spm_x, spm_out,
              slab_v, idx_v, out_v, fill_sem, flush_sem0, flush_sem1):
    core = lax.axis_index("c")
    sub = lax.axis_index("s")
    gi = sub // 8
    s_in_g = sub % 8
    flush_sems = (flush_sem0, flush_sem1)

    def window_start(f):
        start = f * FIELD
        start_al = start - lax.rem(start, 128)
        return pl.multiple_of(jnp.minimum(start_al, MAX_START), 128)

    def fill_start(f):
        start_al = window_start(f)
        for g in range(2):
            pltpu.async_copy(
                table_hbm.at[core * 2 + g, :,
                             pl.ds(start_al + sub * TCHUNK, TCHUNK)],
                spm_slab.at[g, :, pl.ds(sub * TCHUNK, TCHUNK)],
                fill_sem)

    def fill_wait():
        for g in range(2):
            pltpu.make_async_copy(
                table_hbm.at[core * 2 + g, :, pl.ds(0, TCHUNK)],
                spm_slab.at[g, :, pl.ds(0, TCHUNK)],
                fill_sem).wait()

    def flush_start(f, q, b):
        pltpu.async_copy(
            spm_out.at[b, :, pl.ds(sub * QCH, QCH)],
            out_hbm.at[f, pl.ds(core * NS, NS),
                       pl.ds(q * QUARTER + sub * QCH, QCH)],
            flush_sems[b])

    def flush_wait(f, b):
        pltpu.make_async_copy(
            spm_out.at[b, :, pl.ds(0, QCH)],
            out_hbm.at[f, pl.ds(core * NS, NS), pl.ds(0, QCH)],
            flush_sems[b]).wait()

    def per_field(f, carry):
        fill_wait()
        plsc.subcore_barrier()
        pltpu.async_copy(spm_slab.at[gi, s_in_g, :], slab_v, fill_sem)
        pltpu.async_copy(spm_x.at[lax.rem(f, 8), :], idx_v, fill_sem)
        pltpu.make_async_copy(spm_slab.at[0, 0, :], slab_v, fill_sem).wait()
        pltpu.make_async_copy(spm_x.at[0, :], idx_v, fill_sem).wait()
        plsc.subcore_barrier()
        @pl.when(f < NFIELD - 1)
        def _():
            fill_start(f + 1)

        delta = f * FIELD - window_start(f)

        @plsc.parallel_loop(0, BATCH, 16, unroll=UNROLL)
        def gather(i):
            sl = pl.ds(i, 16)
            out_v[sl] = plsc.load_gather(slab_v, [idx_v[sl] + delta])

        for q in range(4):
            b = q % 2
            if q >= 2:
                flush_wait(f, b)
            pltpu.sync_copy(out_v.at[pl.ds(q * QUARTER, QUARTER)],
                            spm_out.at[b, sub, :])
            plsc.subcore_barrier()
            flush_start(f, q, b)
        for b in range(2):
            flush_wait(f, b)
        return carry

    fill_start(0)
    for gx in range(4):
        glen = 8 if gx < 3 else NFIELD - 24
        pltpu.sync_copy(
            x_hbm.at[pl.ds(gx * 8, glen), pl.ds(sub * (BATCH // NS),
                                                BATCH // NS)],
            spm_x.at[pl.ds(0, glen), pl.ds(sub * (BATCH // NS),
                                           BATCH // NS)])
        plsc.subcore_barrier()
        lax.fori_loop(gx * 8, gx * 8 + glen, per_field, 0)


@functools.partial(
    pl.kernel,
    out_type=jax.ShapeDtypeStruct((NFIELD, EMBED, BATCH), jnp.float32),
    mesh=plsc.VectorSubcoreMesh(core_axis_name="c", subcore_axis_name="s"),
    scratch_types=[
        pltpu.VMEM_SHARED((2, 8, SLAB), jnp.float32),
        pltpu.VMEM_SHARED((8, BATCH), jnp.int32),
        pltpu.VMEM_SHARED((2, NS, QUARTER), jnp.float32),
        pltpu.VMEM((SLAB,), jnp.float32),
        pltpu.VMEM((BATCH,), jnp.int32),
        pltpu.VMEM((BATCH,), jnp.float32),
        pltpu.SemaphoreType.DMA,
        pltpu.SemaphoreType.DMA,
        pltpu.SemaphoreType.DMA,
    ],
    compiler_params=pltpu.CompilerParams(
        use_tc_tiling_on_sc=True, needs_layout_passes=False),
)
def _emb(x_hbm, table_hbm, out_hbm, spm_slab, spm_x, spm_out,
         slab_v, idx_v, out_v, fill_sem, flush_sem0, flush_sem1):
    _emb_body(x_hbm, table_hbm, out_hbm, spm_slab, spm_x, spm_out,
              slab_v, idx_v, out_v, fill_sem, flush_sem0, flush_sem1)


def kernel(x, table):
    out_t = _emb(x.T, table.T.reshape(4, 8, VOCAB))
    return out_t.transpose(2, 0, 1)

# --- scband reference (transcript-rebuilt; emitter-appended) ---
"""Pipeline reference for scband-features-embedding-64948495450640 (READ-ONLY COPY).

The authoritative reference and input builder live on the scoring server;
editing this copy changes nothing except your own understanding.
"""

import jax, jax.numpy as jnp
import numpy as np

FIELD_DIMS = [38461] * 26
EMBED_DIM = 32
BATCH = 16384
TOTAL = sum(FIELD_DIMS)


def setup_inputs(seed: int = 0) -> dict:
    key = jax.random.key(seed)
    k1, k2 = jax.random.split(key)
    # indices per field, each in [0, field_dim)
    x = jax.random.randint(k1, (BATCH, len(FIELD_DIMS)), 0, 38461, dtype=jnp.int32)
    # xavier_uniform init for embedding table [TOTAL, EMBED_DIM]
    limit = float(np.sqrt(6.0 / (TOTAL + EMBED_DIM)))
    table = jax.random.uniform(k2, (TOTAL, EMBED_DIM), minval=-limit, maxval=limit, dtype=jnp.float32)
    return {"x": x, "table": table}


def reference(x, table):
    # offsets = (0, cumsum(field_dims)[:-1])
    offsets = jnp.asarray(np.concatenate(([0], np.cumsum(FIELD_DIMS)[:-1])), dtype=jnp.int32)
    idx = x + offsets[None, :]
    y = jnp.take(table, idx, axis=0)
    return y

if __name__ == "__main__":
    import jax
    _d = setup_inputs()
    print(jax.jit(kernel)(*tuple(_d.values())))

</pallas_src>

<mosaic_0001>
#map = affine_map<(d0, d1) -> (0, 0)>
#map1 = affine_map<(d0, d1) -> (0, 0, 0)>
module attributes {stable_mosaic.version = 14 : i64} {
  func.func @_emb(%arg0: i32, %arg1: i32, %arg2: memref<26x16384xi32, #tpu.memory_space<hbm>>, %arg3: memref<4x8x999986xf32, #tpu.memory_space<hbm>>, %arg4: memref<26x32x16384xf32, #tpu.memory_space<hbm>>, %arg5: memref<2x8x38912xf32, #tpu.memory_space<vmem_shared>>, %arg6: memref<8x16384xi32, #tpu.memory_space<vmem_shared>>, %arg7: memref<2x16x4096xf32, #tpu.memory_space<vmem_shared>>, %arg8: memref<38912xf32, #tpu.memory_space<vmem>>, %arg9: memref<16384xi32, #tpu.memory_space<vmem>>, %arg10: memref<16384xf32, #tpu.memory_space<vmem>>, %arg11: memref<!tpu.dma_semaphore, #tpu.memory_space<semaphore_mem>>, %arg12: memref<!tpu.dma_semaphore, #tpu.memory_space<semaphore_mem>>, %arg13: memref<!tpu.dma_semaphore, #tpu.memory_space<semaphore_mem>>) attributes {dimension_semantics = [#tpu.dimension_semantics<core_parallel>, #tpu.dimension_semantics<subcore_parallel>], iteration_bounds = array<i64: 2, 16>, scalar_prefetch = 0 : i64, scratch_operands = 9 : i64, tpu.core_type = #tpu.core_type<sc_vector_subcore>, window_params = [{transform_indices = #map}, {transform_indices = #map1}, {transform_indices = #map1}]} {
    %jit3A = arith.constant 8 : i32
    %div3A = arith.divsi %arg1, %jit3A : i32
    %sign3A = arith.constant 0 : i32
    %sign3A_0 = arith.cmpi sgt, %arg1, %sign3A : i32
    %sign3A_1 = arith.extui %sign3A_0 : i1 to i32
    %sign3A_2 = arith.constant 0 : i32
    %sign3A_3 = arith.cmpi slt, %arg1, %sign3A_2 : i32
    %sign3A_4 = arith.extui %sign3A_3 : i1 to i32
    %sign3A_5 = arith.subi %sign3A_1, %sign3A_4 : i32
    %sign3A_6 = arith.constant 0 : i32
    %sign3A_7 = arith.cmpi sgt, %jit3A, %sign3A_6 : i32
    %sign3A_8 = arith.extui %sign3A_7 : i1 to i32
    %sign3A_9 = arith.constant 0 : i32
    %sign3A_10 = arith.cmpi slt, %jit3A, %sign3A_9 : i32
    %sign3A_11 = arith.extui %sign3A_10 : i1 to i32
    %sign3A_12 = arith.subi %sign3A_8, %sign3A_11 : i32
    %ne3A = arith.cmpi ne, %sign3A_5, %sign3A_12 : i32
    %rem3A = arith.remsi %arg1, %jit3A : i32
    %ne3A_13 = arith.constant 0 : i32
    %ne3A_14 = arith.cmpi ne, %rem3A, %ne3A_13 : i32
    %and3A = arith.andi %ne3A, %ne3A_14 : i1
    %sub3A = arith.constant 1 : i32
    %sub3A_15 = arith.subi %div3A, %sub3A : i32
    %select_n3A = arith.select %and3A, %sub3A_15, %div3A : i32
    %jit3A_16 = arith.constant 8 : i32
    %eq3A = arith.constant 0 : i32
    %eq3A_17 = arith.cmpi eq, %jit3A_16, %eq3A : i32
    %jit3A_18 = arith.constant 1 : i32
    %select_n3A_19 = arith.select %eq3A_17, %jit3A_18, %jit3A_16 : i32
    %rem3A_20 = arith.remsi %arg1, %select_n3A_19 : i32
    %ne3A_21 = arith.constant 0 : i32
    %ne3A_22 = arith.cmpi ne, %rem3A_20, %ne3A_21 : i32
    %lt3A = arith.constant 0 : i32
    %lt3A_23 = arith.cmpi slt, %rem3A_20, %lt3A : i32
    %lt3A_24 = arith.constant 0 : i32
    %lt3A_25 = arith.cmpi slt, %select_n3A_19, %lt3A_24 : i32
    %ne3A_26 = arith.xori %lt3A_23, %lt3A_25 : i1
    %and3A_27 = arith.andi %ne3A_26, %ne3A_22 : i1
    %add3A = arith.addi %rem3A_20, %select_n3A_19 : i32
    %select_n3A_28 = arith.select %and3A_27, %add3A, %rem3A_20 : i32
    %rem3A_29 = arith.constant 0 : i32
    %rem3A_30 = arith.constant 128 : i32
    %rem3A_31 = arith.remsi %rem3A_29, %rem3A_30 : i32
    %sub3A_32 = arith.constant 0 : i32
    %sub3A_33 = arith.subi %sub3A_32, %rem3A_31 : i32
    %min3A = arith.constant 961152 : i32
    %min3A_34 = arith.minsi %sub3A_33, %min3A : i32
    %multiple_of3A = tpu.assume_multiple %min3A_34, 128 : i32
    %mul3A = arith.constant 2 : i32
    %mul3A_35 = arith.muli %arg0, %mul3A : i32
    %add3A_36 = arith.constant 0 : i32
    %add3A_37 = arith.addi %mul3A_35, %add3A_36 : i32
    %mul3A_38 = arith.constant 2432 : i32
    %mul3A_39 = arith.muli %arg1, %mul3A_38 : i32
    %add3A_40 = arith.addi %multiple_of3A, %mul3A_39 : i32
    %mul3A_41 = arith.constant 2432 : i32
    %mul3A_42 = arith.muli %arg1, %mul3A_41 : i32
    %dma_start3A = arith.constant 0 : i32
    %dma_start3A_43 = arith.constant 0 : i32
    %dma_start3A_44 = tpu.memref_slice %arg5[%dma_start3A, %dma_start3A_43, %mul3A_42] : memref<2x8x38912xf32, #tpu.memory_space<vmem_shared>> -> memref<1x8x2432xf32, #tpu.memory_space<vmem_shared>>
    %dma_start3A_45 = tpu.memref_squeeze %dma_start3A_44 : memref<1x8x2432xf32, #tpu.memory_space<vmem_shared>> -> memref<8x2432xf32, #tpu.memory_space<vmem_shared>>
    %dma_start3A_46 = arith.constant 0 : i32
    %dma_start3A_47 = tpu.memref_slice %arg3[%add3A_37, %dma_start3A_46, %add3A_40] : memref<4x8x999986xf32, #tpu.memory_space<hbm>> -> memref<1x8x2432xf32, #tpu.memory_space<hbm>>
    %dma_start3A_48 = tpu.memref_squeeze %dma_start3A_47 : memref<1x8x2432xf32, #tpu.memory_space<hbm>> -> memref<8x2432xf32, #tpu.memory_space<hbm>>
    tpu.enqueue_dma source(%dma_start3A_48 : memref<8x2432xf32, #tpu.memory_space<hbm>>) target(%dma_start3A_45 : memref<8x2432xf32, #tpu.memory_space<vmem_shared>>) target_semaphore(%arg11 : memref<!tpu.dma_semaphore, #tpu.memory_space<semaphore_mem>>)
    %mul3A_49 = arith.constant 2 : i32
    %mul3A_50 = arith.muli %arg0, %mul3A_49 : i32
    %add3A_51 = arith.constant 1 : i32
    %add3A_52 = arith.addi %mul3A_50, %add3A_51 : i32
    %mul3A_53 = arith.constant 2432 : i32
    %mul3A_54 = arith.muli %arg1, %mul3A_53 : i32
    %add3A_55 = arith.addi %multiple_of3A, %mul3A_54 : i32
    %mul3A_56 = arith.constant 2432 : i32
    %mul3A_57 = arith.muli %arg1, %mul3A_56 : i32
    %dma_start3A_58 = arith.constant 1 : i32
    %dma_start3A_59 = arith.constant 0 : i32
    %dma_start3A_60 = tpu.memref_slice %arg5[%dma_start3A_58, %dma_start3A_59, %mul3A_57] : memref<2x8x38912xf32, #tpu.memory_space<vmem_shared>> -> memref<1x8x2432xf32, #tpu.memory_space<vmem_shared>>
    %dma_start3A_61 = tpu.memref_squeeze %dma_start3A_60 : memref<1x8x2432xf32, #tpu.memory_space<vmem_shared>> -> memref<8x2432xf32, #tpu.memory_space<vmem_shared>>
    %dma_start3A_62 = arith.constant 0 : i32
    %dma_start3A_63 = tpu.memref_slice %arg3[%add3A_52, %dma_start3A_62, %add3A_55] : memref<4x8x999986xf32, #tpu.memory_space<hbm>> -> memref<1x8x2432xf32, #tpu.memory_space<hbm>>
    %dma_start3A_64 = tpu.memref_squeeze %dma_start3A_63 : memref<1x8x2432xf32, #tpu.memory_space<hbm>> -> memref<8x2432xf32, #tpu.memory_space<hbm>>
    tpu.enqueue_dma source(%dma_start3A_64 : memref<8x2432xf32, #tpu.memory_space<hbm>>) target(%dma_start3A_61 : memref<8x2432xf32, #tpu.memory_space<vmem_shared>>) target_semaphore(%arg11 : memref<!tpu.dma_semaphore, #tpu.memory_space<semaphore_mem>>)
    %mul3A_65 = arith.constant 1024 : i32
    %mul3A_66 = arith.muli %arg1, %mul3A_65 : i32
    %mul3A_67 = arith.constant 1024 : i32
    %mul3A_68 = arith.muli %arg1, %mul3A_67 : i32
    "tpu.region"() ({
      %run_scoped3A = tpu.sem_alloc : memref<!tpu.dma_semaphore, #tpu.memory_space<semaphore_mem>>
      %dma_start3A_107 = arith.constant 0 : i32
      %dma_start3A_108 = tpu.memref_slice %arg6[%dma_start3A_107, %mul3A_68] : memref<8x16384xi32, #tpu.memory_space<vmem_shared>> -> memref<8x1024xi32, #tpu.memory_space<vmem_shared>>
      %dma_start3A_109 = arith.constant 0 : i32
      %dma_start3A_110 = tpu.memref_slice %arg2[%dma_start3A_109, %mul3A_66] : memref<26x16384xi32, #tpu.memory_space<hbm>> -> memref<8x1024xi32, #tpu.memory_space<hbm>>
      tpu.enqueue_dma source(%dma_start3A_110 : memref<8x1024xi32, #tpu.memory_space<hbm>>) target(%dma_start3A_108 : memref<8x1024xi32, #tpu.memory_space<vmem_shared>>) target_semaphore(%run_scoped3A : memref<!tpu.dma_semaphore, #tpu.memory_space<semaphore_mem>>)
      %dma_wait3A = arith.constant 0 : i32
      %dma_wait3A_111 = tpu.memref_slice %arg6[%dma_wait3A, %mul3A_68] : memref<8x16384xi32, #tpu.memory_space<vmem_shared>> -> memref<8x1024xi32, #tpu.memory_space<vmem_shared>>
      %dma_wait3A_112 = arith.constant 0 : i32
      %dma_wait3A_113 = tpu.memref_slice %arg2[%dma_wait3A_112, %mul3A_66] : memref<26x16384xi32, #tpu.memory_space<hbm>> -> memref<8x1024xi32, #tpu.memory_space<hbm>>
      tpu.wait_dma2 semaphore(%run_scoped3A : memref<!tpu.dma_semaphore, #tpu.memory_space<semaphore_mem>>) src(%dma_wait3A_113 : memref<8x1024xi32, #tpu.memory_space<hbm>>) dst(%dma_wait3A_111 : memref<8x1024xi32, #tpu.memory_space<vmem_shared>>)
      tpu.yield
    }) : () -> ()
    %barrier3A = arith.constant 0 : index
    tpu.barrier barrier_id(%barrier3A)
    %scan3A = arith.constant 0 : i32
    %scan3A_69 = arith.constant 0 : i32
    %scan3A_70 = arith.constant 8 : i32
    %scan3A_71 = arith.addi %scan3A_69, %scan3A_70 : i32
    %scan3A_72 = arith.constant 1 : i32
    scf.for %scan3A_107 = %scan3A_69 to %scan3A_71 step %scan3A_72  : i32 {
      %mul3A_108 = arith.constant 2 : i32
      %mul3A_109 = arith.muli %arg0, %mul3A_108 : i32
      %add3A_110 = arith.constant 0 : i32
      %add3A_111 = arith.addi %mul3A_109, %add3A_110 : i32
      %dma_wait3A = arith.constant 0 : i32
      %dma_wait3A_112 = arith.constant 0 : i32
      %dma_wait3A_113 = arith.constant 0 : i32
      %dma_wait3A_114 = tpu.memref_slice %arg5[%dma_wait3A, %dma_wait3A_112, %dma_wait3A_113] : memref<2x8x38912xf32, #tpu.memory_space<vmem_shared>> -> memref<1x8x2432xf32, #tpu.memory_space<vmem_shared>>
      %dma_wait3A_115 = tpu.memref_squeeze %dma_wait3A_114 : memref<1x8x2432xf32, #tpu.memory_space<vmem_shared>> -> memref<8x2432xf32, #tpu.memory_space<vmem_shared>>
      %dma_wait3A_116 = arith.constant 0 : i32
      %dma_wait3A_117 = arith.constant 0 : i32
      %dma_wait3A_118 = tpu.memref_slice %arg3[%add3A_111, %dma_wait3A_116, %dma_wait3A_117] : memref<4x8x999986xf32, #tpu.memory_space<hbm>> -> memref<1x8x2432xf32, #tpu.memory_space<hbm>>
      %dma_wait3A_119 = tpu.memref_squeeze %dma_wait3A_118 : memref<1x8x2432xf32, #tpu.memory_space<hbm>> -> memref<8x2432xf32, #tpu.memory_space<hbm>>
      tpu.wait_dma2 semaphore(%arg11 : memref<!tpu.dma_semaphore, #tpu.memory_space<semaphore_mem>>) src(%dma_wait3A_119 : memref<8x2432xf32, #tpu.memory_space<hbm>>) dst(%dma_wait3A_115 : memref<8x2432xf32, #tpu.memory_space<vmem_shared>>)
      %mul3A_120 = arith.constant 2 : i32
      %mul3A_121 = arith.muli %arg0, %mul3A_120 : i32
      %add3A_122 = arith.constant 1 : i32
      %add3A_123 = arith.addi %mul3A_121, %add3A_122 : i32
      %dma_wait3A_124 = arith.constant 1 : i32
      %dma_wait3A_125 = arith.constant 0 : i32
      %dma_wait3A_126 = arith.constant 0 : i32
      %dma_wait3A_127 = tpu.memref_slice %arg5[%dma_wait3A_124, %dma_wait3A_125, %dma_wait3A_126] : memref<2x8x38912xf32, #tpu.memory_space<vmem_shared>> -> memref<1x8x2432xf32, #tpu.memory_space<vmem_shared>>
      %dma_wait3A_128 = tpu.memref_squeeze %dma_wait3A_127 : memref<1x8x2432xf32, #tpu.memory_space<vmem_shared>> -> memref<8x2432xf32, #tpu.memory_space<vmem_shared>>
      %dma_wait3A_129 = arith.constant 0 : i32
      %dma_wait3A_130 = arith.constant 0 : i32
      %dma_wait3A_131 = tpu.memref_slice %arg3[%add3A_123, %dma_wait3A_129, %dma_wait3A_130] : memref<4x8x999986xf32, #tpu.memory_space<hbm>> -> memref<1x8x2432xf32, #tpu.memory_space<hbm>>
      %dma_wait3A_132 = tpu.memref_squeeze %dma_wait3A_131 : memref<1x8x2432xf32, #tpu.memory_space<hbm>> -> memref<8x2432xf32, #tpu.memory_space<hbm>>
      tpu.wait_dma2 semaphore(%arg11 : memref<!tpu.dma_semaphore, #tpu.memory_space<semaphore_mem>>) src(%dma_wait3A_132 : memref<8x2432xf32, #tpu.memory_space<hbm>>) dst(%dma_wait3A_128 : memref<8x2432xf32, #tpu.memory_space<vmem_shared>>)
      %barrier3A_133 = arith.constant 0 : index
      tpu.barrier barrier_id(%barrier3A_133)
      %dma_start3A_134 = arith.constant 0 : i32
      %dma_start3A_135 = tpu.memref_slice %arg5[%select_n3A, %select_n3A_28, %dma_start3A_134] : memref<2x8x38912xf32, #tpu.memory_space<vmem_shared>> -> memref<1x1x38912xf32, #tpu.memory_space<vmem_shared>>
      %dma_start3A_136 = tpu.memref_squeeze %dma_start3A_135 : memref<1x1x38912xf32, #tpu.memory_space<vmem_shared>> -> memref<38912xf32, #tpu.memory_space<vmem_shared>>
      %dma_start3A_137 = arith.constant 0 : i32
      %dma_start3A_138 = tpu.memref_slice %arg5[%select_n3A, %select_n3A_28, %dma_start3A_137] : memref<2x8x38912xf32, #tpu.memory_space<vmem_shared>> -> memref<1x1x38912xf32, #tpu.memory_space<vmem_shared>>
      %dma_start3A_139 = tpu.memref_squeeze %dma_start3A_138 : memref<1x1x38912xf32, #tpu.memory_space<vmem_shared>> -> memref<38912xf32, #tpu.memory_space<vmem_shared>>
      tpu.enqueue_dma source(%dma_start3A_139 : memref<38912xf32, #tpu.memory_space<vmem_shared>>) target(%arg8 : memref<38912xf32, #tpu.memory_space<vmem>>) target_semaphore(%arg11 : memref<!tpu.dma_semaphore, #tpu.memory_space<semaphore_mem>>)
      %rem3A_140 = arith.constant 8 : i32
      %rem3A_141 = arith.remsi %scan3A_107, %rem3A_140 : i32
      %dma_start3A_142 = arith.constant 0 : i32
      %dma_start3A_143 = tpu.memref_slice %arg6[%rem3A_141, %dma_start3A_142] : memref<8x16384xi32, #tpu.memory_space<vmem_shared>> -> memref<1x16384xi32, #tpu.memory_space<vmem_shared>>
      %dma_start3A_144 = tpu.memref_squeeze %dma_start3A_143 : memref<1x16384xi32, #tpu.memory_space<vmem_shared>> -> memref<16384xi32, #tpu.memory_space<vmem_shared>>
      %dma_start3A_145 = arith.constant 0 : i32
      %dma_start3A_146 = tpu.memref_slice %arg6[%rem3A_141, %dma_start3A_145] : memref<8x16384xi32, #tpu.memory_space<vmem_shared>> -> memref<1x16384xi32, #tpu.memory_space<vmem_shared>>
      %dma_start3A_147 = tpu.memref_squeeze %dma_start3A_146 : memref<1x16384xi32, #tpu.memory_space<vmem_shared>> -> memref<16384xi32, #tpu.memory_space<vmem_shared>>
      tpu.enqueue_dma source(%dma_start3A_147 : memref<16384xi32, #tpu.memory_space<vmem_shared>>) target(%arg9 : memref<16384xi32, #tpu.memory_space<vmem>>) target_semaphore(%arg11 : memref<!tpu.dma_semaphore, #tpu.memory_space<semaphore_mem>>)
      %dma_wait3A_148 = arith.constant 0 : i32
      %dma_wait3A_149 = arith.constant 0 : i32
      %dma_wait3A_150 = arith.constant 0 : i32
      %dma_wait3A_151 = tpu.memref_slice %arg5[%dma_wait3A_148, %dma_wait3A_149, %dma_wait3A_150] : memref<2x8x38912xf32, #tpu.memory_space<vmem_shared>> -> memref<1x1x38912xf32, #tpu.memory_space<vmem_shared>>
      %dma_wait3A_152 = tpu.memref_squeeze %dma_wait3A_151 : memref<1x1x38912xf32, #tpu.memory_space<vmem_shared>> -> memref<38912xf32, #tpu.memory_space<vmem_shared>>
      %dma_wait3A_153 = arith.constant 0 : i32
      %dma_wait3A_154 = tpu.memref_slice %arg5[%dma_wait3A_148, %dma_wait3A_149, %dma_wait3A_153] : memref<2x8x38912xf32, #tpu.memory_space<vmem_shared>> -> memref<1x1x38912xf32, #tpu.memory_space<vmem_shared>>
      %dma_wait3A_155 = tpu.memref_squeeze %dma_wait3A_154 : memref<1x1x38912xf32, #tpu.memory_space<vmem_shared>> -> memref<38912xf32, #tpu.memory_space<vmem_shared>>
      tpu.wait_dma2 semaphore(%arg11 : memref<!tpu.dma_semaphore, #tpu.memory_space<semaphore_mem>>) src(%dma_wait3A_155 : memref<38912xf32, #tpu.memory_space<vmem_shared>>) dst(%arg8 : memref<38912xf32, #tpu.memory_space<vmem>>)
      %dma_wait3A_156 = arith.constant 0 : i32
      %dma_wait3A_157 = arith.constant 0 : i32
      %dma_wait3A_158 = tpu.memref_slice %arg6[%dma_wait3A_156, %dma_wait3A_157] : memref<8x16384xi32, #tpu.memory_space<vmem_shared>> -> memref<1x16384xi32, #tpu.memory_space<vmem_shared>>
      %dma_wait3A_159 = tpu.memref_squeeze %dma_wait3A_158 : memref<1x16384xi32, #tpu.memory_space<vmem_shared>> -> memref<16384xi32, #tpu.memory_space<vmem_shared>>
      %dma_wait3A_160 = arith.constant 0 : i32
      %dma_wait3A_161 = tpu.memref_slice %arg6[%dma_wait3A_156, %dma_wait3A_160] : memref<8x16384xi32, #tpu.memory_space<vmem_shared>> -> memref<1x16384xi32, #tpu.memory_space<vmem_shared>>
      %dma_wait3A_162 = tpu.memref_squeeze %dma_wait3A_161 : memref<1x16384xi32, #tpu.memory_space<vmem_shared>> -> memref<16384xi32, #tpu.memory_space<vmem_shared>>
      tpu.wait_dma2 semaphore(%arg11 : memref<!tpu.dma_semaphore, #tpu.memory_space<semaphore_mem>>) src(%dma_wait3A_162 : memref<16384xi32, #tpu.memory_space<vmem_shared>>) dst(%arg9 : memref<16384xi32, #tpu.memory_space<vmem>>)
      %barrier3A_163 = arith.constant 0 : index
      tpu.barrier barrier_id(%barrier3A_163)
      %lt3A_164 = arith.constant 25 : i32
      %lt3A_165 = arith.cmpi slt, %scan3A_107, %lt3A_164 : i32
      %convert_element_type3A = arith.extui %lt3A_165 : i1 to i32
      %cond3A = arith.constant 0 : i32
      %cond3A_166 = arith.cmpi ne, %convert_element_type3A, %cond3A : i32
      scf.if %cond3A_166 {
        %add3A_283 = arith.constant 1 : i32
        %add3A_284 = arith.addi %scan3A_107, %add3A_283 : i32
        %mul3A_285 = arith.constant 38461 : i32
        %mul3A_286 = arith.muli %add3A_284, %mul3A_285 : i32
        %rem3A_287 = arith.constant 128 : i32
        %rem3A_288 = arith.remsi %mul3A_286, %rem3A_287 : i32
        %sub3A_289 = arith.subi %mul3A_286, %rem3A_288 : i32
        %min3A_290 = arith.constant 961152 : i32
        %min3A_291 = arith.minsi %sub3A_289, %min3A_290 : i32
        %multiple_of3A_292 = tpu.assume_multiple %min3A_291, 128 : i32
        %mul3A_293 = arith.constant 2 : i32
        %mul3A_294 = arith.muli %arg0, %mul3A_293 : i32
        %add3A_295 = arith.constant 0 : i32
        %add3A_296 = arith.addi %mul3A_294, %add3A_295 : i32
        %mul3A_297 = arith.constant 2432 : i32
        %mul3A_298 = arith.muli %arg1, %mul3A_297 : i32
        %add3A_299 = arith.addi %multiple_of3A_292, %mul3A_298 : i32
        %mul3A_300 = arith.constant 2432 : i32
        %mul3A_301 = arith.muli %arg1, %mul3A_300 : i32
        %dma_start3A_302 = arith.constant 0 : i32
        %dma_start3A_303 = arith.constant 0 : i32
        %dma_start3A_304 = tpu.memref_slice %arg5[%dma_start3A_302, %dma_start3A_303, %mul3A_301] : memref<2x8x38912xf32, #tpu.memory_space<vmem_shared>> -> memref<1x8x2432xf32, #tpu.memory_space<vmem_shared>>
        %dma_start3A_305 = tpu.memref_squeeze %dma_start3A_304 : memref<1x8x2432xf32, #tpu.memory_space<vmem_shared>> -> memref<8x2432xf32, #tpu.memory_space<vmem_shared>>
        %dma_start3A_306 = arith.constant 0 : i32
        %dma_start3A_307 = tpu.memref_slice %arg3[%add3A_296, %dma_start3A_306, %add3A_299] : memref<4x8x999986xf32, #tpu.memory_space<hbm>> -> memref<1x8x2432xf32, #tpu.memory_space<hbm>>
        %dma_start3A_308 = tpu.memref_squeeze %dma_start3A_307 : memref<1x8x2432xf32, #tpu.memory_space<hbm>> -> memref<8x2432xf32, #tpu.memory_space<hbm>>
        tpu.enqueue_dma source(%dma_start3A_308 : memref<8x2432xf32, #tpu.memory_space<hbm>>) target(%dma_start3A_305 : memref<8x2432xf32, #tpu.memory_space<vmem_shared>>) target_semaphore(%arg11 : memref<!tpu.dma_semaphore, #tpu.memory_space<semaphore_mem>>)
        %mul3A_309 = arith.constant 2 : i32
        %mul3A_310 = arith.muli %arg0, %mul3A_309 : i32
        %add3A_311 = arith.constant 1 : i32
        %add3A_312 = arith.addi %mul3A_310, %add3A_311 : i32
        %mul3A_313 = arith.constant 2432 : i32
        %mul3A_314 = arith.muli %arg1, %mul3A_313 : i32
        %add3A_315 = arith.addi %multiple_of3A_292, %mul3A_314 : i32
        %mul3A_316 = arith.constant 2432 : i32
        %mul3A_317 = arith.muli %arg1, %mul3A_316 : i32
        %dma_start3A_318 = arith.constant 1 : i32
        %dma_start3A_319 = arith.constant 0 : i32
        %dma_start3A_320 = tpu.memref_slice %arg5[%dma_start3A_318, %dma_start3A_319, %mul3A_317] : memref<2x8x38912xf32, #tpu.memory_space<vmem_shared>> -> memref<1x8x2432xf32, #tpu.memory_space<vmem_shared>>
        %dma_start3A_321 = tpu.memref_squeeze %dma_start3A_320 : memref<1x8x2432xf32, #tpu.memory_space<vmem_shared>> -> memref<8x2432xf32, #tpu.memory_space<vmem_shared>>
        %dma_start3A_322 = arith.constant 0 : i32
        %dma_start3A_323 = tpu.memref_slice %arg3[%add3A_312, %dma_start3A_322, %add3A_315] : memref<4x8x999986xf32, #tpu.memory_space<hbm>> -> memref<1x8x2432xf32, #tpu.memory_space<hbm>>
        %dma_start3A_324 = tpu.memref_squeeze %dma_start3A_323 : memref<1x8x2432xf32, #tpu.memory_space<hbm>> -> memref<8x2432xf32, #tpu.memory_space<hbm>>
        tpu.enqueue_dma source(%dma_start3A_324 : memref<8x2432xf32, #tpu.memory_space<hbm>>) target(%dma_start3A_321 : memref<8x2432xf32, #tpu.memory_space<vmem_shared>>) target_semaphore(%arg11 : memref<!tpu.dma_semaphore, #tpu.memory_space<semaphore_mem>>)
      } else {
      }
      %mul3A_167 = arith.constant 38461 : i32
      %mul3A_168 = arith.muli %scan3A_107, %mul3A_167 : i32
      %mul3A_169 = arith.constant 38461 : i32
      %mul3A_170 = arith.muli %scan3A_107, %mul3A_169 : i32
      %rem3A_171 = arith.constant 128 : i32
      %rem3A_172 = arith.remsi %mul3A_170, %rem3A_171 : i32
      %sub3A_173 = arith.subi %mul3A_170, %rem3A_172 : i32
      %min3A_174 = arith.constant 961152 : i32
      %min3A_175 = arith.minsi %sub3A_173, %min3A_174 : i32
      %multiple_of3A_176 = tpu.assume_multiple %min3A_175, 128 : i32
      %sub3A_177 = arith.subi %mul3A_168, %multiple_of3A_176 : i32
      %parallel_loop3A = arith.constant 0 : i32
      %parallel_loop3A_178 = arith.constant 16384 : i32
      %parallel_loop3A_179 = arith.constant 16 : i32
      scf.for %parallel_loop3A_283 = %parallel_loop3A to %parallel_loop3A_178 step %parallel_loop3A_179  : i32 {
        %parallel_loop3A_284 = arith.index_cast %parallel_loop3A_283 : i32 to index
        %parallel_loop3A_285 = tpu.vector_load %arg9[%parallel_loop3A_284] {strides = array<i32>} : memref<16384xi32, #tpu.memory_space<vmem>>, vector<16xi32>,
        %parallel_loop3A_286 = vector.broadcast %sub3A_177 : i32 to vector<16xi32>
        %parallel_loop3A_287 = arith.addi %parallel_loop3A_285, %parallel_loop3A_286 : vector<16xi32>
        %parallel_loop3A_288 = tpu.vector_load_idx %arg8[%parallel_loop3A_287] : memref<38912xf32, #tpu.memory_space<vmem>>[vector<16xi32>], vector<16xf32>,
        %parallel_loop3A_289 = arith.index_cast %parallel_loop3A_283 : i32 to index
        %parallel_loop3A_290 = tpu.vector_load %arg10[%parallel_loop3A_289] {strides = array<i32>} : memref<16384xf32, #tpu.memory_space<vmem>>, vector<16xf32>,
        tpu.vector_store %arg10[%parallel_loop3A_289], %parallel_loop3A_288 {strides = array<i32>} : memref<16384xf32, #tpu.memory_space<vmem>>, vector<16xf32>,
      } {sc.loop_unroll_factor = 16 : i64, sc.parallel_access}
      %run_scoped3A = arith.constant 0 : i32
      "tpu.region"() ({
        %run_scoped3A_283 = tpu.sem_alloc : memref<!tpu.dma_semaphore, #tpu.memory_space<semaphore_mem>>
        %dma_start3A_284 = arith.constant 0 : i32
        %dma_start3A_285 = tpu.memref_slice %arg10[%dma_start3A_284] : memref<16384xf32, #tpu.memory_space<vmem>> -> memref<4096xf32, #tpu.memory_space<vmem>>
        %dma_start3A_286 = arith.constant 0 : i32
        %dma_start3A_287 = tpu.memref_slice %arg7[%run_scoped3A, %arg1, %dma_start3A_286] : memref<2x16x4096xf32, #tpu.memory_space<vmem_shared>> -> memref<1x1x4096xf32, #tpu.memory_space<vmem_shared>>
        %dma_start3A_288 = tpu.memref_squeeze %dma_start3A_287 : memref<1x1x4096xf32, #tpu.memory_space<vmem_shared>> -> memref<4096xf32, #tpu.memory_space<vmem_shared>>
        %dma_start3A_289 = arith.constant 0 : i32
        %dma_start3A_290 = tpu.memref_slice %arg7[%run_scoped3A, %arg1, %dma_start3A_289] : memref<2x16x4096xf32, #tpu.memory_space<vmem_shared>> -> memref<1x1x4096xf32, #tpu.memory_space<vmem_shared>>
        %dma_start3A_291 = tpu.memref_squeeze %dma_start3A_290 : memref<1x1x4096xf32, #tpu.memory_space<vmem_shared>> -> memref<4096xf32, #tpu.memory_space<vmem_shared>>
        %dma_start3A_292 = arith.constant 0 : i32
        %dma_start3A_293 = tpu.memref_slice %arg10[%dma_start3A_292] : memref<16384xf32, #tpu.memory_space<vmem>> -> memref<4096xf32, #tpu.memory_space<vmem>>
        tpu.enqueue_dma source(%dma_start3A_293 : memref<4096xf32, #tpu.memory_space<vmem>>) target(%dma_start3A_291 : memref<4096xf32, #tpu.memory_space<vmem_shared>>) target_semaphore(%run_scoped3A_283 : memref<!tpu.dma_semaphore, #tpu.memory_space<semaphore_mem>>)
        %dma_wait3A_294 = arith.constant 0 : i32
        %dma_wait3A_295 = tpu.memref_slice %arg10[%dma_wait3A_294] : memref<16384xf32, #tpu.memory_space<vmem>> -> memref<4096xf32, #tpu.memory_space<vmem>>
        %dma_wait3A_296 = arith.constant 0 : i32
        %dma_wait3A_297 = tpu.memref_slice %arg7[%run_scoped3A, %arg1, %dma_wait3A_296] : memref<2x16x4096xf32, #tpu.memory_space<vmem_shared>> -> memref<1x1x4096xf32, #tpu.memory_space<vmem_shared>>
        %dma_wait3A_298 = tpu.memref_squeeze %dma_wait3A_297 : memref<1x1x4096xf32, #tpu.memory_space<vmem_shared>> -> memref<4096xf32, #tpu.memory_space<vmem_shared>>
        %dma_wait3A_299 = arith.constant 0 : i32
        %dma_wait3A_300 = tpu.memref_slice %arg7[%run_scoped3A, %arg1, %dma_wait3A_299] : memref<2x16x4096xf32, #tpu.memory_space<vmem_shared>> -> memref<1x1x4096xf32, #tpu.memory_space<vmem_shared>>
        %dma_wait3A_301 = tpu.memref_squeeze %dma_wait3A_300 : memref<1x1x4096xf32, #tpu.memory_space<vmem_shared>> -> memref<4096xf32, #tpu.memory_space<vmem_shared>>
        %dma_wait3A_302 = arith.constant 0 : i32
        %dma_wait3A_303 = tpu.memref_slice %arg10[%dma_wait3A_302] : memref<16384xf32, #tpu.memory_space<vmem>> -> memref<4096xf32, #tpu.memory_space<vmem>>
        tpu.wait_dma2 semaphore(%run_scoped3A_283 : memref<!tpu.dma_semaphore, #tpu.memory_space<semaphore_mem>>) src(%dma_wait3A_303 : memref<4096xf32, #tpu.memory_space<vmem>>) dst(%dma_wait3A_301 : memref<4096xf32, #tpu.memory_space<vmem_shared>>)
        tpu.yield
      }) : () -> ()
      %barrier3A_180 = arith.constant 0 : index
      tpu.barrier barrier_id(%barrier3A_180)
      %mul3A_181 = arith.constant 256 : i32
      %mul3A_182 = arith.muli %arg1, %mul3A_181 : i32
      %mul3A_183 = arith.constant 16 : i32
      %mul3A_184 = arith.muli %arg0, %mul3A_183 : i32
      %mul3A_185 = arith.constant 256 : i32
      %mul3A_186 = arith.muli %arg1, %mul3A_185 : i32
      %add3A_187 = arith.constant 0 : i32
      %add3A_188 = arith.addi %add3A_187, %mul3A_186 : i32
      %dma_start3A_189 = arith.constant 0 : i32
      %dma_start3A_190 = tpu.memref_slice %arg4[%scan3A_107, %mul3A_184, %add3A_188] : memref<26x32x16384xf32, #tpu.memory_space<hbm>> -> memref<1x16x256xf32, #tpu.memory_space<hbm>>
      %dma_start3A_191 = tpu.memref_squeeze %dma_start3A_190 : memref<1x16x256xf32, #tpu.memory_space<hbm>> -> memref<16x256xf32, #tpu.memory_space<hbm>>
      %dma_start3A_192 = arith.constant 0 : i32
      %dma_start3A_193 = tpu.memref_slice %arg7[%dma_start3A_189, %dma_start3A_192, %mul3A_182] : memref<2x16x4096xf32, #tpu.memory_space<vmem_shared>> -> memref<1x16x256xf32, #tpu.memory_space<vmem_shared>>
      %dma_start3A_194 = tpu.memref_squeeze %dma_start3A_193 : memref<1x16x256xf32, #tpu.memory_space<vmem_shared>> -> memref<16x256xf32, #tpu.memory_space<vmem_shared>>
      tpu.enqueue_dma source(%dma_start3A_194 : memref<16x256xf32, #tpu.memory_space<vmem_shared>>) target(%dma_start3A_191 : memref<16x256xf32, #tpu.memory_space<hbm>>) target_semaphore(%arg12 : memref<!tpu.dma_semaphore, #tpu.memory_space<semaphore_mem>>)
      %run_scoped3A_195 = arith.constant 1 : i32
      "tpu.region"() ({
        %run_scoped3A_283 = tpu.sem_alloc : memref<!tpu.dma_semaphore, #tpu.memory_space<semaphore_mem>>
        %dma_start3A_284 = arith.constant 4096 : i32
        %dma_start3A_285 = tpu.memref_slice %arg10[%dma_start3A_284] : memref<16384xf32, #tpu.memory_space<vmem>> -> memref<4096xf32, #tpu.memory_space<vmem>>
        %dma_start3A_286 = arith.constant 0 : i32
        %dma_start3A_287 = tpu.memref_slice %arg7[%run_scoped3A_195, %arg1, %dma_start3A_286] : memref<2x16x4096xf32, #tpu.memory_space<vmem_shared>> -> memref<1x1x4096xf32, #tpu.memory_space<vmem_shared>>
        %dma_start3A_288 = tpu.memref_squeeze %dma_start3A_287 : memref<1x1x4096xf32, #tpu.memory_space<vmem_shared>> -> memref<4096xf32, #tpu.memory_space<vmem_shared>>
        %dma_start3A_289 = arith.constant 0 : i32
        %dma_start3A_290 = tpu.memref_slice %arg7[%run_scoped3A_195, %arg1, %dma_start3A_289] : memref<2x16x4096xf32, #tpu.memory_space<vmem_shared>> -> memref<1x1x4096xf32, #tpu.memory_space<vmem_shared>>
        %dma_start3A_291 = tpu.memref_squeeze %dma_start3A_290 : memref<1x1x4096xf32, #tpu.memory_space<vmem_shared>> -> memref<4096xf32, #tpu.memory_space<vmem_shared>>
        %dma_start3A_292 = arith.constant 4096 : i32
        %dma_start3A_293 = tpu.memref_slice %arg10[%dma_start3A_292] : memref<16384xf32, #tpu.memory_space<vmem>> -> memref<4096xf32, #tpu.memory_space<vmem>>
        tpu.enqueue_dma source(%dma_start3A_293 : memref<4096xf32, #tpu.memory_space<vmem>>) target(%dma_start3A_291 : memref<4096xf32, #tpu.memory_space<vmem_shared>>) target_semaphore(%run_scoped3A_283 : memref<!tpu.dma_semaphore, #tpu.memory_space<semaphore_mem>>)
        %dma_wait3A_294 = arith.constant 4096 : i32
        %dma_wait3A_295 = tpu.memref_slice %arg10[%dma_wait3A_294] : memref<16384xf32, #tpu.memory_space<vmem>> -> memref<4096xf32, #tpu.memory_space<vmem>>
        %dma_wait3A_296 = arith.constant 0 : i32
        %dma_wait3A_297 = tpu.memref_slice %arg7[%run_scoped3A_195, %arg1, %dma_wait3A_296] : memref<2x16x4096xf32, #tpu.memory_space<vmem_shared>> -> memref<1x1x4096xf32, #tpu.memory_space<vmem_shared>>
        %dma_wait3A_298 = tpu.memref_squeeze %dma_wait3A_297 : memref<1x1x4096xf32, #tpu.memory_space<vmem_shared>> -> memref<4096xf32, #tpu.memory_space<vmem_shared>>
        %dma_wait3A_299 = arith.constant 0 : i32
        %dma_wait3A_300 = tpu.memref_slice %arg7[%run_scoped3A_195, %arg1, %dma_wait3A_299] : memref<2x16x4096xf32, #tpu.memory_space<vmem_shared>> -> memref<1x1x4096xf32, #tpu.memory_space<vmem_shared>>
        %dma_wait3A_301 = tpu.memref_squeeze %dma_wait3A_300 : memref<1x1x4096xf32, #tpu.memory_space<vmem_shared>> -> memref<4096xf32, #tpu.memory_space<vmem_shared>>
        %dma_wait3A_302 = arith.constant 4096 : i32
        %dma_wait3A_303 = tpu.memref_slice %arg10[%dma_wait3A_302] : memref<16384xf32, #tpu.memory_space<vmem>> -> memref<4096xf32, #tpu.memory_space<vmem>>
        tpu.wait_dma2 semaphore(%run_scoped3A_283 : memref<!tpu.dma_semaphore, #tpu.memory_space<semaphore_mem>>) src(%dma_wait3A_303 : memref<4096xf32, #tpu.memory_space<vmem>>) dst(%dma_wait3A_301 : memref<4096xf32, #tpu.memory_space<vmem_shared>>)
        tpu.yield
      }) : () -> ()
      %barrier3A_196 = arith.constant 0 : index
      tpu.barrier barrier_id(%barrier3A_196)
      %mul3A_197 = arith.constant 256 : i32
      %mul3A_198 = arith.muli %arg1, %mul3A_197 : i32
      %mul3A_199 = arith.constant 16 : i32
      %mul3A_200 = arith.muli %arg0, %mul3A_199 : i32
      %mul3A_201 = arith.constant 256 : i32
      %mul3A_202 = arith.muli %arg1, %mul3A_201 : i32
      %add3A_203 = arith.constant 4096 : i32
      %add3A_204 = arith.addi %add3A_203, %mul3A_202 : i32
      %dma_start3A_205 = arith.constant 1 : i32
      %dma_start3A_206 = tpu.memref_slice %arg4[%scan3A_107, %mul3A_200, %add3A_204] : memref<26x32x16384xf32, #tpu.memory_space<hbm>> -> memref<1x16x256xf32, #tpu.memory_space<hbm>>
      %dma_start3A_207 = tpu.memref_squeeze %dma_start3A_206 : memref<1x16x256xf32, #tpu.memory_space<hbm>> -> memref<16x256xf32, #tpu.memory_space<hbm>>
      %dma_start3A_208 = arith.constant 0 : i32
      %dma_start3A_209 = tpu.memref_slice %arg7[%dma_start3A_205, %dma_start3A_208, %mul3A_198] : memref<2x16x4096xf32, #tpu.memory_space<vmem_shared>> -> memref<1x16x256xf32, #tpu.memory_space<vmem_shared>>
      %dma_start3A_210 = tpu.memref_squeeze %dma_start3A_209 : memref<1x16x256xf32, #tpu.memory_space<vmem_shared>> -> memref<16x256xf32, #tpu.memory_space<vmem_shared>>
      tpu.enqueue_dma source(%dma_start3A_210 : memref<16x256xf32, #tpu.memory_space<vmem_shared>>) target(%dma_start3A_207 : memref<16x256xf32, #tpu.memory_space<hbm>>) target_semaphore(%arg13 : memref<!tpu.dma_semaphore, #tpu.memory_space<semaphore_mem>>)
      %mul3A_211 = arith.constant 16 : i32
      %mul3A_212 = arith.muli %arg0, %mul3A_211 : i32
      %dma_wait3A_213 = arith.constant 0 : i32
      %dma_wait3A_214 = arith.constant 0 : i32
      %dma_wait3A_215 = tpu.memref_slice %arg4[%scan3A_107, %mul3A_212, %dma_wait3A_214] : memref<26x32x16384xf32, #tpu.memory_space<hbm>> -> memref<1x16x256xf32, #tpu.memory_space<hbm>>
      %dma_wait3A_216 = tpu.memref_squeeze %dma_wait3A_215 : memref<1x16x256xf32, #tpu.memory_space<hbm>> -> memref<16x256xf32, #tpu.memory_space<hbm>>
      %dma_wait3A_217 = arith.constant 0 : i32
      %dma_wait3A_218 = arith.constant 0 : i32
      %dma_wait3A_219 = tpu.memref_slice %arg7[%dma_wait3A_213, %dma_wait3A_217, %dma_wait3A_218] : memref<2x16x4096xf32, #tpu.memory_space<vmem_shared>> -> memref<1x16x256xf32, #tpu.memory_space<vmem_shared>>
      %dma_wait3A_220 = tpu.memref_squeeze %dma_wait3A_219 : memref<1x16x256xf32, #tpu.memory_space<vmem_shared>> -> memref<16x256xf32, #tpu.memory_space<vmem_shared>>
      tpu.wait_dma2 semaphore(%arg12 : memref<!tpu.dma_semaphore, #tpu.memory_space<semaphore_mem>>) src(%dma_wait3A_220 : memref<16x256xf32, #tpu.memory_space<vmem_shared>>) dst(%dma_wait3A_216 : memref<16x256xf32, #tpu.memory_space<hbm>>)
      %run_scoped3A_221 = arith.constant 0 : i32
      "tpu.region"() ({
        %run_scoped3A_283 = tpu.sem_alloc : memref<!tpu.dma_semaphore, #tpu.memory_space<semaphore_mem>>
        %dma_start3A_284 = arith.constant 8192 : i32
        %dma_start3A_285 = tpu.memref_slice %arg10[%dma_start3A_284] : memref<16384xf32, #tpu.memory_space<vmem>> -> memref<4096xf32, #tpu.memory_space<vmem>>
        %dma_start3A_286 = arith.constant 0 : i32
        %dma_start3A_287 = tpu.memref_slice %arg7[%run_scoped3A_221, %arg1, %dma_start3A_286] : memref<2x16x4096xf32, #tpu.memory_space<vmem_shared>> -> memref<1x1x4096xf32, #tpu.memory_space<vmem_shared>>
        %dma_start3A_288 = tpu.memref_squeeze %dma_start3A_287 : memref<1x1x4096xf32, #tpu.memory_space<vmem_shared>> -> memref<4096xf32, #tpu.memory_space<vmem_shared>>
        %dma_start3A_289 = arith.constant 0 : i32
        %dma_start3A_290 = tpu.memref_slice %arg7[%run_scoped3A_221, %arg1, %dma_start3A_289] : memref<2x16x4096xf32, #tpu.memory_space<vmem_shared>> -> memref<1x1x4096xf32, #tpu.memory_space<vmem_shared>>
        %dma_start3A_291 = tpu.memref_squeeze %dma_start3A_290 : memref<1x1x4096xf32, #tpu.memory_space<vmem_shared>> -> memref<4096xf32, #tpu.memory_space<vmem_shared>>
        %dma_start3A_292 = arith.constant 8192 : i32
        %dma_start3A_293 = tpu.memref_slice %arg10[%dma_start3A_292] : memref<16384xf32, #tpu.memory_space<vmem>> -> memref<4096xf32, #tpu.memory_space<vmem>>
        tpu.enqueue_dma source(%dma_start3A_293 : memref<4096xf32, #tpu.memory_space<vmem>>) target(%dma_start3A_291 : memref<4096xf32, #tpu.memory_space<vmem_shared>>) target_semaphore(%run_scoped3A_283 : memref<!tpu.dma_semaphore, #tpu.memory_space<semaphore_mem>>)
        %dma_wait3A_294 = arith.constant 8192 : i32
        %dma_wait3A_295 = tpu.memref_slice %arg10[%dma_wait3A_294] : memref<16384xf32, #tpu.memory_space<vmem>> -> memref<4096xf32, #tpu.memory_space<vmem>>
        %dma_wait3A_296 = arith.constant 0 : i32
        %dma_wait3A_297 = tpu.memref_slice %arg7[%run_scoped3A_221, %arg1, %dma_wait3A_296] : memref<2x16x4096xf32, #tpu.memory_space<vmem_shared>> -> memref<1x1x4096xf32, #tpu.memory_space<vmem_shared>>
        %dma_wait3A_298 = tpu.memref_squeeze %dma_wait3A_297 : memref<1x1x4096xf32, #tpu.memory_space<vmem_shared>> -> memref<4096xf32, #tpu.memory_space<vmem_shared>>
        %dma_wait3A_299 = arith.constant 0 : i32
        %dma_wait3A_300 = tpu.memref_slice %arg7[%run_scoped3A_221, %arg1, %dma_wait3A_299] : memref<2x16x4096xf32, #tpu.memory_space<vmem_shared>> -> memref<1x1x4096xf32, #tpu.memory_space<vmem_shared>>
        %dma_wait3A_301 = tpu.memref_squeeze %dma_wait3A_300 : memref<1x1x4096xf32, #tpu.memory_space<vmem_shared>> -> memref<4096xf32, #tpu.memory_space<vmem_shared>>
        %dma_wait3A_302 = arith.constant 8192 : i32
        %dma_wait3A_303 = tpu.memref_slice %arg10[%dma_wait3A_302] : memref<16384xf32, #tpu.memory_space<vmem>> -> memref<4096xf32, #tpu.memory_space<vmem>>
        tpu.wait_dma2 semaphore(%run_scoped3A_283 : memref<!tpu.dma_semaphore, #tpu.memory_space<semaphore_mem>>) src(%dma_wait3A_303 : memref<4096xf32, #tpu.memory_space<vmem>>) dst(%dma_wait3A_301 : memref<4096xf32, #tpu.memory_space<vmem_shared>>)
        tpu.yield
      }) : () -> ()
      %barrier3A_222 = arith.constant 0 : index
      tpu.barrier barrier_id(%barrier3A_222)
      %mul3A_223 = arith.constant 256 : i32
      %mul3A_224 = arith.muli %arg1, %mul3A_223 : i32
      %mul3A_225 = arith.constant 16 : i32
      %mul3A_226 = arith.muli %arg0, %mul3A_225 : i32
      %mul3A_227 = arith.constant 256 : i32
      %mul3A_228 = arith.muli %arg1, %mul3A_227 : i32
      %add3A_229 = arith.constant 8192 : i32
      %add3A_230 = arith.addi %add3A_229, %mul3A_228 : i32
      %dma_start3A_231 = arith.constant 0 : i32
      %dma_start3A_232 = tpu.memref_slice %arg4[%scan3A_107, %mul3A_226, %add3A_230] : memref<26x32x16384xf32, #tpu.memory_space<hbm>> -> memref<1x16x256xf32, #tpu.memory_space<hbm>>
      %dma_start3A_233 = tpu.memref_squeeze %dma_start3A_232 : memref<1x16x256xf32, #tpu.memory_space<hbm>> -> memref<16x256xf32, #tpu.memory_space<hbm>>
      %dma_start3A_234 = arith.constant 0 : i32
      %dma_start3A_235 = tpu.memref_slice %arg7[%dma_start3A_231, %dma_start3A_234, %mul3A_224] : memref<2x16x4096xf32, #tpu.memory_space<vmem_shared>> -> memref<1x16x256xf32, #tpu.memory_space<vmem_shared>>
      %dma_start3A_236 = tpu.memref_squeeze %dma_start3A_235 : memref<1x16x256xf32, #tpu.memory_space<vmem_shared>> -> memref<16x256xf32, #tpu.memory_space<vmem_shared>>
      tpu.enqueue_dma source(%dma_start3A_236 : memref<16x256xf32, #tpu.memory_space<vmem_shared>>) target(%dma_start3A_233 : memref<16x256xf32, #tpu.memory_space<hbm>>) target_semaphore(%arg12 : memref<!tpu.dma_semaphore, #tpu.memory_space<semaphore_mem>>)
      %mul3A_237 = arith.constant 16 : i32
      %mul3A_238 = arith.muli %arg0, %mul3A_237 : i32
      %dma_wait3A_239 = arith.constant 1 : i32
      %dma_wait3A_240 = arith.constant 0 : i32
      %dma_wait3A_241 = tpu.memref_slice %arg4[%scan3A_107, %mul3A_238, %dma_wait3A_240] : memref<26x32x16384xf32, #tpu.memory_space<hbm>> -> memref<1x16x256xf32, #tpu.memory_space<hbm>>
      %dma_wait3A_242 = tpu.memref_squeeze %dma_wait3A_241 : memref<1x16x256xf32, #tpu.memory_space<hbm>> -> memref<16x256xf32, #tpu.memory_space<hbm>>
      %dma_wait3A_243 = arith.constant 0 : i32
      %dma_wait3A_244 = arith.constant 0 : i32
      %dma_wait3A_245 = tpu.memref_slice %arg7[%dma_wait3A_239, %dma_wait3A_243, %dma_wait3A_244] : memref<2x16x4096xf32, #tpu.memory_space<vmem_shared>> -> memref<1x16x256xf32, #tpu.memory_space<vmem_shared>>
      %dma_wait3A_246 = tpu.memref_squeeze %dma_wait3A_245 : memref<1x16x256xf32, #tpu.memory_space<vmem_shared>> -> memref<16x256xf32, #tpu.memory_space<vmem_shared>>
      tpu.wait_dma2 semaphore(%arg13 : memref<!tpu.dma_semaphore, #tpu.memory_space<semaphore_mem>>) src(%dma_wait3A_246 : memref<16x256xf32, #tpu.memory_space<vmem_shared>>) dst(%dma_wait3A_242 : memref<16x256xf32, #tpu.memory_space<hbm>>)
      %run_scoped3A_247 = arith.constant 1 : i32
      "tpu.region"() ({
        %run_scoped3A_283 = tpu.sem_alloc : memref<!tpu.dma_semaphore, #tpu.memory_space<semaphore_mem>>
        %dma_start3A_284 = arith.constant 12288 : i32
        %dma_start3A_285 = tpu.memref_slice %arg10[%dma_start3A_284] : memref<16384xf32, #tpu.memory_space<vmem>> -> memref<4096xf32, #tpu.memory_space<vmem>>
        %dma_start3A_286 = arith.constant 0 : i32
        %dma_start3A_287 = tpu.memref_slice %arg7[%run_scoped3A_247, %arg1, %dma_start3A_286] : memref<2x16x4096xf32, #tpu.memory_space<vmem_shared>> -> memref<1x1x4096xf32, #tpu.memory_space<vmem_shared>>
        %dma_start3A_288 = tpu.memref_squeeze %dma_start3A_287 : memref<1x1x4096xf32, #tpu.memory_space<vmem_shared>> -> memref<4096xf32, #tpu.memory_space<vmem_shared>>
        %dma_start3A_289 = arith.constant 0 : i32
        %dma_start3A_290 = tpu.memref_slice %arg7[%run_scoped3A_247, %arg1, %dma_start3A_289] : memref<2x16x4096xf32, #tpu.memory_space<vmem_shared>> -> memref<1x1x4096xf32, #tpu.memory_space<vmem_shared>>
        %dma_start3A_291 = tpu.memref_squeeze %dma_start3A_290 : memref<1x1x4096xf32, #tpu.memory_space<vmem_shared>> -> memref<4096xf32, #tpu.memory_space<vmem_shared>>
        %dma_start3A_292 = arith.constant 12288 : i32
        %dma_start3A_293 = tpu.memref_slice %arg10[%dma_start3A_292] : memref<16384xf32, #tpu.memory_space<vmem>> -> memref<4096xf32, #tpu.memory_space<vmem>>
        tpu.enqueue_dma source(%dma_start3A_293 : memref<4096xf32, #tpu.memory_space<vmem>>) target(%dma_start3A_291 : memref<4096xf32, #tpu.memory_space<vmem_shared>>) target_semaphore(%run_scoped3A_283 : memref<!tpu.dma_semaphore, #tpu.memory_space<semaphore_mem>>)
        %dma_wait3A_294 = arith.constant 12288 : i32
        %dma_wait3A_295 = tpu.memref_slice %arg10[%dma_wait3A_294] : memref<16384xf32, #tpu.memory_space<vmem>> -> memref<4096xf32, #tpu.memory_space<vmem>>
        %dma_wait3A_296 = arith.constant 0 : i32
        %dma_wait3A_297 = tpu.memref_slice %arg7[%run_scoped3A_247, %arg1, %dma_wait3A_296] : memref<2x16x4096xf32, #tpu.memory_space<vmem_shared>> -> memref<1x1x4096xf32, #tpu.memory_space<vmem_shared>>
        %dma_wait3A_298 = tpu.memref_squeeze %dma_wait3A_297 : memref<1x1x4096xf32, #tpu.memory_space<vmem_shared>> -> memref<4096xf32, #tpu.memory_space<vmem_shared>>
        %dma_wait3A_299 = arith.constant 0 : i32
        %dma_wait3A_300 = tpu.memref_slice %arg7[%run_scoped3A_247, %arg1, %dma_wait3A_299] : memref<2x16x4096xf32, #tpu.memory_space<vmem_shared>> -> memref<1x1x4096xf32, #tpu.memory_space<vmem_shared>>
        %dma_wait3A_301 = tpu.memref_squeeze %dma_wait3A_300 : memref<1x1x4096xf32, #tpu.memory_space<vmem_shared>> -> memref<4096xf32, #tpu.memory_space<vmem_shared>>
        %dma_wait3A_302 = arith.constant 12288 : i32
        %dma_wait3A_303 = tpu.memref_slice %arg10[%dma_wait3A_302] : memref<16384xf32, #tpu.memory_space<vmem>> -> memref<4096xf32, #tpu.memory_space<vmem>>
        tpu.wait_dma2 semaphore(%run_scoped3A_283 : memref<!tpu.dma_semaphore, #tpu.memory_space<semaphore_mem>>) src(%dma_wait3A_303 : memref<4096xf32, #tpu.memory_space<vmem>>) dst(%dma_wait3A_301 : memref<4096xf32, #tpu.memory_space<vmem_shared>>)
        tpu.yield
      }) : () -> ()
      %barrier3A_248 = arith.constant 0 : index
      tpu.barrier barrier_id(%barrier3A_248)
      %mul3A_249 = arith.constant 256 : i32
      %mul3A_250 = arith.muli %arg1, %mul3A_249 : i32
      %mul3A_251 = arith.constant 16 : i32
      %mul3A_252 = arith.muli %arg0, %mul3A_251 : i32
      %mul3A_253 = arith.constant 256 : i32
      %mul3A_254 = arith.muli %arg1, %mul3A_253 : i32
      %add3A_255 = arith.constant 12288 : i32
      %add3A_256 = arith.addi %add3A_255, %mul3A_254 : i32
      %dma_start3A_257 = arith.constant 1 : i32
      %dma_start3A_258 = tpu.memref_slice %arg4[%scan3A_107, %mul3A_252, %add3A_256] : memref<26x32x16384xf32, #tpu.memory_space<hbm>> -> memref<1x16x256xf32, #tpu.memory_space<hbm>>
      %dma_start3A_259 = tpu.memref_squeeze %dma_start3A_258 : memref<1x16x256xf32, #tpu.memory_space<hbm>> -> memref<16x256xf32, #tpu.memory_space<hbm>>
      %dma_start3A_260 = arith.constant 0 : i32
      %dma_start3A_261 = tpu.memref_slice %arg7[%dma_start3A_257, %dma_start3A_260, %mul3A_250] : memref<2x16x4096xf32, #tpu.memory_space<vmem_shared>> -> memref<1x16x256xf32, #tpu.memory_space<vmem_shared>>
      %dma_start3A_262 = tpu.memref_squeeze %dma_start3A_261 : memref<1x16x256xf32, #tpu.memory_space<vmem_shared>> -> memref<16x256xf32, #tpu.memory_space<vmem_shared>>
      tpu.enqueue_dma source(%dma_start3A_262 : memref<16x256xf32, #tpu.memory_space<vmem_shared>>) target(%dma_start3A_259 : memref<16x256xf32, #tpu.memory_space<hbm>>) target_semaphore(%arg13 : memref<!tpu.dma_semaphore, #tpu.memory_space<semaphore_mem>>)
      %mul3A_263 = arith.constant 16 : i32
      %mul3A_264 = arith.muli %arg0, %mul3A_263 : i32
      %dma_wait3A_265 = arith.constant 0 : i32
      %dma_wait3A_266 = arith.constant 0 : i32
      %dma_wait3A_267 = tpu.memref_slice %arg4[%scan3A_107, %mul3A_264, %dma_wait3A_266] : memref<26x32x16384xf32, #tpu.memory_space<hbm>> -> memref<1x16x256xf32, #tpu.memory_space<hbm>>
      %dma_wait3A_268 = tpu.memref_squeeze %dma_wait3A_267 : memref<1x16x256xf32, #tpu.memory_space<hbm>> -> memref<16x256xf32, #tpu.memory_space<hbm>>
      %dma_wait3A_269 = arith.constant 0 : i32
      %dma_wait3A_270 = arith.constant 0 : i32
      %dma_wait3A_271 = tpu.memref_slice %arg7[%dma_wait3A_265, %dma_wait3A_269, %dma_wait3A_270] : memref<2x16x4096xf32, #tpu.memory_space<vmem_shared>> -> memref<1x16x256xf32, #tpu.memory_space<vmem_shared>>
      %dma_wait3A_272 = tpu.memref_squeeze %dma_wait3A_271 : memref<1x16x256xf32, #tpu.memory_space<vmem_shared>> -> memref<16x256xf32, #tpu.memory_space<vmem_shared>>
      tpu.wait_dma2 semaphore(%arg12 : memref<!tpu.dma_semaphore, #tpu.memory_space<semaphore_mem>>) src(%dma_wait3A_272 : memref<16x256xf32, #tpu.memory_space<vmem_shared>>) dst(%dma_wait3A_268 : memref<16x256xf32, #tpu.memory_space<hbm>>)
      %mul3A_273 = arith.constant 16 : i32
      %mul3A_274 = arith.muli %arg0, %mul3A_273 : i32
      %dma_wait3A_275 = arith.constant 1 : i32
      %dma_wait3A_276 = arith.constant 0 : i32
      %dma_wait3A_277 = tpu.memref_slice %arg4[%scan3A_107, %mul3A_274, %dma_wait3A_276] : memref<26x32x16384xf32, #tpu.memory_space<hbm>> -> memref<1x16x256xf32, #tpu.memory_space<hbm>>
      %dma_wait3A_278 = tpu.memref_squeeze %dma_wait3A_277 : memref<1x16x256xf32, #tpu.memory_space<hbm>> -> memref<16x256xf32, #tpu.memory_space<hbm>>
      %dma_wait3A_279 = arith.constant 0 : i32
      %dma_wait3A_280 = arith.constant 0 : i32
      %dma_wait3A_281 = tpu.memref_slice %arg7[%dma_wait3A_275, %dma_wait3A_279, %dma_wait3A_280] : memref<2x16x4096xf32, #tpu.memory_space<vmem_shared>> -> memref<1x16x256xf32, #tpu.memory_space<vmem_shared>>
      %dma_wait3A_282 = tpu.memref_squeeze %dma_wait3A_281 : memref<1x16x256xf32, #tpu.memory_space<vmem_shared>> -> memref<16x256xf32, #tpu.memory_space<vmem_shared>>
      tpu.wait_dma2 semaphore(%arg13 : memref<!tpu.dma_semaphore, #tpu.memory_space<semaphore_mem>>) src(%dma_wait3A_282 : memref<16x256xf32, #tpu.memory_space<vmem_shared>>) dst(%dma_wait3A_278 : memref<16x256xf32, #tpu.memory_space<hbm>>)
    }
    %scan3A_73 = arith.constant 8 : i32
    %mul3A_74 = arith.constant 1024 : i32
    %mul3A_75 = arith.muli %arg1, %mul3A_74 : i32
    %mul3A_76 = arith.constant 1024 : i32
    %mul3A_77 = arith.muli %arg1, %mul3A_76 : i32
    "tpu.region"() ({
      %run_scoped3A = tpu.sem_alloc : memref<!tpu.dma_semaphore, #tpu.memory_space<semaphore_mem>>
      %dma_start3A_107 = arith.constant 0 : i32
      %dma_start3A_108 = tpu.memref_slice %arg6[%dma_start3A_107, %mul3A_77] : memref<8x16384xi32, #tpu.memory_space<vmem_shared>> -> memref<8x1024xi32, #tpu.memory_space<vmem_shared>>
      %dma_start3A_109 = arith.constant 8 : i32
      %dma_start3A_110 = tpu.memref_slice %arg2[%dma_start3A_109, %mul3A_75] : memref<26x16384xi32, #tpu.memory_space<hbm>> -> memref<8x1024xi32, #tpu.memory_space<hbm>>
      tpu.enqueue_dma source(%dma_start3A_110 : memref<8x1024xi32, #tpu.memory_space<hbm>>) target(%dma_start3A_108 : memref<8x1024xi32, #tpu.memory_space<vmem_shared>>) target_semaphore(%run_scoped3A : memref<!tpu.dma_semaphore, #tpu.memory_space<semaphore_mem>>)
      %dma_wait3A = arith.constant 0 : i32
      %dma_wait3A_111 = tpu.memref_slice %arg6[%dma_wait3A, %mul3A_77] : memref<8x16384xi32, #tpu.memory_space<vmem_shared>> -> memref<8x1024xi32, #tpu.memory_space<vmem_shared>>
      %dma_wait3A_112 = arith.constant 8 : i32
      %dma_wait3A_113 = tpu.memref_slice %arg2[%dma_wait3A_112, %mul3A_75] : memref<26x16384xi32, #tpu.memory_space<hbm>> -> memref<8x1024xi32, #tpu.memory_space<hbm>>
      tpu.wait_dma2 semaphore(%run_scoped3A : memref<!tpu.dma_semaphore, #tpu.memory_space<semaphore_mem>>) src(%dma_wait3A_113 : memref<8x1024xi32, #tpu.memory_space<hbm>>) dst(%dma_wait3A_111 : memref<8x1024xi32, #tpu.memory_space<vmem_shared>>)
      tpu.yield
    }) : () -> ()
    %barrier3A_78 = arith.constant 0 : index
    tpu.barrier barrier_id(%barrier3A_78)
    %scan3A_79 = arith.constant 0 : i32
    %scan3A_80 = arith.constant 8 : i32
    %scan3A_81 = arith.constant 8 : i32
    %scan3A_82 = arith.addi %scan3A_80, %scan3A_81 : i32
    %scan3A_83 = arith.constant 1 : i32
    scf.for %scan3A_107 = %scan3A_80 to %scan3A_82 step %scan3A_83  : i32 {
      %mul3A_108 = arith.constant 2 : i32
      %mul3A_109 = arith.muli %arg0, %mul3A_108 : i32
      %add3A_110 = arith.constant 0 : i32
      %add3A_111 = arith.addi %mul3A_109, %add3A_110 : i32
      %dma_wait3A = arith.constant 0 : i32
      %dma_wait3A_112 = arith.constant 0 : i32
      %dma_wait3A_113 = arith.constant 0 : i32
      %dma_wait3A_114 = tpu.memref_slice %arg5[%dma_wait3A, %dma_wait3A_112, %dma_wait3A_113] : memref<2x8x38912xf32, #tpu.memory_space<vmem_shared>> -> memref<1x8x2432xf32, #tpu.memory_space<vmem_shared>>
      %dma_wait3A_115 = tpu.memref_squeeze %dma_wait3A_114 : memref<1x8x2432xf32, #tpu.memory_space<vmem_shared>> -> memref<8x2432xf32, #tpu.memory_space<vmem_shared>>
      %dma_wait3A_116 = arith.constant 0 : i32
      %dma_wait3A_117 = arith.constant 0 : i32
      %dma_wait3A_118 = tpu.memref_slice %arg3[%add3A_111, %dma_wait3A_116, %dma_wait3A_117] : memref<4x8x999986xf32, #tpu.memory_space<hbm>> -> memref<1x8x2432xf32, #tpu.memory_space<hbm>>
      %dma_wait3A_119 = tpu.memref_squeeze %dma_wait3A_118 : memref<1x8x2432xf32, #tpu.memory_space<hbm>> -> memref<8x2432xf32, #tpu.memory_space<hbm>>
      tpu.wait_dma2 semaphore(%arg11 : memref<!tpu.dma_semaphore, #tpu.memory_space<semaphore_mem>>) src(%dma_wait3A_119 : memref<8x2432xf32, #tpu.memory_space<hbm>>) dst(%dma_wait3A_115 : memref<8x2432xf32, #tpu.memory_space<vmem_shared>>)
      %mul3A_120 = arith.constant 2 : i32
      %mul3A_121 = arith.muli %arg0, %mul3A_120 : i32
      %add3A_122 = arith.constant 1 : i32
      %add3A_123 = arith.addi %mul3A_121, %add3A_122 : i32
      %dma_wait3A_124 = arith.constant 1 : i32
      %dma_wait3A_125 = arith.constant 0 : i32
      %dma_wait3A_126 = arith.constant 0 : i32
      %dma_wait3A_127 = tpu.memref_slice %arg5[%dma_wait3A_124, %dma_wait3A_125, %dma_wait3A_126] : memref<2x8x38912xf32, #tpu.memory_space<vmem_shared>> -> memref<1x8x2432xf32, #tpu.memory_space<vmem_shared>>
      %dma_wait3A_128 = tpu.memref_squeeze %dma_wait3A_127 : memref<1x8x2432xf32, #tpu.memory_space<vmem_shared>> -> memref<8x2432xf32, #tpu.memory_space<vmem_shared>>
      %dma_wait3A_129 = arith.constant 0 : i32
      %dma_wait3A_130 = arith.constant 0 : i32
      %dma_wait3A_131 = tpu.memref_slice %arg3[%add3A_123, %dma_wait3A_129, %dma_wait3A_130] : memref<4x8x999986xf32, #tpu.memory_space<hbm>> -> memref<1x8x2432xf32, #tpu.memory_space<hbm>>
      %dma_wait3A_132 = tpu.memref_squeeze %dma_wait3A_131 : memref<1x8x2432xf32, #tpu.memory_space<hbm>> -> memref<8x2432xf32, #tpu.memory_space<hbm>>
      tpu.wait_dma2 semaphore(%arg11 : memref<!tpu.dma_semaphore, #tpu.memory_space<semaphore_mem>>) src(%dma_wait3A_132 : memref<8x2432xf32, #tpu.memory_space<hbm>>) dst(%dma_wait3A_128 : memref<8x2432xf32, #tpu.memory_space<vmem_shared>>)
      %barrier3A_133 = arith.constant 0 : index
      tpu.barrier barrier_id(%barrier3A_133)
      %dma_start3A_134 = arith.constant 0 : i32
      %dma_start3A_135 = tpu.memref_slice %arg5[%select_n3A, %select_n3A_28, %dma_start3A_134] : memref<2x8x38912xf32, #tpu.memory_space<vmem_shared>> -> memref<1x1x38912xf32, #tpu.memory_space<vmem_shared>>
      %dma_start3A_136 = tpu.memref_squeeze %dma_start3A_135 : memref<1x1x38912xf32, #tpu.memory_space<vmem_shared>> -> memref<38912xf32, #tpu.memory_space<vmem_shared>>
      %dma_start3A_137 = arith.constant 0 : i32
      %dma_start3A_138 = tpu.memref_slice %arg5[%select_n3A, %select_n3A_28, %dma_start3A_137] : memref<2x8x38912xf32, #tpu.memory_space<vmem_shared>> -> memref<1x1x38912xf32, #tpu.memory_space<vmem_shared>>
      %dma_start3A_139 = tpu.memref_squeeze %dma_start3A_138 : memref<1x1x38912xf32, #tpu.memory_space<vmem_shared>> -> memref<38912xf32, #tpu.memory_space<vmem_shared>>
      tpu.enqueue_dma source(%dma_start3A_139 : memref<38912xf32, #tpu.memory_space<vmem_shared>>) target(%arg8 : memref<38912xf32, #tpu.memory_space<vmem>>) target_semaphore(%arg11 : memref<!tpu.dma_semaphore, #tpu.memory_space<semaphore_mem>>)
      %rem3A_140 = arith.constant 8 : i32
      %rem3A_141 = arith.remsi %scan3A_107, %rem3A_140 : i32
      %dma_start3A_142 = arith.constant 0 : i32
      %dma_start3A_143 = tpu.memref_slice %arg6[%rem3A_141, %dma_start3A_142] : memref<8x16384xi32, #tpu.memory_space<vmem_shared>> -> memref<1x16384xi32, #tpu.memory_space<vmem_shared>>
      %dma_start3A_144 = tpu.memref_squeeze %dma_start3A_143 : memref<1x16384xi32, #tpu.memory_space<vmem_shared>> -> memref<16384xi32, #tpu.memory_space<vmem_shared>>
      %dma_start3A_145 = arith.constant 0 : i32
      %dma_start3A_146 = tpu.memref_slice %arg6[%rem3A_141, %dma_start3A_145] : memref<8x16384xi32, #tpu.memory_space<vmem_shared>> -> memref<1x16384xi32, #tpu.memory_space<vmem_shared>>
      %dma_start3A_147 = tpu.memref_squeeze %dma_start3A_146 : memref<1x16384xi32, #tpu.memory_space<vmem_shared>> -> memref<16384xi32, #tpu.memory_space<vmem_shared>>
      tpu.enqueue_dma source(%dma_start3A_147 : memref<16384xi32, #tpu.memory_space<vmem_shared>>) target(%arg9 : memref<16384xi32, #tpu.memory_space<vmem>>) target_semaphore(%arg11 : memref<!tpu.dma_semaphore, #tpu.memory_space<semaphore_mem>>)
      %dma_wait3A_148 = arith.constant 0 : i32
      %dma_wait3A_149 = arith.constant 0 : i32
      %dma_wait3A_150 = arith.constant 0 : i32
      %dma_wait3A_151 = tpu.memref_slice %arg5[%dma_wait3A_148, %dma_wait3A_149, %dma_wait3A_150] : memref<2x8x38912xf32, #tpu.memory_space<vmem_shared>> -> memref<1x1x38912xf32, #tpu.memory_space<vmem_shared>>
      %dma_wait3A_152 = tpu.memref_squeeze %dma_wait3A_151 : memref<1x1x38912xf32, #tpu.memory_space<vmem_shared>> -> memref<38912xf32, #tpu.memory_space<vmem_shared>>
      %dma_wait3A_153 = arith.constant 0 : i32
      %dma_wait3A_154 = tpu.memref_slice %arg5[%dma_wait3A_148, %dma_wait3A_149, %dma_wait3A_153] : memref<2x8x38912xf32, #tpu.memory_space<vmem_shared>> -> memref<1x1x38912xf32, #tpu.memory_space<vmem_shared>>
      %dma_wait3A_155 = tpu.memref_squeeze %dma_wait3A_154 : memref<1x1x38912xf32, #tpu.memory_space<vmem_shared>> -> memref<38912xf32, #tpu.memory_space<vmem_shared>>
      tpu.wait_dma2 semaphore(%arg11 : memref<!tpu.dma_semaphore, #tpu.memory_space<semaphore_mem>>) src(%dma_wait3A_155 : memref<38912xf32, #tpu.memory_space<vmem_shared>>) dst(%arg8 : memref<38912xf32, #tpu.memory_space<vmem>>)
      %dma_wait3A_156 = arith.constant 0 : i32
      %dma_wait3A_157 = arith.constant 0 : i32
      %dma_wait3A_158 = tpu.memref_slice %arg6[%dma_wait3A_156, %dma_wait3A_157] : memref<8x16384xi32, #tpu.memory_space<vmem_shared>> -> memref<1x16384xi32, #tpu.memory_space<vmem_shared>>
      %dma_wait3A_159 = tpu.memref_squeeze %dma_wait3A_158 : memref<1x16384xi32, #tpu.memory_space<vmem_shared>> -> memref<16384xi32, #tpu.memory_space<vmem_shared>>
      %dma_wait3A_160 = arith.constant 0 : i32
      %dma_wait3A_161 = tpu.memref_slice %arg6[%dma_wait3A_156, %dma_wait3A_160] : memref<8x16384xi32, #tpu.memory_space<vmem_shared>> -> memref<1x16384xi32, #tpu.memory_space<vmem_shared>>
      %dma_wait3A_162 = tpu.memref_squeeze %dma_wait3A_161 : memref<1x16384xi32, #tpu.memory_space<vmem_shared>> -> memref<16384xi32, #tpu.memory_space<vmem_shared>>
      tpu.wait_dma2 semaphore(%arg11 : memref<!tpu.dma_semaphore, #tpu.memory_space<semaphore_mem>>) src(%dma_wait3A_162 : memref<16384xi32, #tpu.memory_space<vmem_shared>>) dst(%arg9 : memref<16384xi32, #tpu.memory_space<vmem>>)
      %barrier3A_163 = arith.constant 0 : index
      tpu.barrier barrier_id(%barrier3A_163)
      %lt3A_164 = arith.constant 25 : i32
      %lt3A_165 = arith.cmpi slt, %scan3A_107, %lt3A_164 : i32
      %convert_element_type3A = arith.extui %lt3A_165 : i1 to i32
      %cond3A = arith.constant 0 : i32
      %cond3A_166 = arith.cmpi ne, %convert_element_type3A, %cond3A : i32
      scf.if %cond3A_166 {
        %add3A_283 = arith.constant 1 : i32
        %add3A_284 = arith.addi %scan3A_107, %add3A_283 : i32
        %mul3A_285 = arith.constant 38461 : i32
        %mul3A_286 = arith.muli %add3A_284, %mul3A_285 : i32
        %rem3A_287 = arith.constant 128 : i32
        %rem3A_288 = arith.remsi %mul3A_286, %rem3A_287 : i32
        %sub3A_289 = arith.subi %mul3A_286, %rem3A_288 : i32
        %min3A_290 = arith.constant 961152 : i32
        %min3A_291 = arith.minsi %sub3A_289, %min3A_290 : i32
        %multiple_of3A_292 = tpu.assume_multiple %min3A_291, 128 : i32
        %mul3A_293 = arith.constant 2 : i32
        %mul3A_294 = arith.muli %arg0, %mul3A_293 : i32
        %add3A_295 = arith.constant 0 : i32
        %add3A_296 = arith.addi %mul3A_294, %add3A_295 : i32
        %mul3A_297 = arith.constant 2432 : i32
        %mul3A_298 = arith.muli %arg1, %mul3A_297 : i32
        %add3A_299 = arith.addi %multiple_of3A_292, %mul3A_298 : i32
        %mul3A_300 = arith.constant 2432 : i32
        %mul3A_301 = arith.muli %arg1, %mul3A_300 : i32
        %dma_start3A_302 = arith.constant 0 : i32
        %dma_start3A_303 = arith.constant 0 : i32
        %dma_start3A_304 = tpu.memref_slice %arg5[%dma_start3A_302, %dma_start3A_303, %mul3A_301] : memref<2x8x38912xf32, #tpu.memory_space<vmem_shared>> -> memref<1x8x2432xf32, #tpu.memory_space<vmem_shared>>
        %dma_start3A_305 = tpu.memref_squeeze %dma_start3A_304 : memref<1x8x2432xf32, #tpu.memory_space<vmem_shared>> -> memref<8x2432xf32, #tpu.memory_space<vmem_shared>>
        %dma_start3A_306 = arith.constant 0 : i32
        %dma_start3A_307 = tpu.memref_slice %arg3[%add3A_296, %dma_start3A_306, %add3A_299] : memref<4x8x999986xf32, #tpu.memory_space<hbm>> -> memref<1x8x2432xf32, #tpu.memory_space<hbm>>
        %dma_start3A_308 = tpu.memref_squeeze %dma_start3A_307 : memref<1x8x2432xf32, #tpu.memory_space<hbm>> -> memref<8x2432xf32, #tpu.memory_space<hbm>>
        tpu.enqueue_dma source(%dma_start3A_308 : memref<8x2432xf32, #tpu.memory_space<hbm>>) target(%dma_start3A_305 : memref<8x2432xf32, #tpu.memory_space<vmem_shared>>) target_semaphore(%arg11 : memref<!tpu.dma_semaphore, #tpu.memory_space<semaphore_mem>>)
        %mul3A_309 = arith.constant 2 : i32
        %mul3A_310 = arith.muli %arg0, %mul3A_309 : i32
        %add3A_311 = arith.constant 1 : i32
        %add3A_312 = arith.addi %mul3A_310, %add3A_311 : i32
        %mul3A_313 = arith.constant 2432 : i32
        %mul3A_314 = arith.muli %arg1, %mul3A_313 : i32
        %add3A_315 = arith.addi %multiple_of3A_292, %mul3A_314 : i32
        %mul3A_316 = arith.constant 2432 : i32
        %mul3A_317 = arith.muli %arg1, %mul3A_316 : i32
        %dma_start3A_318 = arith.constant 1 : i32
        %dma_start3A_319 = arith.constant 0 : i32
        %dma_start3A_320 = tpu.memref_slice %arg5[%dma_start3A_318, %dma_start3A_319, %mul3A_317] : memref<2x8x38912xf32, #tpu.memory_space<vmem_shared>> -> memref<1x8x2432xf32, #tpu.memory_space<vmem_shared>>
        %dma_start3A_321 = tpu.memref_squeeze %dma_start3A_320 : memref<1x8x2432xf32, #tpu.memory_space<vmem_shared>> -> memref<8x2432xf32, #tpu.memory_space<vmem_shared>>
        %dma_start3A_322 = arith.constant 0 : i32
        %dma_start3A_323 = tpu.memref_slice %arg3[%add3A_312, %dma_start3A_322, %add3A_315] : memref<4x8x999986xf32, #tpu.memory_space<hbm>> -> memref<1x8x2432xf32, #tpu.memory_space<hbm>>
        %dma_start3A_324 = tpu.memref_squeeze %dma_start3A_323 : memref<1x8x2432xf32, #tpu.memory_space<hbm>> -> memref<8x2432xf32, #tpu.memory_space<hbm>>
        tpu.enqueue_dma source(%dma_start3A_324 : memref<8x2432xf32, #tpu.memory_space<hbm>>) target(%dma_start3A_321 : memref<8x2432xf32, #tpu.memory_space<vmem_shared>>) target_semaphore(%arg11 : memref<!tpu.dma_semaphore, #tpu.memory_space<semaphore_mem>>)
      } else {
      }
      %mul3A_167 = arith.constant 38461 : i32
      %mul3A_168 = arith.muli %scan3A_107, %mul3A_167 : i32
      %mul3A_169 = arith.constant 38461 : i32
      %mul3A_170 = arith.muli %scan3A_107, %mul3A_169 : i32
      %rem3A_171 = arith.constant 128 : i32
      %rem3A_172 = arith.remsi %mul3A_170, %rem3A_171 : i32
      %sub3A_173 = arith.subi %mul3A_170, %rem3A_172 : i32
      %min3A_174 = arith.constant 961152 : i32
      %min3A_175 = arith.minsi %sub3A_173, %min3A_174 : i32
      %multiple_of3A_176 = tpu.assume_multiple %min3A_175, 128 : i32
      %sub3A_177 = arith.subi %mul3A_168, %multiple_of3A_176 : i32
      %parallel_loop3A = arith.constant 0 : i32
      %parallel_loop3A_178 = arith.constant 16384 : i32
      %parallel_loop3A_179 = arith.constant 16 : i32
      scf.for %parallel_loop3A_283 = %parallel_loop3A to %parallel_loop3A_178 step %parallel_loop3A_179  : i32 {
        %parallel_loop3A_284 = arith.index_cast %parallel_loop3A_283 : i32 to index
        %parallel_loop3A_285 = tpu.vector_load %arg9[%parallel_loop3A_284] {strides = array<i32>} : memref<16384xi32, #tpu.memory_space<vmem>>, vector<16xi32>,
        %parallel_loop3A_286 = vector.broadcast %sub3A_177 : i32 to vector<16xi32>
        %parallel_loop3A_287 = arith.addi %parallel_loop3A_285, %parallel_loop3A_286 : vector<16xi32>
        %parallel_loop3A_288 = tpu.vector_load_idx %arg8[%parallel_loop3A_287] : memref<38912xf32, #tpu.memory_space<vmem>>[vector<16xi32>], vector<16xf32>,
        %parallel_loop3A_289 = arith.index_cast %parallel_loop3A_283 : i32 to index
        %parallel_loop3A_290 = tpu.vector_load %arg10[%parallel_loop3A_289] {strides = array<i32>} : memref<16384xf32, #tpu.memory_space<vmem>>, vector<16xf32>,
        tpu.vector_store %arg10[%parallel_loop3A_289], %parallel_loop3A_288 {strides = array<i32>} : memref<16384xf32, #tpu.memory_space<vmem>>, vector<16xf32>,
      } {sc.loop_unroll_factor = 16 : i64, sc.parallel_access}
      %run_scoped3A = arith.constant 0 : i32
      "tpu.region"() ({
        %run_scoped3A_283 = tpu.sem_alloc : memref<!tpu.dma_semaphore, #tpu.memory_space<semaphore_mem>>
        %dma_start3A_284 = arith.constant 0 : i32
        %dma_start3A_285 = tpu.memref_slice %arg10[%dma_start3A_284] : memref<16384xf32, #tpu.memory_space<vmem>> -> memref<4096xf32, #tpu.memory_space<vmem>>
        %dma_start3A_286 = arith.constant 0 : i32
        %dma_start3A_287 = tpu.memref_slice %arg7[%run_scoped3A, %arg1, %dma_start3A_286] : memref<2x16x4096xf32, #tpu.memory_space<vmem_shared>> -> memref<1x1x4096xf32, #tpu.memory_space<vmem_shared>>
        %dma_start3A_288 = tpu.memref_squeeze %dma_start3A_287 : memref<1x1x4096xf32, #tpu.memory_space<vmem_shared>> -> memref<4096xf32, #tpu.memory_space<vmem_shared>>
        %dma_start3A_289 = arith.constant 0 : i32
        %dma_start3A_290 = tpu.memref_slice %arg7[%run_scoped3A, %arg1, %dma_start3A_289] : memref<2x16x4096xf32, #tpu.memory_space<vmem_shared>> -> memref<1x1x4096xf32, #tpu.memory_space<vmem_shared>>
        %dma_start3A_291 = tpu.memref_squeeze %dma_start3A_290 : memref<1x1x4096xf32, #tpu.memory_space<vmem_shared>> -> memref<4096xf32, #tpu.memory_space<vmem_shared>>
        %dma_start3A_292 = arith.constant 0 : i32
        %dma_start3A_293 = tpu.memref_slice %arg10[%dma_start3A_292] : memref<16384xf32, #tpu.memory_space<vmem>> -> memref<4096xf32, #tpu.memory_space<vmem>>
        tpu.enqueue_dma source(%dma_start3A_293 : memref<4096xf32, #tpu.memory_space<vmem>>) target(%dma_start3A_291 : memref<4096xf32, #tpu.memory_space<vmem_shared>>) target_semaphore(%run_scoped3A_283 : memref<!tpu.dma_semaphore, #tpu.memory_space<semaphore_mem>>)
        %dma_wait3A_294 = arith.constant 0 : i32
        %dma_wait3A_295 = tpu.memref_slice %arg10[%dma_wait3A_294] : memref<16384xf32, #tpu.memory_space<vmem>> -> memref<4096xf32, #tpu.memory_space<vmem>>
        %dma_wait3A_296 = arith.constant 0 : i32
        %dma_wait3A_297 = tpu.memref_slice %arg7[%run_scoped3A, %arg1, %dma_wait3A_296] : memref<2x16x4096xf32, #tpu.memory_space<vmem_shared>> -> memref<1x1x4096xf32, #tpu.memory_space<vmem_shared>>
        %dma_wait3A_298 = tpu.memref_squeeze %dma_wait3A_297 : memref<1x1x4096xf32, #tpu.memory_space<vmem_shared>> -> memref<4096xf32, #tpu.memory_space<vmem_shared>>
        %dma_wait3A_299 = arith.constant 0 : i32
        %dma_wait3A_300 = tpu.memref_slice %arg7[%run_scoped3A, %arg1, %dma_wait3A_299] : memref<2x16x4096xf32, #tpu.memory_space<vmem_shared>> -> memref<1x1x4096xf32, #tpu.memory_space<vmem_shared>>
        %dma_wait3A_301 = tpu.memref_squeeze %dma_wait3A_300 : memref<1x1x4096xf32, #tpu.memory_space<vmem_shared>> -> memref<4096xf32, #tpu.memory_space<vmem_shared>>
        %dma_wait3A_302 = arith.constant 0 : i32
        %dma_wait3A_303 = tpu.memref_slice %arg10[%dma_wait3A_302] : memref<16384xf32, #tpu.memory_space<vmem>> -> memref<4096xf32, #tpu.memory_space<vmem>>
        tpu.wait_dma2 semaphore(%run_scoped3A_283 : memref<!tpu.dma_semaphore, #tpu.memory_space<semaphore_mem>>) src(%dma_wait3A_303 : memref<4096xf32, #tpu.memory_space<vmem>>) dst(%dma_wait3A_301 : memref<4096xf32, #tpu.memory_space<vmem_shared>>)
        tpu.yield
      }) : () -> ()
      %barrier3A_180 = arith.constant 0 : index
      tpu.barrier barrier_id(%barrier3A_180)
      %mul3A_181 = arith.constant 256 : i32
      %mul3A_182 = arith.muli %arg1, %mul3A_181 : i32
      %mul3A_183 = arith.constant 16 : i32
      %mul3A_184 = arith.muli %arg0, %mul3A_183 : i32
      %mul3A_185 = arith.constant 256 : i32
      %mul3A_186 = arith.muli %arg1, %mul3A_185 : i32
      %add3A_187 = arith.constant 0 : i32
      %add3A_188 = arith.addi %add3A_187, %mul3A_186 : i32
      %dma_start3A_189 = arith.constant 0 : i32
      %dma_start3A_190 = tpu.memref_slice %arg4[%scan3A_107, %mul3A_184, %add3A_188] : memref<26x32x16384xf32, #tpu.memory_space<hbm>> -> memref<1x16x256xf32, #tpu.memory_space<hbm>>
      %dma_start3A_191 = tpu.memref_squeeze %dma_start3A_190 : memref<1x16x256xf32, #tpu.memory_space<hbm>> -> memref<16x256xf32, #tpu.memory_space<hbm>>
      %dma_start3A_192 = arith.constant 0 : i32
      %dma_start3A_193 = tpu.memref_slice %arg7[%dma_start3A_189, %dma_start3A_192, %mul3A_182] : memref<2x16x4096xf32, #tpu.memory_space<vmem_shared>> -> memref<1x16x256xf32, #tpu.memory_space<vmem_shared>>
      %dma_start3A_194 = tpu.memref_squeeze %dma_start3A_193 : memref<1x16x256xf32, #tpu.memory_space<vmem_shared>> -> memref<16x256xf32, #tpu.memory_space<vmem_shared>>
      tpu.enqueue_dma source(%dma_start3A_194 : memref<16x256xf32, #tpu.memory_space<vmem_shared>>) target(%dma_start3A_191 : memref<16x256xf32, #tpu.memory_space<hbm>>) target_semaphore(%arg12 : memref<!tpu.dma_semaphore, #tpu.memory_space<semaphore_mem>>)
      %run_scoped3A_195 = arith.constant 1 : i32
      "tpu.region"() ({
        %run_scoped3A_283 = tpu.sem_alloc : memref<!tpu.dma_semaphore, #tpu.memory_space<semaphore_mem>>
        %dma_start3A_284 = arith.constant 4096 : i32
        %dma_start3A_285 = tpu.memref_slice %arg10[%dma_start3A_284] : memref<16384xf32, #tpu.memory_space<vmem>> -> memref<4096xf32, #tpu.memory_space<vmem>>
        %dma_start3A_286 = arith.constant 0 : i32
        %dma_start3A_287 = tpu.memref_slice %arg7[%run_scoped3A_195, %arg1, %dma_start3A_286] : memref<2x16x4096xf32, #tpu.memory_space<vmem_shared>> -> memref<1x1x4096xf32, #tpu.memory_space<vmem_shared>>
        %dma_start3A_288 = tpu.memref_squeeze %dma_start3A_287 : memref<1x1x4096xf32, #tpu.memory_space<vmem_shared>> -> memref<4096xf32, #tpu.memory_space<vmem_shared>>
        %dma_start3A_289 = arith.constant 0 : i32
        %dma_start3A_290 = tpu.memref_slice %arg7[%run_scoped3A_195, %arg1, %dma_start3A_289] : memref<2x16x4096xf32, #tpu.memory_space<vmem_shared>> -> memref<1x1x4096xf32, #tpu.memory_space<vmem_shared>>
        %dma_start3A_291 = tpu.memref_squeeze %dma_start3A_290 : memref<1x1x4096xf32, #tpu.memory_space<vmem_shared>> -> memref<4096xf32, #tpu.memory_space<vmem_shared>>
        %dma_start3A_292 = arith.constant 4096 : i32
        %dma_start3A_293 = tpu.memref_slice %arg10[%dma_start3A_292] : memref<16384xf32, #tpu.memory_space<vmem>> -> memref<4096xf32, #tpu.memory_space<vmem>>
        tpu.enqueue_dma source(%dma_start3A_293 : memref<4096xf32, #tpu.memory_space<vmem>>) target(%dma_start3A_291 : memref<4096xf32, #tpu.memory_space<vmem_shared>>) target_semaphore(%run_scoped3A_283 : memref<!tpu.dma_semaphore, #tpu.memory_space<semaphore_mem>>)
        %dma_wait3A_294 = arith.constant 4096 : i32
        %dma_wait3A_295 = tpu.memref_slice %arg10[%dma_wait3A_294] : memref<16384xf32, #tpu.memory_space<vmem>> -> memref<4096xf32, #tpu.memory_space<vmem>>
        %dma_wait3A_296 = arith.constant 0 : i32
        %dma_wait3A_297 = tpu.memref_slice %arg7[%run_scoped3A_195, %arg1, %dma_wait3A_296] : memref<2x16x4096xf32, #tpu.memory_space<vmem_shared>> -> memref<1x1x4096xf32, #tpu.memory_space<vmem_shared>>
        %dma_wait3A_298 = tpu.memref_squeeze %dma_wait3A_297 : memref<1x1x4096xf32, #tpu.memory_space<vmem_shared>> -> memref<4096xf32, #tpu.memory_space<vmem_shared>>
        %dma_wait3A_299 = arith.constant 0 : i32
        %dma_wait3A_300 = tpu.memref_slice %arg7[%run_scoped3A_195, %arg1, %dma_wait3A_299] : memref<2x16x4096xf32, #tpu.memory_space<vmem_shared>> -> memref<1x1x4096xf32, #tpu.memory_space<vmem_shared>>
        %dma_wait3A_301 = tpu.memref_squeeze %dma_wait3A_300 : memref<1x1x4096xf32, #tpu.memory_space<vmem_shared>> -> memref<4096xf32, #tpu.memory_space<vmem_shared>>
        %dma_wait3A_302 = arith.constant 4096 : i32
        %dma_wait3A_303 = tpu.memref_slice %arg10[%dma_wait3A_302] : memref<16384xf32, #tpu.memory_space<vmem>> -> memref<4096xf32, #tpu.memory_space<vmem>>
        tpu.wait_dma2 semaphore(%run_scoped3A_283 : memref<!tpu.dma_semaphore, #tpu.memory_space<semaphore_mem>>) src(%dma_wait3A_303 : memref<4096xf32, #tpu.memory_space<vmem>>) dst(%dma_wait3A_301 : memref<4096xf32, #tpu.memory_space<vmem_shared>>)
        tpu.yield
      }) : () -> ()
      %barrier3A_196 = arith.constant 0 : index
      tpu.barrier barrier_id(%barrier3A_196)
      %mul3A_197 = arith.constant 256 : i32
      %mul3A_198 = arith.muli %arg1, %mul3A_197 : i32
      %mul3A_199 = arith.constant 16 : i32
      %mul3A_200 = arith.muli %arg0, %mul3A_199 : i32
      %mul3A_201 = arith.constant 256 : i32
      %mul3A_202 = arith.muli %arg1, %mul3A_201 : i32
      %add3A_203 = arith.constant 4096 : i32
      %add3A_204 = arith.addi %add3A_203, %mul3A_202 : i32
      %dma_start3A_205 = arith.constant 1 : i32
      %dma_start3A_206 = tpu.memref_slice %arg4[%scan3A_107, %mul3A_200, %add3A_204] : memref<26x32x16384xf32, #tpu.memory_space<hbm>> -> memref<1x16x256xf32, #tpu.memory_space<hbm>>
      %dma_start3A_207 = tpu.memref_squeeze %dma_start3A_206 : memref<1x16x256xf32, #tpu.memory_space<hbm>> -> memref<16x256xf32, #tpu.memory_space<hbm>>
      %dma_start3A_208 = arith.constant 0 : i32
      %dma_start3A_209 = tpu.memref_slice %arg7[%dma_start3A_205, %dma_start3A_208, %mul3A_198] : memref<2x16x4096xf32, #tpu.memory_space<vmem_shared>> -> memref<1x16x256xf32, #tpu.memory_space<vmem_shared>>
      %dma_start3A_210 = tpu.memref_squeeze %dma_start3A_209 : memref<1x16x256xf32, #tpu.memory_space<vmem_shared>> -> memref<16x256xf32, #tpu.memory_space<vmem_shared>>
      tpu.enqueue_dma source(%dma_start3A_210 : memref<16x256xf32, #tpu.memory_space<vmem_shared>>) target(%dma_start3A_207 : memref<16x256xf32, #tpu.memory_space<hbm>>) target_semaphore(%arg13 : memref<!tpu.dma_semaphore, #tpu.memory_space<semaphore_mem>>)
      %mul3A_211 = arith.constant 16 : i32
      %mul3A_212 = arith.muli %arg0, %mul3A_211 : i32
      %dma_wait3A_213 = arith.constant 0 : i32
      %dma_wait3A_214 = arith.constant 0 : i32
      %dma_wait3A_215 = tpu.memref_slice %arg4[%scan3A_107, %mul3A_212, %dma_wait3A_214] : memref<26x32x16384xf32, #tpu.memory_space<hbm>> -> memref<1x16x256xf32, #tpu.memory_space<hbm>>
      %dma_wait3A_216 = tpu.memref_squeeze %dma_wait3A_215 : memref<1x16x256xf32, #tpu.memory_space<hbm>> -> memref<16x256xf32, #tpu.memory_space<hbm>>
      %dma_wait3A_217 = arith.constant 0 : i32
      %dma_wait3A_218 = arith.constant 0 : i32
      %dma_wait3A_219 = tpu.memref_slice %arg7[%dma_wait3A_213, %dma_wait3A_217, %dma_wait3A_218] : memref<2x16x4096xf32, #tpu.memory_space<vmem_shared>> -> memref<1x16x256xf32, #tpu.memory_space<vmem_shared>>
      %dma_wait3A_220 = tpu.memref_squeeze %dma_wait3A_219 : memref<1x16x256xf32, #tpu.memory_space<vmem_shared>> -> memref<16x256xf32, #tpu.memory_space<vmem_shared>>
      tpu.wait_dma2 semaphore(%arg12 : memref<!tpu.dma_semaphore, #tpu.memory_space<semaphore_mem>>) src(%dma_wait3A_220 : memref<16x256xf32, #tpu.memory_space<vmem_shared>>) dst(%dma_wait3A_216 : memref<16x256xf32, #tpu.memory_space<hbm>>)
      %run_scoped3A_221 = arith.constant 0 : i32
      "tpu.region"() ({
        %run_scoped3A_283 = tpu.sem_alloc : memref<!tpu.dma_semaphore, #tpu.memory_space<semaphore_mem>>
        %dma_start3A_284 = arith.constant 8192 : i32
        %dma_start3A_285 = tpu.memref_slice %arg10[%dma_start3A_284] : memref<16384xf32, #tpu.memory_space<vmem>> -> memref<4096xf32, #tpu.memory_space<vmem>>
        %dma_start3A_286 = arith.constant 0 : i32
        %dma_start3A_287 = tpu.memref_slice %arg7[%run_scoped3A_221, %arg1, %dma_start3A_286] : memref<2x16x4096xf32, #tpu.memory_space<vmem_shared>> -> memref<1x1x4096xf32, #tpu.memory_space<vmem_shared>>
        %dma_start3A_288 = tpu.memref_squeeze %dma_start3A_287 : memref<1x1x4096xf32, #tpu.memory_space<vmem_shared>> -> memref<4096xf32, #tpu.memory_space<vmem_shared>>
        %dma_start3A_289 = arith.constant 0 : i32
        %dma_start3A_290 = tpu.memref_slice %arg7[%run_scoped3A_221, %arg1, %dma_start3A_289] : memref<2x16x4096xf32, #tpu.memory_space<vmem_shared>> -> memref<1x1x4096xf32, #tpu.memory_space<vmem_shared>>
        %dma_start3A_291 = tpu.memref_squeeze %dma_start3A_290 : memref<1x1x4096xf32, #tpu.memory_space<vmem_shared>> -> memref<4096xf32, #tpu.memory_space<vmem_shared>>
        %dma_start3A_292 = arith.constant 8192 : i32
        %dma_start3A_293 = tpu.memref_slice %arg10[%dma_start3A_292] : memref<16384xf32, #tpu.memory_space<vmem>> -> memref<4096xf32, #tpu.memory_space<vmem>>
        tpu.enqueue_dma source(%dma_start3A_293 : memref<4096xf32, #tpu.memory_space<vmem>>) target(%dma_start3A_291 : memref<4096xf32, #tpu.memory_space<vmem_shared>>) target_semaphore(%run_scoped3A_283 : memref<!tpu.dma_semaphore, #tpu.memory_space<semaphore_mem>>)
        %dma_wait3A_294 = arith.constant 8192 : i32
        %dma_wait3A_295 = tpu.memref_slice %arg10[%dma_wait3A_294] : memref<16384xf32, #tpu.memory_space<vmem>> -> memref<4096xf32, #tpu.memory_space<vmem>>
        %dma_wait3A_296 = arith.constant 0 : i32
        %dma_wait3A_297 = tpu.memref_slice %arg7[%run_scoped3A_221, %arg1, %dma_wait3A_296] : memref<2x16x4096xf32, #tpu.memory_space<vmem_shared>> -> memref<1x1x4096xf32, #tpu.memory_space<vmem_shared>>
        %dma_wait3A_298 = tpu.memref_squeeze %dma_wait3A_297 : memref<1x1x4096xf32, #tpu.memory_space<vmem_shared>> -> memref<4096xf32, #tpu.memory_space<vmem_shared>>
        %dma_wait3A_299 = arith.constant 0 : i32
        %dma_wait3A_300 = tpu.memref_slice %arg7[%run_scoped3A_221, %arg1, %dma_wait3A_299] : memref<2x16x4096xf32, #tpu.memory_space<vmem_shared>> -> memref<1x1x4096xf32, #tpu.memory_space<vmem_shared>>
        %dma_wait3A_301 = tpu.memref_squeeze %dma_wait3A_300 : memref<1x1x4096xf32, #tpu.memory_space<vmem_shared>> -> memref<4096xf32, #tpu.memory_space<vmem_shared>>
        %dma_wait3A_302 = arith.constant 8192 : i32
        %dma_wait3A_303 = tpu.memref_slice %arg10[%dma_wait3A_302] : memref<16384xf32, #tpu.memory_space<vmem>> -> memref<4096xf32, #tpu.memory_space<vmem>>
        tpu.wait_dma2 semaphore(%run_scoped3A_283 : memref<!tpu.dma_semaphore, #tpu.memory_space<semaphore_mem>>) src(%dma_wait3A_303 : memref<4096xf32, #tpu.memory_space<vmem>>) dst(%dma_wait3A_301 : memref<4096xf32, #tpu.memory_space<vmem_shared>>)
        tpu.yield
      }) : () -> ()
      %barrier3A_222 = arith.constant 0 : index
      tpu.barrier barrier_id(%barrier3A_222)
      %mul3A_223 = arith.constant 256 : i32
      %mul3A_224 = arith.muli %arg1, %mul3A_223 : i32
      %mul3A_225 = arith.constant 16 : i32
      %mul3A_226 = arith.muli %arg0, %mul3A_225 : i32
      %mul3A_227 = arith.constant 256 : i32
      %mul3A_228 = arith.muli %arg1, %mul3A_227 : i32
      %add3A_229 = arith.constant 8192 : i32
      %add3A_230 = arith.addi %add3A_229, %mul3A_228 : i32
      %dma_start3A_231 = arith.constant 0 : i32
      %dma_start3A_232 = tpu.memref_slice %arg4[%scan3A_107, %mul3A_226, %add3A_230] : memref<26x32x16384xf32, #tpu.memory_space<hbm>> -> memref<1x16x256xf32, #tpu.memory_space<hbm>>
      %dma_start3A_233 = tpu.memref_squeeze %dma_start3A_232 : memref<1x16x256xf32, #tpu.memory_space<hbm>> -> memref<16x256xf32, #tpu.memory_space<hbm>>
      %dma_start3A_234 = arith.constant 0 : i32
      %dma_start3A_235 = tpu.memref_slice %arg7[%dma_start3A_231, %dma_start3A_234, %mul3A_224] : memref<2x16x4096xf32, #tpu.memory_space<vmem_shared>> -> memref<1x16x256xf32, #tpu.memory_space<vmem_shared>>
      %dma_start3A_236 = tpu.memref_squeeze %dma_start3A_235 : memref<1x16x256xf32, #tpu.memory_space<vmem_shared>> -> memref<16x256xf32, #tpu.memory_space<vmem_shared>>
      tpu.enqueue_dma source(%dma_start3A_236 : memref<16x256xf32, #tpu.memory_space<vmem_shared>>) target(%dma_start3A_233 : memref<16x256xf32, #tpu.memory_space<hbm>>) target_semaphore(%arg12 : memref<!tpu.dma_semaphore, #tpu.memory_space<semaphore_mem>>)
      %mul3A_237 = arith.constant 16 : i32
      %mul3A_238 = arith.muli %arg0, %mul3A_237 : i32
      %dma_wait3A_239 = arith.constant 1 : i32
      %dma_wait3A_240 = arith.constant 0 : i32
      %dma_wait3A_241 = tpu.memref_slice %arg4[%scan3A_107, %mul3A_238, %dma_wait3A_240] : memref<26x32x16384xf32, #tpu.memory_space<hbm>> -> memref<1x16x256xf32, #tpu.memory_space<hbm>>
      %dma_wait3A_242 = tpu.memref_squeeze %dma_wait3A_241 : memref<1x16x256xf32, #tpu.memory_space<hbm>> -> memref<16x256xf32, #tpu.memory_space<hbm>>
      %dma_wait3A_243 = arith.constant 0 : i32
      %dma_wait3A_244 = arith.constant 0 : i32
      %dma_wait3A_245 = tpu.memref_slice %arg7[%dma_wait3A_239, %dma_wait3A_243, %dma_wait3A_244] : memref<2x16x4096xf32, #tpu.memory_space<vmem_shared>> -> memref<1x16x256xf32, #tpu.memory_space<vmem_shared>>
      %dma_wait3A_246 = tpu.memref_squeeze %dma_wait3A_245 : memref<1x16x256xf32, #tpu.memory_space<vmem_shared>> -> memref<16x256xf32, #tpu.memory_space<vmem_shared>>
      tpu.wait_dma2 semaphore(%arg13 : memref<!tpu.dma_semaphore, #tpu.memory_space<semaphore_mem>>) src(%dma_wait3A_246 : memref<16x256xf32, #tpu.memory_space<vmem_shared>>) dst(%dma_wait3A_242 : memref<16x256xf32, #tpu.memory_space<hbm>>)
      %run_scoped3A_247 = arith.constant 1 : i32
      "tpu.region"() ({
        %run_scoped3A_283 = tpu.sem_alloc : memref<!tpu.dma_semaphore, #tpu.memory_space<semaphore_mem>>
        %dma_start3A_284 = arith.constant 12288 : i32
        %dma_start3A_285 = tpu.memref_slice %arg10[%dma_start3A_284] : memref<16384xf32, #tpu.memory_space<vmem>> -> memref<4096xf32, #tpu.memory_space<vmem>>
        %dma_start3A_286 = arith.constant 0 : i32
        %dma_start3A_287 = tpu.memref_slice %arg7[%run_scoped3A_247, %arg1, %dma_start3A_286] : memref<2x16x4096xf32, #tpu.memory_space<vmem_shared>> -> memref<1x1x4096xf32, #tpu.memory_space<vmem_shared>>
        %dma_start3A_288 = tpu.memref_squeeze %dma_start3A_287 : memref<1x1x4096xf32, #tpu.memory_space<vmem_shared>> -> memref<4096xf32, #tpu.memory_space<vmem_shared>>
        %dma_start3A_289 = arith.constant 0 : i32
        %dma_start3A_290 = tpu.memref_slice %arg7[%run_scoped3A_247, %arg1, %dma_start3A_289] : memref<2x16x4096xf32, #tpu.memory_space<vmem_shared>> -> memref<1x1x4096xf32, #tpu.memory_space<vmem_shared>>
        %dma_start3A_291 = tpu.memref_squeeze %dma_start3A_290 : memref<1x1x4096xf32, #tpu.memory_space<vmem_shared>> -> memref<4096xf32, #tpu.memory_space<vmem_shared>>
        %dma_start3A_292 = arith.constant 12288 : i32
        %dma_start3A_293 = tpu.memref_slice %arg10[%dma_start3A_292] : memref<16384xf32, #tpu.memory_space<vmem>> -> memref<4096xf32, #tpu.memory_space<vmem>>
        tpu.enqueue_dma source(%dma_start3A_293 : memref<4096xf32, #tpu.memory_space<vmem>>) target(%dma_start3A_291 : memref<4096xf32, #tpu.memory_space<vmem_shared>>) target_semaphore(%run_scoped3A_283 : memref<!tpu.dma_semaphore, #tpu.memory_space<semaphore_mem>>)
        %dma_wait3A_294 = arith.constant 12288 : i32
        %dma_wait3A_295 = tpu.memref_slice %arg10[%dma_wait3A_294] : memref<16384xf32, #tpu.memory_space<vmem>> -> memref<4096xf32, #tpu.memory_space<vmem>>
        %dma_wait3A_296 = arith.constant 0 : i32
        %dma_wait3A_297 = tpu.memref_slice %arg7[%run_scoped3A_247, %arg1, %dma_wait3A_296] : memref<2x16x4096xf32, #tpu.memory_space<vmem_shared>> -> memref<1x1x4096xf32, #tpu.memory_space<vmem_shared>>
        %dma_wait3A_298 = tpu.memref_squeeze %dma_wait3A_297 : memref<1x1x4096xf32, #tpu.memory_space<vmem_shared>> -> memref<4096xf32, #tpu.memory_space<vmem_shared>>
        %dma_wait3A_299 = arith.constant 0 : i32
        %dma_wait3A_300 = tpu.memref_slice %arg7[%run_scoped3A_247, %arg1, %dma_wait3A_299] : memref<2x16x4096xf32, #tpu.memory_space<vmem_shared>> -> memref<1x1x4096xf32, #tpu.memory_space<vmem_shared>>
        %dma_wait3A_301 = tpu.memref_squeeze %dma_wait3A_300 : memref<1x1x4096xf32, #tpu.memory_space<vmem_shared>> -> memref<4096xf32, #tpu.memory_space<vmem_shared>>
        %dma_wait3A_302 = arith.constant 12288 : i32
        %dma_wait3A_303 = tpu.memref_slice %arg10[%dma_wait3A_302] : memref<16384xf32, #tpu.memory_space<vmem>> -> memref<4096xf32, #tpu.memory_space<vmem>>
        tpu.wait_dma2 semaphore(%run_scoped3A_283 : memref<!tpu.dma_semaphore, #tpu.memory_space<semaphore_mem>>) src(%dma_wait3A_303 : memref<4096xf32, #tpu.memory_space<vmem>>) dst(%dma_wait3A_301 : memref<4096xf32, #tpu.memory_space<vmem_shared>>)
        tpu.yield
      }) : () -> ()
      %barrier3A_248 = arith.constant 0 : index
      tpu.barrier barrier_id(%barrier3A_248)
      %mul3A_249 = arith.constant 256 : i32
      %mul3A_250 = arith.muli %arg1, %mul3A_249 : i32
      %mul3A_251 = arith.constant 16 : i32
      %mul3A_252 = arith.muli %arg0, %mul3A_251 : i32
      %mul3A_253 = arith.constant 256 : i32
      %mul3A_254 = arith.muli %arg1, %mul3A_253 : i32
      %add3A_255 = arith.constant 12288 : i32
      %add3A_256 = arith.addi %add3A_255, %mul3A_254 : i32
      %dma_start3A_257 = arith.constant 1 : i32
      %dma_start3A_258 = tpu.memref_slice %arg4[%scan3A_107, %mul3A_252, %add3A_256] : memref<26x32x16384xf32, #tpu.memory_space<hbm>> -> memref<1x16x256xf32, #tpu.memory_space<hbm>>
      %dma_start3A_259 = tpu.memref_squeeze %dma_start3A_258 : memref<1x16x256xf32, #tpu.memory_space<hbm>> -> memref<16x256xf32, #tpu.memory_space<hbm>>
      %dma_start3A_260 = arith.constant 0 : i32
      %dma_start3A_261 = tpu.memref_slice %arg7[%dma_start3A_257, %dma_start3A_260, %mul3A_250] : memref<2x16x4096xf32, #tpu.memory_space<vmem_shared>> -> memref<1x16x256xf32, #tpu.memory_space<vmem_shared>>
      %dma_start3A_262 = tpu.memref_squeeze %dma_start3A_261 : memref<1x16x256xf32, #tpu.memory_space<vmem_shared>> -> memref<16x256xf32, #tpu.memory_space<vmem_shared>>
      tpu.enqueue_dma source(%dma_start3A_262 : memref<16x256xf32, #tpu.memory_space<vmem_shared>>) target(%dma_start3A_259 : memref<16x256xf32, #tpu.memory_space<hbm>>) target_semaphore(%arg13 : memref<!tpu.dma_semaphore, #tpu.memory_space<semaphore_mem>>)
      %mul3A_263 = arith.constant 16 : i32
      %mul3A_264 = arith.muli %arg0, %mul3A_263 : i32
      %dma_wait3A_265 = arith.constant 0 : i32
      %dma_wait3A_266 = arith.constant 0 : i32
      %dma_wait3A_267 = tpu.memref_slice %arg4[%scan3A_107, %mul3A_264, %dma_wait3A_266] : memref<26x32x16384xf32, #tpu.memory_space<hbm>> -> memref<1x16x256xf32, #tpu.memory_space<hbm>>
      %dma_wait3A_268 = tpu.memref_squeeze %dma_wait3A_267 : memref<1x16x256xf32, #tpu.memory_space<hbm>> -> memref<16x256xf32, #tpu.memory_space<hbm>>
      %dma_wait3A_269 = arith.constant 0 : i32
      %dma_wait3A_270 = arith.constant 0 : i32
      %dma_wait3A_271 = tpu.memref_slice %arg7[%dma_wait3A_265, %dma_wait3A_269, %dma_wait3A_270] : memref<2x16x4096xf32, #tpu.memory_space<vmem_shared>> -> memref<1x16x256xf32, #tpu.memory_space<vmem_shared>>
      %dma_wait3A_272 = tpu.memref_squeeze %dma_wait3A_271 : memref<1x16x256xf32, #tpu.memory_space<vmem_shared>> -> memref<16x256xf32, #tpu.memory_space<vmem_shared>>
      tpu.wait_dma2 semaphore(%arg12 : memref<!tpu.dma_semaphore, #tpu.memory_space<semaphore_mem>>) src(%dma_wait3A_272 : memref<16x256xf32, #tpu.memory_space<vmem_shared>>) dst(%dma_wait3A_268 : memref<16x256xf32, #tpu.memory_space<hbm>>)
      %mul3A_273 = arith.constant 16 : i32
      %mul3A_274 = arith.muli %arg0, %mul3A_273 : i32
      %dma_wait3A_275 = arith.constant 1 : i32
      %dma_wait3A_276 = arith.constant 0 : i32
      %dma_wait3A_277 = tpu.memref_slice %arg4[%scan3A_107, %mul3A_274, %dma_wait3A_276] : memref<26x32x16384xf32, #tpu.memory_space<hbm>> -> memref<1x16x256xf32, #tpu.memory_space<hbm>>
      %dma_wait3A_278 = tpu.memref_squeeze %dma_wait3A_277 : memref<1x16x256xf32, #tpu.memory_space<hbm>> -> memref<16x256xf32, #tpu.memory_space<hbm>>
      %dma_wait3A_279 = arith.constant 0 : i32
      %dma_wait3A_280 = arith.constant 0 : i32
      %dma_wait3A_281 = tpu.memref_slice %arg7[%dma_wait3A_275, %dma_wait3A_279, %dma_wait3A_280] : memref<2x16x4096xf32, #tpu.memory_space<vmem_shared>> -> memref<1x16x256xf32, #tpu.memory_space<vmem_shared>>
      %dma_wait3A_282 = tpu.memref_squeeze %dma_wait3A_281 : memref<1x16x256xf32, #tpu.memory_space<vmem_shared>> -> memref<16x256xf32, #tpu.memory_space<vmem_shared>>
      tpu.wait_dma2 semaphore(%arg13 : memref<!tpu.dma_semaphore, #tpu.memory_space<semaphore_mem>>) src(%dma_wait3A_282 : memref<16x256xf32, #tpu.memory_space<vmem_shared>>) dst(%dma_wait3A_278 : memref<16x256xf32, #tpu.memory_space<hbm>>)
    }
    %scan3A_84 = arith.constant 8 : i32
    %mul3A_85 = arith.constant 1024 : i32
    %mul3A_86 = arith.muli %arg1, %mul3A_85 : i32
    %mul3A_87 = arith.constant 1024 : i32
    %mul3A_88 = arith.muli %arg1, %mul3A_87 : i32
    "tpu.region"() ({
      %run_scoped3A = tpu.sem_alloc : memref<!tpu.dma_semaphore, #tpu.memory_space<semaphore_mem>>
      %dma_start3A_107 = arith.constant 0 : i32
      %dma_start3A_108 = tpu.memref_slice %arg6[%dma_start3A_107, %mul3A_88] : memref<8x16384xi32, #tpu.memory_space<vmem_shared>> -> memref<8x1024xi32, #tpu.memory_space<vmem_shared>>
      %dma_start3A_109 = arith.constant 16 : i32
      %dma_start3A_110 = tpu.memref_slice %arg2[%dma_start3A_109, %mul3A_86] : memref<26x16384xi32, #tpu.memory_space<hbm>> -> memref<8x1024xi32, #tpu.memory_space<hbm>>
      tpu.enqueue_dma source(%dma_start3A_110 : memref<8x1024xi32, #tpu.memory_space<hbm>>) target(%dma_start3A_108 : memref<8x1024xi32, #tpu.memory_space<vmem_shared>>) target_semaphore(%run_scoped3A : memref<!tpu.dma_semaphore, #tpu.memory_space<semaphore_mem>>)
      %dma_wait3A = arith.constant 0 : i32
      %dma_wait3A_111 = tpu.memref_slice %arg6[%dma_wait3A, %mul3A_88] : memref<8x16384xi32, #tpu.memory_space<vmem_shared>> -> memref<8x1024xi32, #tpu.memory_space<vmem_shared>>
      %dma_wait3A_112 = arith.constant 16 : i32
      %dma_wait3A_113 = tpu.memref_slice %arg2[%dma_wait3A_112, %mul3A_86] : memref<26x16384xi32, #tpu.memory_space<hbm>> -> memref<8x1024xi32, #tpu.memory_space<hbm>>
      tpu.wait_dma2 semaphore(%run_scoped3A : memref<!tpu.dma_semaphore, #tpu.memory_space<semaphore_mem>>) src(%dma_wait3A_113 : memref<8x1024xi32, #tpu.memory_space<hbm>>) dst(%dma_wait3A_111 : memref<8x1024xi32, #tpu.memory_space<vmem_shared>>)
      tpu.yield
    }) : () -> ()
    %barrier3A_89 = arith.constant 0 : index
    tpu.barrier barrier_id(%barrier3A_89)
    %scan3A_90 = arith.constant 0 : i32
    %scan3A_91 = arith.constant 16 : i32
    %scan3A_92 = arith.constant 8 : i32
    %scan3A_93 = arith.addi %scan3A_91, %scan3A_92 : i32
    %scan3A_94 = arith.constant 1 : i32
    scf.for %scan3A_107 = %scan3A_91 to %scan3A_93 step %scan3A_94  : i32 {
      %mul3A_108 = arith.constant 2 : i32
      %mul3A_109 = arith.muli %arg0, %mul3A_108 : i32
      %add3A_110 = arith.constant 0 : i32
      %add3A_111 = arith.addi %mul3A_109, %add3A_110 : i32
      %dma_wait3A = arith.constant 0 : i32
      %dma_wait3A_112 = arith.constant 0 : i32
      %dma_wait3A_113 = arith.constant 0 : i32
      %dma_wait3A_114 = tpu.memref_slice %arg5[%dma_wait3A, %dma_wait3A_112, %dma_wait3A_113] : memref<2x8x38912xf32, #tpu.memory_space<vmem_shared>> -> memref<1x8x2432xf32, #tpu.memory_space<vmem_shared>>
      %dma_wait3A_115 = tpu.memref_squeeze %dma_wait3A_114 : memref<1x8x2432xf32, #tpu.memory_space<vmem_shared>> -> memref<8x2432xf32, #tpu.memory_space<vmem_shared>>
      %dma_wait3A_116 = arith.constant 0 : i32
      %dma_wait3A_117 = arith.constant 0 : i32
      %dma_wait3A_118 = tpu.memref_slice %arg3[%add3A_111, %dma_wait3A_116, %dma_wait3A_117] : memref<4x8x999986xf32, #tpu.memory_space<hbm>> -> memref<1x8x2432xf32, #tpu.memory_space<hbm>>
      %dma_wait3A_119 = tpu.memref_squeeze %dma_wait3A_118 : memref<1x8x2432xf32, #tpu.memory_space<hbm>> -> memref<8x2432xf32, #tpu.memory_space<hbm>>
      tpu.wait_dma2 semaphore(%arg11 : memref<!tpu.dma_semaphore, #tpu.memory_space<semaphore_mem>>) src(%dma_wait3A_119 : memref<8x2432xf32, #tpu.memory_space<hbm>>) dst(%dma_wait3A_115 : memref<8x2432xf32, #tpu.memory_space<vmem_shared>>)
      %mul3A_120 = arith.constant 2 : i32
      %mul3A_121 = arith.muli %arg0, %mul3A_120 : i32
      %add3A_122 = arith.constant 1 : i32
      %add3A_123 = arith.addi %mul3A_121, %add3A_122 : i32
      %dma_wait3A_124 = arith.constant 1 : i32
      %dma_wait3A_125 = arith.constant 0 : i32
      %dma_wait3A_126 = arith.constant 0 : i32
      %dma_wait3A_127 = tpu.memref_slice %arg5[%dma_wait3A_124, %dma_wait3A_125, %dma_wait3A_126] : memref<2x8x38912xf32, #tpu.memory_space<vmem_shared>> -> memref<1x8x2432xf32, #tpu.memory_space<vmem_shared>>
      %dma_wait3A_128 = tpu.memref_squeeze %dma_wait3A_127 : memref<1x8x2432xf32, #tpu.memory_space<vmem_shared>> -> memref<8x2432xf32, #tpu.memory_space<vmem_shared>>
      %dma_wait3A_129 = arith.constant 0 : i32
      %dma_wait3A_130 = arith.constant 0 : i32
      %dma_wait3A_131 = tpu.memref_slice %arg3[%add3A_123, %dma_wait3A_129, %dma_wait3A_130] : memref<4x8x999986xf32, #tpu.memory_space<hbm>> -> memref<1x8x2432xf32, #tpu.memory_space<hbm>>
      %dma_wait3A_132 = tpu.memref_squeeze %dma_wait3A_131 : memref<1x8x2432xf32, #tpu.memory_space<hbm>> -> memref<8x2432xf32, #tpu.memory_space<hbm>>
      tpu.wait_dma2 semaphore(%arg11 : memref<!tpu.dma_semaphore, #tpu.memory_space<semaphore_mem>>) src(%dma_wait3A_132 : memref<8x2432xf32, #tpu.memory_space<hbm>>) dst(%dma_wait3A_128 : memref<8x2432xf32, #tpu.memory_space<vmem_shared>>)
      %barrier3A_133 = arith.constant 0 : index
      tpu.barrier barrier_id(%barrier3A_133)
      %dma_start3A_134 = arith.constant 0 : i32
      %dma_start3A_135 = tpu.memref_slice %arg5[%select_n3A, %select_n3A_28, %dma_start3A_134] : memref<2x8x38912xf32, #tpu.memory_space<vmem_shared>> -> memref<1x1x38912xf32, #tpu.memory_space<vmem_shared>>
      %dma_start3A_136 = tpu.memref_squeeze %dma_start3A_135 : memref<1x1x38912xf32, #tpu.memory_space<vmem_shared>> -> memref<38912xf32, #tpu.memory_space<vmem_shared>>
      %dma_start3A_137 = arith.constant 0 : i32
      %dma_start3A_138 = tpu.memref_slice %arg5[%select_n3A, %select_n3A_28, %dma_start3A_137] : memref<2x8x38912xf32, #tpu.memory_space<vmem_shared>> -> memref<1x1x38912xf32, #tpu.memory_space<vmem_shared>>
      %dma_start3A_139 = tpu.memref_squeeze %dma_start3A_138 : memref<1x1x38912xf32, #tpu.memory_space<vmem_shared>> -> memref<38912xf32, #tpu.memory_space<vmem_shared>>
      tpu.enqueue_dma source(%dma_start3A_139 : memref<38912xf32, #tpu.memory_space<vmem_shared>>) target(%arg8 : memref<38912xf32, #tpu.memory_space<vmem>>) target_semaphore(%arg11 : memref<!tpu.dma_semaphore, #tpu.memory_space<semaphore_mem>>)
      %rem3A_140 = arith.constant 8 : i32
      %rem3A_141 = arith.remsi %scan3A_107, %rem3A_140 : i32
      %dma_start3A_142 = arith.constant 0 : i32
      %dma_start3A_143 = tpu.memref_slice %arg6[%rem3A_141, %dma_start3A_142] : memref<8x16384xi32, #tpu.memory_space<vmem_shared>> -> memref<1x16384xi32, #tpu.memory_space<vmem_shared>>
      %dma_start3A_144 = tpu.memref_squeeze %dma_start3A_143 : memref<1x16384xi32, #tpu.memory_space<vmem_shared>> -> memref<16384xi32, #tpu.memory_space<vmem_shared>>
      %dma_start3A_145 = arith.constant 0 : i32
      %dma_start3A_146 = tpu.memref_slice %arg6[%rem3A_141, %dma_start3A_145] : memref<8x16384xi32, #tpu.memory_space<vmem_shared>> -> memref<1x16384xi32, #tpu.memory_space<vmem_shared>>
      %dma_start3A_147 = tpu.memref_squeeze %dma_start3A_146 : memref<1x16384xi32, #tpu.memory_space<vmem_shared>> -> memref<16384xi32, #tpu.memory_space<vmem_shared>>
      tpu.enqueue_dma source(%dma_start3A_147 : memref<16384xi32, #tpu.memory_space<vmem_shared>>) target(%arg9 : memref<16384xi32, #tpu.memory_space<vmem>>) target_semaphore(%arg11 : memref<!tpu.dma_semaphore, #tpu.memory_space<semaphore_mem>>)
      %dma_wait3A_148 = arith.constant 0 : i32
      %dma_wait3A_149 = arith.constant 0 : i32
      %dma_wait3A_150 = arith.constant 0 : i32
      %dma_wait3A_151 = tpu.memref_slice %arg5[%dma_wait3A_148, %dma_wait3A_149, %dma_wait3A_150] : memref<2x8x38912xf32, #tpu.memory_space<vmem_shared>> -> memref<1x1x38912xf32, #tpu.memory_space<vmem_shared>>
      %dma_wait3A_152 = tpu.memref_squeeze %dma_wait3A_151 : memref<1x1x38912xf32, #tpu.memory_space<vmem_shared>> -> memref<38912xf32, #tpu.memory_space<vmem_shared>>
      %dma_wait3A_153 = arith.constant 0 : i32
      %dma_wait3A_154 = tpu.memref_slice %arg5[%dma_wait3A_148, %dma_wait3A_149, %dma_wait3A_153] : memref<2x8x38912xf32, #tpu.memory_space<vmem_shared>> -> memref<1x1x38912xf32, #tpu.memory_space<vmem_shared>>
      %dma_wait3A_155 = tpu.memref_squeeze %dma_wait3A_154 : memref<1x1x38912xf32, #tpu.memory_space<vmem_shared>> -> memref<38912xf32, #tpu.memory_space<vmem_shared>>
      tpu.wait_dma2 semaphore(%arg11 : memref<!tpu.dma_semaphore, #tpu.memory_space<semaphore_mem>>) src(%dma_wait3A_155 : memref<38912xf32, #tpu.memory_space<vmem_shared>>) dst(%arg8 : memref<38912xf32, #tpu.memory_space<vmem>>)
      %dma_wait3A_156 = arith.constant 0 : i32
      %dma_wait3A_157 = arith.constant 0 : i32
      %dma_wait3A_158 = tpu.memref_slice %arg6[%dma_wait3A_156, %dma_wait3A_157] : memref<8x16384xi32, #tpu.memory_space<vmem_shared>> -> memref<1x16384xi32, #tpu.memory_space<vmem_shared>>
      %dma_wait3A_159 = tpu.memref_squeeze %dma_wait3A_158 : memref<1x16384xi32, #tpu.memory_space<vmem_shared>> -> memref<16384xi32, #tpu.memory_space<vmem_shared>>
      %dma_wait3A_160 = arith.constant 0 : i32
      %dma_wait3A_161 = tpu.memref_slice %arg6[%dma_wait3A_156, %dma_wait3A_160] : memref<8x16384xi32, #tpu.memory_space<vmem_shared>> -> memref<1x16384xi32, #tpu.memory_space<vmem_shared>>
      %dma_wait3A_162 = tpu.memref_squeeze %dma_wait3A_161 : memref<1x16384xi32, #tpu.memory_space<vmem_shared>> -> memref<16384xi32, #tpu.memory_space<vmem_shared>>
      tpu.wait_dma2 semaphore(%arg11 : memref<!tpu.dma_semaphore, #tpu.memory_space<semaphore_mem>>) src(%dma_wait3A_162 : memref<16384xi32, #tpu.memory_space<vmem_shared>>) dst(%arg9 : memref<16384xi32, #tpu.memory_space<vmem>>)
      %barrier3A_163 = arith.constant 0 : index
      tpu.barrier barrier_id(%barrier3A_163)
      %lt3A_164 = arith.constant 25 : i32
      %lt3A_165 = arith.cmpi slt, %scan3A_107, %lt3A_164 : i32
      %convert_element_type3A = arith.extui %lt3A_165 : i1 to i32
      %cond3A = arith.constant 0 : i32
      %cond3A_166 = arith.cmpi ne, %convert_element_type3A, %cond3A : i32
      scf.if %cond3A_166 {
        %add3A_283 = arith.constant 1 : i32
        %add3A_284 = arith.addi %scan3A_107, %add3A_283 : i32
        %mul3A_285 = arith.constant 38461 : i32
        %mul3A_286 = arith.muli %add3A_284, %mul3A_285 : i32
        %rem3A_287 = arith.constant 128 : i32
        %rem3A_288 = arith.remsi %mul3A_286, %rem3A_287 : i32
        %sub3A_289 = arith.subi %mul3A_286, %rem3A_288 : i32
        %min3A_290 = arith.constant 961152 : i32
        %min3A_291 = arith.minsi %sub3A_289, %min3A_290 : i32
        %multiple_of3A_292 = tpu.assume_multiple %min3A_291, 128 : i32
        %mul3A_293 = arith.constant 2 : i32
        %mul3A_294 = arith.muli %arg0, %mul3A_293 : i32
        %add3A_295 = arith.constant 0 : i32
        %add3A_296 = arith.addi %mul3A_294, %add3A_295 : i32
        %mul3A_297 = arith.constant 2432 : i32
        %mul3A_298 = arith.muli %arg1, %mul3A_297 : i32
        %add3A_299 = arith.addi %multiple_of3A_292, %mul3A_298 : i32
        %mul3A_300 = arith.constant 2432 : i32
        %mul3A_301 = arith.muli %arg1, %mul3A_300 : i32
        %dma_start3A_302 = arith.constant 0 : i32
        %dma_start3A_303 = arith.constant 0 : i32
        %dma_start3A_304 = tpu.memref_slice %arg5[%dma_start3A_302, %dma_start3A_303, %mul3A_301] : memref<2x8x38912xf32, #tpu.memory_space<vmem_shared>> -> memref<1x8x2432xf32, #tpu.memory_space<vmem_shared>>
        %dma_start3A_305 = tpu.memref_squeeze %dma_start3A_304 : memref<1x8x2432xf32, #tpu.memory_space<vmem_shared>> -> memref<8x2432xf32, #tpu.memory_space<vmem_shared>>
        %dma_start3A_306 = arith.constant 0 : i32
        %dma_start3A_307 = tpu.memref_slice %arg3[%add3A_296, %dma_start3A_306, %add3A_299] : memref<4x8x999986xf32, #tpu.memory_space<hbm>> -> memref<1x8x2432xf32, #tpu.memory_space<hbm>>
        %dma_start3A_308 = tpu.memref_squeeze %dma_start3A_307 : memref<1x8x2432xf32, #tpu.memory_space<hbm>> -> memref<8x2432xf32, #tpu.memory_space<hbm>>
        tpu.enqueue_dma source(%dma_start3A_308 : memref<8x2432xf32, #tpu.memory_space<hbm>>) target(%dma_start3A_305 : memref<8x2432xf32, #tpu.memory_space<vmem_shared>>) target_semaphore(%arg11 : memref<!tpu.dma_semaphore, #tpu.memory_space<semaphore_mem>>)
        %mul3A_309 = arith.constant 2 : i32
        %mul3A_310 = arith.muli %arg0, %mul3A_309 : i32
        %add3A_311 = arith.constant 1 : i32
        %add3A_312 = arith.addi %mul3A_310, %add3A_311 : i32
        %mul3A_313 = arith.constant 2432 : i32
        %mul3A_314 = arith.muli %arg1, %mul3A_313 : i32
        %add3A_315 = arith.addi %multiple_of3A_292, %mul3A_314 : i32
        %mul3A_316 = arith.constant 2432 : i32
        %mul3A_317 = arith.muli %arg1, %mul3A_316 : i32
        %dma_start3A_318 = arith.constant 1 : i32
        %dma_start3A_319 = arith.constant 0 : i32
        %dma_start3A_320 = tpu.memref_slice %arg5[%dma_start3A_318, %dma_start3A_319, %mul3A_317] : memref<2x8x38912xf32, #tpu.memory_space<vmem_shared>> -> memref<1x8x2432xf32, #tpu.memory_space<vmem_shared>>
        %dma_start3A_321 = tpu.memref_squeeze %dma_start3A_320 : memref<1x8x2432xf32, #tpu.memory_space<vmem_shared>> -> memref<8x2432xf32, #tpu.memory_space<vmem_shared>>
        %dma_start3A_322 = arith.constant 0 : i32
        %dma_start3A_323 = tpu.memref_slice %arg3[%add3A_312, %dma_start3A_322, %add3A_315] : memref<4x8x999986xf32, #tpu.memory_space<hbm>> -> memref<1x8x2432xf32, #tpu.memory_space<hbm>>
        %dma_start3A_324 = tpu.memref_squeeze %dma_start3A_323 : memref<1x8x2432xf32, #tpu.memory_space<hbm>> -> memref<8x2432xf32, #tpu.memory_space<hbm>>
        tpu.enqueue_dma source(%dma_start3A_324 : memref<8x2432xf32, #tpu.memory_space<hbm>>) target(%dma_start3A_321 : memref<8x2432xf32, #tpu.memory_space<vmem_shared>>) target_semaphore(%arg11 : memref<!tpu.dma_semaphore, #tpu.memory_space<semaphore_mem>>)
      } else {
      }
      %mul3A_167 = arith.constant 38461 : i32
      %mul3A_168 = arith.muli %scan3A_107, %mul3A_167 : i32
      %mul3A_169 = arith.constant 38461 : i32
      %mul3A_170 = arith.muli %scan3A_107, %mul3A_169 : i32
      %rem3A_171 = arith.constant 128 : i32
      %rem3A_172 = arith.remsi %mul3A_170, %rem3A_171 : i32
      %sub3A_173 = arith.subi %mul3A_170, %rem3A_172 : i32
      %min3A_174 = arith.constant 961152 : i32
      %min3A_175 = arith.minsi %sub3A_173, %min3A_174 : i32
      %multiple_of3A_176 = tpu.assume_multiple %min3A_175, 128 : i32
      %sub3A_177 = arith.subi %mul3A_168, %multiple_of3A_176 : i32
      %parallel_loop3A = arith.constant 0 : i32
      %parallel_loop3A_178 = arith.constant 16384 : i32
      %parallel_loop3A_179 = arith.constant 16 : i32
      scf.for %parallel_loop3A_283 = %parallel_loop3A to %parallel_loop3A_178 step %parallel_loop3A_179  : i32 {
        %parallel_loop3A_284 = arith.index_cast %parallel_loop3A_283 : i32 to index
        %parallel_loop3A_285 = tpu.vector_load %arg9[%parallel_loop3A_284] {strides = array<i32>} : memref<16384xi32, #tpu.memory_space<vmem>>, vector<16xi32>,
        %parallel_loop3A_286 = vector.broadcast %sub3A_177 : i32 to vector<16xi32>
        %parallel_loop3A_287 = arith.addi %parallel_loop3A_285, %parallel_loop3A_286 : vector<16xi32>
        %parallel_loop3A_288 = tpu.vector_load_idx %arg8[%parallel_loop3A_287] : memref<38912xf32, #tpu.memory_space<vmem>>[vector<16xi32>], vector<16xf32>,
        %parallel_loop3A_289 = arith.index_cast %parallel_loop3A_283 : i32 to index
        %parallel_loop3A_290 = tpu.vector_load %arg10[%parallel_loop3A_289] {strides = array<i32>} : memref<16384xf32, #tpu.memory_space<vmem>>, vector<16xf32>,
        tpu.vector_store %arg10[%parallel_loop3A_289], %parallel_loop3A_288 {strides = array<i32>} : memref<16384xf32, #tpu.memory_space<vmem>>, vector<16xf32>,
      } {sc.loop_unroll_factor = 16 : i64, sc.parallel_access}
      %run_scoped3A = arith.constant 0 : i32
      "tpu.region"() ({
        %run_scoped3A_283 = tpu.sem_alloc : memref<!tpu.dma_semaphore, #tpu.memory_space<semaphore_mem>>
        %dma_start3A_284 = arith.constant 0 : i32
        %dma_start3A_285 = tpu.memref_slice %arg10[%dma_start3A_284] : memref<16384xf32, #tpu.memory_space<vmem>> -> memref<4096xf32, #tpu.memory_space<vmem>>
        %dma_start3A_286 = arith.constant 0 : i32
        %dma_start3A_287 = tpu.memref_slice %arg7[%run_scoped3A, %arg1, %dma_start3A_286] : memref<2x16x4096xf32, #tpu.memory_space<vmem_shared>> -> memref<1x1x4096xf32, #tpu.memory_space<vmem_shared>>
        %dma_start3A_288 = tpu.memref_squeeze %dma_start3A_287 : memref<1x1x4096xf32, #tpu.memory_space<vmem_shared>> -> memref<4096xf32, #tpu.memory_space<vmem_shared>>
        %dma_start3A_289 = arith.constant 0 : i32
        %dma_start3A_290 = tpu.memref_slice %arg7[%run_scoped3A, %arg1, %dma_start3A_289] : memref<2x16x4096xf32, #tpu.memory_space<vmem_shared>> -> memref<1x1x4096xf32, #tpu.memory_space<vmem_shared>>
        %dma_start3A_291 = tpu.memref_squeeze %dma_start3A_290 : memref<1x1x4096xf32, #tpu.memory_space<vmem_shared>> -> memref<4096xf32, #tpu.memory_space<vmem_shared>>
        %dma_start3A_292 = arith.constant 0 : i32
        %dma_start3A_293 = tpu.memref_slice %arg10[%dma_start3A_292] : memref<16384xf32, #tpu.memory_space<vmem>> -> memref<4096xf32, #tpu.memory_space<vmem>>
        tpu.enqueue_dma source(%dma_start3A_293 : memref<4096xf32, #tpu.memory_space<vmem>>) target(%dma_start3A_291 : memref<4096xf32, #tpu.memory_space<vmem_shared>>) target_semaphore(%run_scoped3A_283 : memref<!tpu.dma_semaphore, #tpu.memory_space<semaphore_mem>>)
        %dma_wait3A_294 = arith.constant 0 : i32
        %dma_wait3A_295 = tpu.memref_slice %arg10[%dma_wait3A_294] : memref<16384xf32, #tpu.memory_space<vmem>> -> memref<4096xf32, #tpu.memory_space<vmem>>
        %dma_wait3A_296 = arith.constant 0 : i32
        %dma_wait3A_297 = tpu.memref_slice %arg7[%run_scoped3A, %arg1, %dma_wait3A_296] : memref<2x16x4096xf32, #tpu.memory_space<vmem_shared>> -> memref<1x1x4096xf32, #tpu.memory_space<vmem_shared>>
        %dma_wait3A_298 = tpu.memref_squeeze %dma_wait3A_297 : memref<1x1x4096xf32, #tpu.memory_space<vmem_shared>> -> memref<4096xf32, #tpu.memory_space<vmem_shared>>
        %dma_wait3A_299 = arith.constant 0 : i32
        %dma_wait3A_300 = tpu.memref_slice %arg7[%run_scoped3A, %arg1, %dma_wait3A_299] : memref<2x16x4096xf32, #tpu.memory_space<vmem_shared>> -> memref<1x1x4096xf32, #tpu.memory_space<vmem_shared>>
        %dma_wait3A_301 = tpu.memref_squeeze %dma_wait3A_300 : memref<1x1x4096xf32, #tpu.memory_space<vmem_shared>> -> memref<4096xf32, #tpu.memory_space<vmem_shared>>
        %dma_wait3A_302 = arith.constant 0 : i32
        %dma_wait3A_303 = tpu.memref_slice %arg10[%dma_wait3A_302] : memref<16384xf32, #tpu.memory_space<vmem>> -> memref<4096xf32, #tpu.memory_space<vmem>>
        tpu.wait_dma2 semaphore(%run_scoped3A_283 : memref<!tpu.dma_semaphore, #tpu.memory_space<semaphore_mem>>) src(%dma_wait3A_303 : memref<4096xf32, #tpu.memory_space<vmem>>) dst(%dma_wait3A_301 : memref<4096xf32, #tpu.memory_space<vmem_shared>>)
        tpu.yield
      }) : () -> ()
      %barrier3A_180 = arith.constant 0 : index
      tpu.barrier barrier_id(%barrier3A_180)
      %mul3A_181 = arith.constant 256 : i32
      %mul3A_182 = arith.muli %arg1, %mul3A_181 : i32
      %mul3A_183 = arith.constant 16 : i32
      %mul3A_184 = arith.muli %arg0, %mul3A_183 : i32
      %mul3A_185 = arith.constant 256 : i32
      %mul3A_186 = arith.muli %arg1, %mul3A_185 : i32
      %add3A_187 = arith.constant 0 : i32
      %add3A_188 = arith.addi %add3A_187, %mul3A_186 : i32
      %dma_start3A_189 = arith.constant 0 : i32
      %dma_start3A_190 = tpu.memref_slice %arg4[%scan3A_107, %mul3A_184, %add3A_188] : memref<26x32x16384xf32, #tpu.memory_space<hbm>> -> memref<1x16x256xf32, #tpu.memory_space<hbm>>
      %dma_start3A_191 = tpu.memref_squeeze %dma_start3A_190 : memref<1x16x256xf32, #tpu.memory_space<hbm>> -> memref<16x256xf32, #tpu.memory_space<hbm>>
      %dma_start3A_192 = arith.constant 0 : i32
      %dma_start3A_193 = tpu.memref_slice %arg7[%dma_start3A_189, %dma_start3A_192, %mul3A_182] : memref<2x16x4096xf32, #tpu.memory_space<vmem_shared>> -> memref<1x16x256xf32, #tpu.memory_space<vmem_shared>>
      %dma_start3A_194 = tpu.memref_squeeze %dma_start3A_193 : memref<1x16x256xf32, #tpu.memory_space<vmem_shared>> -> memref<16x256xf32, #tpu.memory_space<vmem_shared>>
      tpu.enqueue_dma source(%dma_start3A_194 : memref<16x256xf32, #tpu.memory_space<vmem_shared>>) target(%dma_start3A_191 : memref<16x256xf32, #tpu.memory_space<hbm>>) target_semaphore(%arg12 : memref<!tpu.dma_semaphore, #tpu.memory_space<semaphore_mem>>)
      %run_scoped3A_195 = arith.constant 1 : i32
      "tpu.region"() ({
        %run_scoped3A_283 = tpu.sem_alloc : memref<!tpu.dma_semaphore, #tpu.memory_space<semaphore_mem>>
        %dma_start3A_284 = arith.constant 4096 : i32
        %dma_start3A_285 = tpu.memref_slice %arg10[%dma_start3A_284] : memref<16384xf32, #tpu.memory_space<vmem>> -> memref<4096xf32, #tpu.memory_space<vmem>>
        %dma_start3A_286 = arith.constant 0 : i32
        %dma_start3A_287 = tpu.memref_slice %arg7[%run_scoped3A_195, %arg1, %dma_start3A_286] : memref<2x16x4096xf32, #tpu.memory_space<vmem_shared>> -> memref<1x1x4096xf32, #tpu.memory_space<vmem_shared>>
        %dma_start3A_288 = tpu.memref_squeeze %dma_start3A_287 : memref<1x1x4096xf32, #tpu.memory_space<vmem_shared>> -> memref<4096xf32, #tpu.memory_space<vmem_shared>>
        %dma_start3A_289 = arith.constant 0 : i32
        %dma_start3A_290 = tpu.memref_slice %arg7[%run_scoped3A_195, %arg1, %dma_start3A_289] : memref<2x16x4096xf32, #tpu.memory_space<vmem_shared>> -> memref<1x1x4096xf32, #tpu.memory_space<vmem_shared>>
        %dma_start3A_291 = tpu.memref_squeeze %dma_start3A_290 : memref<1x1x4096xf32, #tpu.memory_space<vmem_shared>> -> memref<4096xf32, #tpu.memory_space<vmem_shared>>
        %dma_start3A_292 = arith.constant 4096 : i32
        %dma_start3A_293 = tpu.memref_slice %arg10[%dma_start3A_292] : memref<16384xf32, #tpu.memory_space<vmem>> -> memref<4096xf32, #tpu.memory_space<vmem>>
        tpu.enqueue_dma source(%dma_start3A_293 : memref<4096xf32, #tpu.memory_space<vmem>>) target(%dma_start3A_291 : memref<4096xf32, #tpu.memory_space<vmem_shared>>) target_semaphore(%run_scoped3A_283 : memref<!tpu.dma_semaphore, #tpu.memory_space<semaphore_mem>>)
        %dma_wait3A_294 = arith.constant 4096 : i32
        %dma_wait3A_295 = tpu.memref_slice %arg10[%dma_wait3A_294] : memref<16384xf32, #tpu.memory_space<vmem>> -> memref<4096xf32, #tpu.memory_space<vmem>>
        %dma_wait3A_296 = arith.constant 0 : i32
        %dma_wait3A_297 = tpu.memref_slice %arg7[%run_scoped3A_195, %arg1, %dma_wait3A_296] : memref<2x16x4096xf32, #tpu.memory_space<vmem_shared>> -> memref<1x1x4096xf32, #tpu.memory_space<vmem_shared>>
        %dma_wait3A_298 = tpu.memref_squeeze %dma_wait3A_297 : memref<1x1x4096xf32, #tpu.memory_space<vmem_shared>> -> memref<4096xf32, #tpu.memory_space<vmem_shared>>
        %dma_wait3A_299 = arith.constant 0 : i32
        %dma_wait3A_300 = tpu.memref_slice %arg7[%run_scoped3A_195, %arg1, %dma_wait3A_299] : memref<2x16x4096xf32, #tpu.memory_space<vmem_shared>> -> memref<1x1x4096xf32, #tpu.memory_space<vmem_shared>>
        %dma_wait3A_301 = tpu.memref_squeeze %dma_wait3A_300 : memref<1x1x4096xf32, #tpu.memory_space<vmem_shared>> -> memref<4096xf32, #tpu.memory_space<vmem_shared>>
        %dma_wait3A_302 = arith.constant 4096 : i32
        %dma_wait3A_303 = tpu.memref_slice %arg10[%dma_wait3A_302] : memref<16384xf32, #tpu.memory_space<vmem>> -> memref<4096xf32, #tpu.memory_space<vmem>>
        tpu.wait_dma2 semaphore(%run_scoped3A_283 : memref<!tpu.dma_semaphore, #tpu.memory_space<semaphore_mem>>) src(%dma_wait3A_303 : memref<4096xf32, #tpu.memory_space<vmem>>) dst(%dma_wait3A_301 : memref<4096xf32, #tpu.memory_space<vmem_shared>>)
        tpu.yield
      }) : () -> ()
      %barrier3A_196 = arith.constant 0 : index
      tpu.barrier barrier_id(%barrier3A_196)
      %mul3A_197 = arith.constant 256 : i32
      %mul3A_198 = arith.muli %arg1, %mul3A_197 : i32
      %mul3A_199 = arith.constant 16 : i32
      %mul3A_200 = arith.muli %arg0, %mul3A_199 : i32
      %mul3A_201 = arith.constant 256 : i32
      %mul3A_202 = arith.muli %arg1, %mul3A_201 : i32
      %add3A_203 = arith.constant 4096 : i32
      %add3A_204 = arith.addi %add3A_203, %mul3A_202 : i32
      %dma_start3A_205 = arith.constant 1 : i32
      %dma_start3A_206 = tpu.memref_slice %arg4[%scan3A_107, %mul3A_200, %add3A_204] : memref<26x32x16384xf32, #tpu.memory_space<hbm>> -> memref<1x16x256xf32, #tpu.memory_space<hbm>>
      %dma_start3A_207 = tpu.memref_squeeze %dma_start3A_206 : memref<1x16x256xf32, #tpu.memory_space<hbm>> -> memref<16x256xf32, #tpu.memory_space<hbm>>
      %dma_start3A_208 = arith.constant 0 : i32
      %dma_start3A_209 = tpu.memref_slice %arg7[%dma_start3A_205, %dma_start3A_208, %mul3A_198] : memref<2x16x4096xf32, #tpu.memory_space<vmem_shared>> -> memref<1x16x256xf32, #tpu.memory_space<vmem_shared>>
      %dma_start3A_210 = tpu.memref_squeeze %dma_start3A_209 : memref<1x16x256xf32, #tpu.memory_space<vmem_shared>> -> memref<16x256xf32, #tpu.memory_space<vmem_shared>>
      tpu.enqueue_dma source(%dma_start3A_210 : memref<16x256xf32, #tpu.memory_space<vmem_shared>>) target(%dma_start3A_207 : memref<16x256xf32, #tpu.memory_space<hbm>>) target_semaphore(%arg13 : memref<!tpu.dma_semaphore, #tpu.memory_space<semaphore_mem>>)
      %mul3A_211 = arith.constant 16 : i32
      %mul3A_212 = arith.muli %arg0, %mul3A_211 : i32
      %dma_wait3A_213 = arith.constant 0 : i32
      %dma_wait3A_214 = arith.constant 0 : i32
      %dma_wait3A_215 = tpu.memref_slice %arg4[%scan3A_107, %mul3A_212, %dma_wait3A_214] : memref<26x32x16384xf32, #tpu.memory_space<hbm>> -> memref<1x16x256xf32, #tpu.memory_space<hbm>>
      %dma_wait3A_216 = tpu.memref_squeeze %dma_wait3A_215 : memref<1x16x256xf32, #tpu.memory_space<hbm>> -> memref<16x256xf32, #tpu.memory_space<hbm>>
      %dma_wait3A_217 = arith.constant 0 : i32
      %dma_wait3A_218 = arith.constant 0 : i32
      %dma_wait3A_219 = tpu.memref_slice %arg7[%dma_wait3A_213, %dma_wait3A_217, %dma_wait3A_218] : memref<2x16x4096xf32, #tpu.memory_space<vmem_shared>> -> memref<1x16x256xf32, #tpu.memory_space<vmem_shared>>
      %dma_wait3A_220 = tpu.memref_squeeze %dma_wait3A_219 : memref<1x16x256xf32, #tpu.memory_space<vmem_shared>> -> memref<16x256xf32, #tpu.memory_space<vmem_shared>>
      tpu.wait_dma2 semaphore(%arg12 : memref<!tpu.dma_semaphore, #tpu.memory_space<semaphore_mem>>) src(%dma_wait3A_220 : memref<16x256xf32, #tpu.memory_space<vmem_shared>>) dst(%dma_wait3A_216 : memref<16x256xf32, #tpu.memory_space<hbm>>)
      %run_scoped3A_221 = arith.constant 0 : i32
      "tpu.region"() ({
        %run_scoped3A_283 = tpu.sem_alloc : memref<!tpu.dma_semaphore, #tpu.memory_space<semaphore_mem>>
        %dma_start3A_284 = arith.constant 8192 : i32
        %dma_start3A_285 = tpu.memref_slice %arg10[%dma_start3A_284] : memref<16384xf32, #tpu.memory_space<vmem>> -> memref<4096xf32, #tpu.memory_space<vmem>>
        %dma_start3A_286 = arith.constant 0 : i32
        %dma_start3A_287 = tpu.memref_slice %arg7[%run_scoped3A_221, %arg1, %dma_start3A_286] : memref<2x16x4096xf32, #tpu.memory_space<vmem_shared>> -> memref<1x1x4096xf32, #tpu.memory_space<vmem_shared>>
        %dma_start3A_288 = tpu.memref_squeeze %dma_start3A_287 : memref<1x1x4096xf32, #tpu.memory_space<vmem_shared>> -> memref<4096xf32, #tpu.memory_space<vmem_shared>>
        %dma_start3A_289 = arith.constant 0 : i32
        %dma_start3A_290 = tpu.memref_slice %arg7[%run_scoped3A_221, %arg1, %dma_start3A_289] : memref<2x16x4096xf32, #tpu.memory_space<vmem_shared>> -> memref<1x1x4096xf32, #tpu.memory_space<vmem_shared>>
        %dma_start3A_291 = tpu.memref_squeeze %dma_start3A_290 : memref<1x1x4096xf32, #tpu.memory_space<vmem_shared>> -> memref<4096xf32, #tpu.memory_space<vmem_shared>>
        %dma_start3A_292 = arith.constant 8192 : i32
        %dma_start3A_293 = tpu.memref_slice %arg10[%dma_start3A_292] : memref<16384xf32, #tpu.memory_space<vmem>> -> memref<4096xf32, #tpu.memory_space<vmem>>
        tpu.enqueue_dma source(%dma_start3A_293 : memref<4096xf32, #tpu.memory_space<vmem>>) target(%dma_start3A_291 : memref<4096xf32, #tpu.memory_space<vmem_shared>>) target_semaphore(%run_scoped3A_283 : memref<!tpu.dma_semaphore, #tpu.memory_space<semaphore_mem>>)
        %dma_wait3A_294 = arith.constant 8192 : i32
        %dma_wait3A_295 = tpu.memref_slice %arg10[%dma_wait3A_294] : memref<16384xf32, #tpu.memory_space<vmem>> -> memref<4096xf32, #tpu.memory_space<vmem>>
        %dma_wait3A_296 = arith.constant 0 : i32
        %dma_wait3A_297 = tpu.memref_slice %arg7[%run_scoped3A_221, %arg1, %dma_wait3A_296] : memref<2x16x4096xf32, #tpu.memory_space<vmem_shared>> -> memref<1x1x4096xf32, #tpu.memory_space<vmem_shared>>
        %dma_wait3A_298 = tpu.memref_squeeze %dma_wait3A_297 : memref<1x1x4096xf32, #tpu.memory_space<vmem_shared>> -> memref<4096xf32, #tpu.memory_space<vmem_shared>>
        %dma_wait3A_299 = arith.constant 0 : i32
        %dma_wait3A_300 = tpu.memref_slice %arg7[%run_scoped3A_221, %arg1, %dma_wait3A_299] : memref<2x16x4096xf32, #tpu.memory_space<vmem_shared>> -> memref<1x1x4096xf32, #tpu.memory_space<vmem_shared>>
        %dma_wait3A_301 = tpu.memref_squeeze %dma_wait3A_300 : memref<1x1x4096xf32, #tpu.memory_space<vmem_shared>> -> memref<4096xf32, #tpu.memory_space<vmem_shared>>
        %dma_wait3A_302 = arith.constant 8192 : i32
        %dma_wait3A_303 = tpu.memref_slice %arg10[%dma_wait3A_302] : memref<16384xf32, #tpu.memory_space<vmem>> -> memref<4096xf32, #tpu.memory_space<vmem>>
        tpu.wait_dma2 semaphore(%run_scoped3A_283 : memref<!tpu.dma_semaphore, #tpu.memory_space<semaphore_mem>>) src(%dma_wait3A_303 : memref<4096xf32, #tpu.memory_space<vmem>>) dst(%dma_wait3A_301 : memref<4096xf32, #tpu.memory_space<vmem_shared>>)
        tpu.yield
      }) : () -> ()
      %barrier3A_222 = arith.constant 0 : index
      tpu.barrier barrier_id(%barrier3A_222)
      %mul3A_223 = arith.constant 256 : i32
      %mul3A_224 = arith.muli %arg1, %mul3A_223 : i32
      %mul3A_225 = arith.constant 16 : i32
      %mul3A_226 = arith.muli %arg0, %mul3A_225 : i32
      %mul3A_227 = arith.constant 256 : i32
      %mul3A_228 = arith.muli %arg1, %mul3A_227 : i32
      %add3A_229 = arith.constant 8192 : i32
      %add3A_230 = arith.addi %add3A_229, %mul3A_228 : i32
      %dma_start3A_231 = arith.constant 0 : i32
      %dma_start3A_232 = tpu.memref_slice %arg4[%scan3A_107, %mul3A_226, %add3A_230] : memref<26x32x16384xf32, #tpu.memory_space<hbm>> -> memref<1x16x256xf32, #tpu.memory_space<hbm>>
      %dma_start3A_233 = tpu.memref_squeeze %dma_start3A_232 : memref<1x16x256xf32, #tpu.memory_space<hbm>> -> memref<16x256xf32, #tpu.memory_space<hbm>>
      %dma_start3A_234 = arith.constant 0 : i32
      %dma_start3A_235 = tpu.memref_slice %arg7[%dma_start3A_231, %dma_start3A_234, %mul3A_224] : memref<2x16x4096xf32, #tpu.memory_space<vmem_shared>> -> memref<1x16x256xf32, #tpu.memory_space<vmem_shared>>
      %dma_start3A_236 = tpu.memref_squeeze %dma_start3A_235 : memref<1x16x256xf32, #tpu.memory_space<vmem_shared>> -> memref<16x256xf32, #tpu.memory_space<vmem_shared>>
      tpu.enqueue_dma source(%dma_start3A_236 : memref<16x256xf32, #tpu.memory_space<vmem_shared>>) target(%dma_start3A_233 : memref<16x256xf32, #tpu.memory_space<hbm>>) target_semaphore(%arg12 : memref<!tpu.dma_semaphore, #tpu.memory_space<semaphore_mem>>)
      %mul3A_237 = arith.constant 16 : i32
      %mul3A_238 = arith.muli %arg0, %mul3A_237 : i32
      %dma_wait3A_239 = arith.constant 1 : i32
      %dma_wait3A_240 = arith.constant 0 : i32
      %dma_wait3A_241 = tpu.memref_slice %arg4[%scan3A_107, %mul3A_238, %dma_wait3A_240] : memref<26x32x16384xf32, #tpu.memory_space<hbm>> -> memref<1x16x256xf32, #tpu.memory_space<hbm>>
      %dma_wait3A_242 = tpu.memref_squeeze %dma_wait3A_241 : memref<1x16x256xf32, #tpu.memory_space<hbm>> -> memref<16x256xf32, #tpu.memory_space<hbm>>
      %dma_wait3A_243 = arith.constant 0 : i32
      %dma_wait3A_244 = arith.constant 0 : i32
      %dma_wait3A_245 = tpu.memref_slice %arg7[%dma_wait3A_239, %dma_wait3A_243, %dma_wait3A_244] : memref<2x16x4096xf32, #tpu.memory_space<vmem_shared>> -> memref<1x16x256xf32, #tpu.memory_space<vmem_shared>>
      %dma_wait3A_246 = tpu.memref_squeeze %dma_wait3A_245 : memref<1x16x256xf32, #tpu.memory_space<vmem_shared>> -> memref<16x256xf32, #tpu.memory_space<vmem_shared>>
      tpu.wait_dma2 semaphore(%arg13 : memref<!tpu.dma_semaphore, #tpu.memory_space<semaphore_mem>>) src(%dma_wait3A_246 : memref<16x256xf32, #tpu.memory_space<vmem_shared>>) dst(%dma_wait3A_242 : memref<16x256xf32, #tpu.memory_space<hbm>>)
      %run_scoped3A_247 = arith.constant 1 : i32
      "tpu.region"() ({
        %run_scoped3A_283 = tpu.sem_alloc : memref<!tpu.dma_semaphore, #tpu.memory_space<semaphore_mem>>
        %dma_start3A_284 = arith.constant 12288 : i32
        %dma_start3A_285 = tpu.memref_slice %arg10[%dma_start3A_284] : memref<16384xf32, #tpu.memory_space<vmem>> -> memref<4096xf32, #tpu.memory_space<vmem>>
        %dma_start3A_286 = arith.constant 0 : i32
        %dma_start3A_287 = tpu.memref_slice %arg7[%run_scoped3A_247, %arg1, %dma_start3A_286] : memref<2x16x4096xf32, #tpu.memory_space<vmem_shared>> -> memref<1x1x4096xf32, #tpu.memory_space<vmem_shared>>
        %dma_start3A_288 = tpu.memref_squeeze %dma_start3A_287 : memref<1x1x4096xf32, #tpu.memory_space<vmem_shared>> -> memref<4096xf32, #tpu.memory_space<vmem_shared>>
        %dma_start3A_289 = arith.constant 0 : i32
        %dma_start3A_290 = tpu.memref_slice %arg7[%run_scoped3A_247, %arg1, %dma_start3A_289] : memref<2x16x4096xf32, #tpu.memory_space<vmem_shared>> -> memref<1x1x4096xf32, #tpu.memory_space<vmem_shared>>
        %dma_start3A_291 = tpu.memref_squeeze %dma_start3A_290 : memref<1x1x4096xf32, #tpu.memory_space<vmem_shared>> -> memref<4096xf32, #tpu.memory_space<vmem_shared>>
        %dma_start3A_292 = arith.constant 12288 : i32
        %dma_start3A_293 = tpu.memref_slice %arg10[%dma_start3A_292] : memref<16384xf32, #tpu.memory_space<vmem>> -> memref<4096xf32, #tpu.memory_space<vmem>>
        tpu.enqueue_dma source(%dma_start3A_293 : memref<4096xf32, #tpu.memory_space<vmem>>) target(%dma_start3A_291 : memref<4096xf32, #tpu.memory_space<vmem_shared>>) target_semaphore(%run_scoped3A_283 : memref<!tpu.dma_semaphore, #tpu.memory_space<semaphore_mem>>)
        %dma_wait3A_294 = arith.constant 12288 : i32
        %dma_wait3A_295 = tpu.memref_slice %arg10[%dma_wait3A_294] : memref<16384xf32, #tpu.memory_space<vmem>> -> memref<4096xf32, #tpu.memory_space<vmem>>
        %dma_wait3A_296 = arith.constant 0 : i32
        %dma_wait3A_297 = tpu.memref_slice %arg7[%run_scoped3A_247, %arg1, %dma_wait3A_296] : memref<2x16x4096xf32, #tpu.memory_space<vmem_shared>> -> memref<1x1x4096xf32, #tpu.memory_space<vmem_shared>>
        %dma_wait3A_298 = tpu.memref_squeeze %dma_wait3A_297 : memref<1x1x4096xf32, #tpu.memory_space<vmem_shared>> -> memref<4096xf32, #tpu.memory_space<vmem_shared>>
        %dma_wait3A_299 = arith.constant 0 : i32
        %dma_wait3A_300 = tpu.memref_slice %arg7[%run_scoped3A_247, %arg1, %dma_wait3A_299] : memref<2x16x4096xf32, #tpu.memory_space<vmem_shared>> -> memref<1x1x4096xf32, #tpu.memory_space<vmem_shared>>
        %dma_wait3A_301 = tpu.memref_squeeze %dma_wait3A_300 : memref<1x1x4096xf32, #tpu.memory_space<vmem_shared>> -> memref<4096xf32, #tpu.memory_space<vmem_shared>>
        %dma_wait3A_302 = arith.constant 12288 : i32
        %dma_wait3A_303 = tpu.memref_slice %arg10[%dma_wait3A_302] : memref<16384xf32, #tpu.memory_space<vmem>> -> memref<4096xf32, #tpu.memory_space<vmem>>
        tpu.wait_dma2 semaphore(%run_scoped3A_283 : memref<!tpu.dma_semaphore, #tpu.memory_space<semaphore_mem>>) src(%dma_wait3A_303 : memref<4096xf32, #tpu.memory_space<vmem>>) dst(%dma_wait3A_301 : memref<4096xf32, #tpu.memory_space<vmem_shared>>)
        tpu.yield
      }) : () -> ()
      %barrier3A_248 = arith.constant 0 : index
      tpu.barrier barrier_id(%barrier3A_248)
      %mul3A_249 = arith.constant 256 : i32
      %mul3A_250 = arith.muli %arg1, %mul3A_249 : i32
      %mul3A_251 = arith.constant 16 : i32
      %mul3A_252 = arith.muli %arg0, %mul3A_251 : i32
      %mul3A_253 = arith.constant 256 : i32
      %mul3A_254 = arith.muli %arg1, %mul3A_253 : i32
      %add3A_255 = arith.constant 12288 : i32
      %add3A_256 = arith.addi %add3A_255, %mul3A_254 : i32
      %dma_start3A_257 = arith.constant 1 : i32
      %dma_start3A_258 = tpu.memref_slice %arg4[%scan3A_107, %mul3A_252, %add3A_256] : memref<26x32x16384xf32, #tpu.memory_space<hbm>> -> memref<1x16x256xf32, #tpu.memory_space<hbm>>
      %dma_start3A_259 = tpu.memref_squeeze %dma_start3A_258 : memref<1x16x256xf32, #tpu.memory_space<hbm>> -> memref<16x256xf32, #tpu.memory_space<hbm>>
      %dma_start3A_260 = arith.constant 0 : i32
      %dma_start3A_261 = tpu.memref_slice %arg7[%dma_start3A_257, %dma_start3A_260, %mul3A_250] : memref<2x16x4096xf32, #tpu.memory_space<vmem_shared>> -> memref<1x16x256xf32, #tpu.memory_space<vmem_shared>>
      %dma_start3A_262 = tpu.memref_squeeze %dma_start3A_261 : memref<1x16x256xf32, #tpu.memory_space<vmem_shared>> -> memref<16x256xf32, #tpu.memory_space<vmem_shared>>
      tpu.enqueue_dma source(%dma_start3A_262 : memref<16x256xf32, #tpu.memory_space<vmem_shared>>) target(%dma_start3A_259 : memref<16x256xf32, #tpu.memory_space<hbm>>) target_semaphore(%arg13 : memref<!tpu.dma_semaphore, #tpu.memory_space<semaphore_mem>>)
      %mul3A_263 = arith.constant 16 : i32
      %mul3A_264 = arith.muli %arg0, %mul3A_263 : i32
      %dma_wait3A_265 = arith.constant 0 : i32
      %dma_wait3A_266 = arith.constant 0 : i32
      %dma_wait3A_267 = tpu.memref_slice %arg4[%scan3A_107, %mul3A_264, %dma_wait3A_266] : memref<26x32x16384xf32, #tpu.memory_space<hbm>> -> memref<1x16x256xf32, #tpu.memory_space<hbm>>
      %dma_wait3A_268 = tpu.memref_squeeze %dma_wait3A_267 : memref<1x16x256xf32, #tpu.memory_space<hbm>> -> memref<16x256xf32, #tpu.memory_space<hbm>>
      %dma_wait3A_269 = arith.constant 0 : i32
      %dma_wait3A_270 = arith.constant 0 : i32
      %dma_wait3A_271 = tpu.memref_slice %arg7[%dma_wait3A_265, %dma_wait3A_269, %dma_wait3A_270] : memref<2x16x4096xf32, #tpu.memory_space<vmem_shared>> -> memref<1x16x256xf32, #tpu.memory_space<vmem_shared>>
      %dma_wait3A_272 = tpu.memref_squeeze %dma_wait3A_271 : memref<1x16x256xf32, #tpu.memory_space<vmem_shared>> -> memref<16x256xf32, #tpu.memory_space<vmem_shared>>
      tpu.wait_dma2 semaphore(%arg12 : memref<!tpu.dma_semaphore, #tpu.memory_space<semaphore_mem>>) src(%dma_wait3A_272 : memref<16x256xf32, #tpu.memory_space<vmem_shared>>) dst(%dma_wait3A_268 : memref<16x256xf32, #tpu.memory_space<hbm>>)
      %mul3A_273 = arith.constant 16 : i32
      %mul3A_274 = arith.muli %arg0, %mul3A_273 : i32
      %dma_wait3A_275 = arith.constant 1 : i32
      %dma_wait3A_276 = arith.constant 0 : i32
      %dma_wait3A_277 = tpu.memref_slice %arg4[%scan3A_107, %mul3A_274, %dma_wait3A_276] : memref<26x32x16384xf32, #tpu.memory_space<hbm>> -> memref<1x16x256xf32, #tpu.memory_space<hbm>>
      %dma_wait3A_278 = tpu.memref_squeeze %dma_wait3A_277 : memref<1x16x256xf32, #tpu.memory_space<hbm>> -> memref<16x256xf32, #tpu.memory_space<hbm>>
      %dma_wait3A_279 = arith.constant 0 : i32
      %dma_wait3A_280 = arith.constant 0 : i32
      %dma_wait3A_281 = tpu.memref_slice %arg7[%dma_wait3A_275, %dma_wait3A_279, %dma_wait3A_280] : memref<2x16x4096xf32, #tpu.memory_space<vmem_shared>> -> memref<1x16x256xf32, #tpu.memory_space<vmem_shared>>
      %dma_wait3A_282 = tpu.memref_squeeze %dma_wait3A_281 : memref<1x16x256xf32, #tpu.memory_space<vmem_shared>> -> memref<16x256xf32, #tpu.memory_space<vmem_shared>>
      tpu.wait_dma2 semaphore(%arg13 : memref<!tpu.dma_semaphore, #tpu.memory_space<semaphore_mem>>) src(%dma_wait3A_282 : memref<16x256xf32, #tpu.memory_space<vmem_shared>>) dst(%dma_wait3A_278 : memref<16x256xf32, #tpu.memory_space<hbm>>)
    }
    %scan3A_95 = arith.constant 8 : i32
    %mul3A_96 = arith.constant 1024 : i32
    %mul3A_97 = arith.muli %arg1, %mul3A_96 : i32
    %mul3A_98 = arith.constant 1024 : i32
    %mul3A_99 = arith.muli %arg1, %mul3A_98 : i32
    "tpu.region"() ({
      %run_scoped3A = tpu.sem_alloc : memref<!tpu.dma_semaphore, #tpu.memory_space<semaphore_mem>>
      %dma_start3A_107 = arith.constant 0 : i32
      %dma_start3A_108 = tpu.memref_slice %arg6[%dma_start3A_107, %mul3A_99] : memref<8x16384xi32, #tpu.memory_space<vmem_shared>> -> memref<2x1024xi32, #tpu.memory_space<vmem_shared>>
      %dma_start3A_109 = arith.constant 24 : i32
      %dma_start3A_110 = tpu.memref_slice %arg2[%dma_start3A_109, %mul3A_97] : memref<26x16384xi32, #tpu.memory_space<hbm>> -> memref<2x1024xi32, #tpu.memory_space<hbm>>
      tpu.enqueue_dma source(%dma_start3A_110 : memref<2x1024xi32, #tpu.memory_space<hbm>>) target(%dma_start3A_108 : memref<2x1024xi32, #tpu.memory_space<vmem_shared>>) target_semaphore(%run_scoped3A : memref<!tpu.dma_semaphore, #tpu.memory_space<semaphore_mem>>)
      %dma_wait3A = arith.constant 0 : i32
      %dma_wait3A_111 = tpu.memref_slice %arg6[%dma_wait3A, %mul3A_99] : memref<8x16384xi32, #tpu.memory_space<vmem_shared>> -> memref<2x1024xi32, #tpu.memory_space<vmem_shared>>
      %dma_wait3A_112 = arith.constant 24 : i32
      %dma_wait3A_113 = tpu.memref_slice %arg2[%dma_wait3A_112, %mul3A_97] : memref<26x16384xi32, #tpu.memory_space<hbm>> -> memref<2x1024xi32, #tpu.memory_space<hbm>>
      tpu.wait_dma2 semaphore(%run_scoped3A : memref<!tpu.dma_semaphore, #tpu.memory_space<semaphore_mem>>) src(%dma_wait3A_113 : memref<2x1024xi32, #tpu.memory_space<hbm>>) dst(%dma_wait3A_111 : memref<2x1024xi32, #tpu.memory_space<vmem_shared>>)
      tpu.yield
    }) : () -> ()
    %barrier3A_100 = arith.constant 0 : index
    tpu.barrier barrier_id(%barrier3A_100)
    %scan3A_101 = arith.constant 0 : i32
    %scan3A_102 = arith.constant 24 : i32
    %scan3A_103 = arith.constant 2 : i32
    %scan3A_104 = arith.addi %scan3A_102, %scan3A_103 : i32
    %scan3A_105 = arith.constant 1 : i32
    scf.for %scan3A_107 = %scan3A_102 to %scan3A_104 step %scan3A_105  : i32 {
      %mul3A_108 = arith.constant 2 : i32
      %mul3A_109 = arith.muli %arg0, %mul3A_108 : i32
      %add3A_110 = arith.constant 0 : i32
      %add3A_111 = arith.addi %mul3A_109, %add3A_110 : i32
      %dma_wait3A = arith.constant 0 : i32
      %dma_wait3A_112 = arith.constant 0 : i32
      %dma_wait3A_113 = arith.constant 0 : i32
      %dma_wait3A_114 = tpu.memref_slice %arg5[%dma_wait3A, %dma_wait3A_112, %dma_wait3A_113] : memref<2x8x38912xf32, #tpu.memory_space<vmem_shared>> -> memref<1x8x2432xf32, #tpu.memory_space<vmem_shared>>
      %dma_wait3A_115 = tpu.memref_squeeze %dma_wait3A_114 : memref<1x8x2432xf32, #tpu.memory_space<vmem_shared>> -> memref<8x2432xf32, #tpu.memory_space<vmem_shared>>
      %dma_wait3A_116 = arith.constant 0 : i32
      %dma_wait3A_117 = arith.constant 0 : i32
      %dma_wait3A_118 = tpu.memref_slice %arg3[%add3A_111, %dma_wait3A_116, %dma_wait3A_117] : memref<4x8x999986xf32, #tpu.memory_space<hbm>> -> memref<1x8x2432xf32, #tpu.memory_space<hbm>>
      %dma_wait3A_119 = tpu.memref_squeeze %dma_wait3A_118 : memref<1x8x2432xf32, #tpu.memory_space<hbm>> -> memref<8x2432xf32, #tpu.memory_space<hbm>>
      tpu.wait_dma2 semaphore(%arg11 : memref<!tpu.dma_semaphore, #tpu.memory_space<semaphore_mem>>) src(%dma_wait3A_119 : memref<8x2432xf32, #tpu.memory_space<hbm>>) dst(%dma_wait3A_115 : memref<8x2432xf32, #tpu.memory_space<vmem_shared>>)
      %mul3A_120 = arith.constant 2 : i32
      %mul3A_121 = arith.muli %arg0, %mul3A_120 : i32
      %add3A_122 = arith.constant 1 : i32
      %add3A_123 = arith.addi %mul3A_121, %add3A_122 : i32
      %dma_wait3A_124 = arith.constant 1 : i32
      %dma_wait3A_125 = arith.constant 0 : i32
      %dma_wait3A_126 = arith.constant 0 : i32
      %dma_wait3A_127 = tpu.memref_slice %arg5[%dma_wait3A_124, %dma_wait3A_125, %dma_wait3A_126] : memref<2x8x38912xf32, #tpu.memory_space<vmem_shared>> -> memref<1x8x2432xf32, #tpu.memory_space<vmem_shared>>
      %dma_wait3A_128 = tpu.memref_squeeze %dma_wait3A_127 : memref<1x8x2432xf32, #tpu.memory_space<vmem_shared>> -> memref<8x2432xf32, #tpu.memory_space<vmem_shared>>
      %dma_wait3A_129 = arith.constant 0 : i32
      %dma_wait3A_130 = arith.constant 0 : i32
      %dma_wait3A_131 = tpu.memref_slice %arg3[%add3A_123, %dma_wait3A_129, %dma_wait3A_130] : memref<4x8x999986xf32, #tpu.memory_space<hbm>> -> memref<1x8x2432xf32, #tpu.memory_space<hbm>>
      %dma_wait3A_132 = tpu.memref_squeeze %dma_wait3A_131 : memref<1x8x2432xf32, #tpu.memory_space<hbm>> -> memref<8x2432xf32, #tpu.memory_space<hbm>>
      tpu.wait_dma2 semaphore(%arg11 : memref<!tpu.dma_semaphore, #tpu.memory_space<semaphore_mem>>) src(%dma_wait3A_132 : memref<8x2432xf32, #tpu.memory_space<hbm>>) dst(%dma_wait3A_128 : memref<8x2432xf32, #tpu.memory_space<vmem_shared>>)
      %barrier3A_133 = arith.constant 0 : index
      tpu.barrier barrier_id(%barrier3A_133)
      %dma_start3A_134 = arith.constant 0 : i32
      %dma_start3A_135 = tpu.memref_slice %arg5[%select_n3A, %select_n3A_28, %dma_start3A_134] : memref<2x8x38912xf32, #tpu.memory_space<vmem_shared>> -> memref<1x1x38912xf32, #tpu.memory_space<vmem_shared>>
      %dma_start3A_136 = tpu.memref_squeeze %dma_start3A_135 : memref<1x1x38912xf32, #tpu.memory_space<vmem_shared>> -> memref<38912xf32, #tpu.memory_space<vmem_shared>>
      %dma_start3A_137 = arith.constant 0 : i32
      %dma_start3A_138 = tpu.memref_slice %arg5[%select_n3A, %select_n3A_28, %dma_start3A_137] : memref<2x8x38912xf32, #tpu.memory_space<vmem_shared>> -> memref<1x1x38912xf32, #tpu.memory_space<vmem_shared>>
      %dma_start3A_139 = tpu.memref_squeeze %dma_start3A_138 : memref<1x1x38912xf32, #tpu.memory_space<vmem_shared>> -> memref<38912xf32, #tpu.memory_space<vmem_shared>>
      tpu.enqueue_dma source(%dma_start3A_139 : memref<38912xf32, #tpu.memory_space<vmem_shared>>) target(%arg8 : memref<38912xf32, #tpu.memory_space<vmem>>) target_semaphore(%arg11 : memref<!tpu.dma_semaphore, #tpu.memory_space<semaphore_mem>>)
      %rem3A_140 = arith.constant 8 : i32
      %rem3A_141 = arith.remsi %scan3A_107, %rem3A_140 : i32
      %dma_start3A_142 = arith.constant 0 : i32
      %dma_start3A_143 = tpu.memref_slice %arg6[%rem3A_141, %dma_start3A_142] : memref<8x16384xi32, #tpu.memory_space<vmem_shared>> -> memref<1x16384xi32, #tpu.memory_space<vmem_shared>>
      %dma_start3A_144 = tpu.memref_squeeze %dma_start3A_143 : memref<1x16384xi32, #tpu.memory_space<vmem_shared>> -> memref<16384xi32, #tpu.memory_space<vmem_shared>>
      %dma_start3A_145 = arith.constant 0 : i32
      %dma_start3A_146 = tpu.memref_slice %arg6[%rem3A_141, %dma_start3A_145] : memref<8x16384xi32, #tpu.memory_space<vmem_shared>> -> memref<1x16384xi32, #tpu.memory_space<vmem_shared>>
      %dma_start3A_147 = tpu.memref_squeeze %dma_start3A_146 : memref<1x16384xi32, #tpu.memory_space<vmem_shared>> -> memref<16384xi32, #tpu.memory_space<vmem_shared>>
      tpu.enqueue_dma source(%dma_start3A_147 : memref<16384xi32, #tpu.memory_space<vmem_shared>>) target(%arg9 : memref<16384xi32, #tpu.memory_space<vmem>>) target_semaphore(%arg11 : memref<!tpu.dma_semaphore, #tpu.memory_space<semaphore_mem>>)
      %dma_wait3A_148 = arith.constant 0 : i32
      %dma_wait3A_149 = arith.constant 0 : i32
      %dma_wait3A_150 = arith.constant 0 : i32
      %dma_wait3A_151 = tpu.memref_slice %arg5[%dma_wait3A_148, %dma_wait3A_149, %dma_wait3A_150] : memref<2x8x38912xf32, #tpu.memory_space<vmem_shared>> -> memref<1x1x38912xf32, #tpu.memory_space<vmem_shared>>
      %dma_wait3A_152 = tpu.memref_squeeze %dma_wait3A_151 : memref<1x1x38912xf32, #tpu.memory_space<vmem_shared>> -> memref<38912xf32, #tpu.memory_space<vmem_shared>>
      %dma_wait3A_153 = arith.constant 0 : i32
      %dma_wait3A_154 = tpu.memref_slice %arg5[%dma_wait3A_148, %dma_wait3A_149, %dma_wait3A_153] : memref<2x8x38912xf32, #tpu.memory_space<vmem_shared>> -> memref<1x1x38912xf32, #tpu.memory_space<vmem_shared>>
      %dma_wait3A_155 = tpu.memref_squeeze %dma_wait3A_154 : memref<1x1x38912xf32, #tpu.memory_space<vmem_shared>> -> memref<38912xf32, #tpu.memory_space<vmem_shared>>
      tpu.wait_dma2 semaphore(%arg11 : memref<!tpu.dma_semaphore, #tpu.memory_space<semaphore_mem>>) src(%dma_wait3A_155 : memref<38912xf32, #tpu.memory_space<vmem_shared>>) dst(%arg8 : memref<38912xf32, #tpu.memory_space<vmem>>)
      %dma_wait3A_156 = arith.constant 0 : i32
      %dma_wait3A_157 = arith.constant 0 : i32
      %dma_wait3A_158 = tpu.memref_slice %arg6[%dma_wait3A_156, %dma_wait3A_157] : memref<8x16384xi32, #tpu.memory_space<vmem_shared>> -> memref<1x16384xi32, #tpu.memory_space<vmem_shared>>
      %dma_wait3A_159 = tpu.memref_squeeze %dma_wait3A_158 : memref<1x16384xi32, #tpu.memory_space<vmem_shared>> -> memref<16384xi32, #tpu.memory_space<vmem_shared>>
      %dma_wait3A_160 = arith.constant 0 : i32
      %dma_wait3A_161 = tpu.memref_slice %arg6[%dma_wait3A_156, %dma_wait3A_160] : memref<8x16384xi32, #tpu.memory_space<vmem_shared>> -> memref<1x16384xi32, #tpu.memory_space<vmem_shared>>
      %dma_wait3A_162 = tpu.memref_squeeze %dma_wait3A_161 : memref<1x16384xi32, #tpu.memory_space<vmem_shared>> -> memref<16384xi32, #tpu.memory_space<vmem_shared>>
      tpu.wait_dma2 semaphore(%arg11 : memref<!tpu.dma_semaphore, #tpu.memory_space<semaphore_mem>>) src(%dma_wait3A_162 : memref<16384xi32, #tpu.memory_space<vmem_shared>>) dst(%arg9 : memref<16384xi32, #tpu.memory_space<vmem>>)
      %barrier3A_163 = arith.constant 0 : index
      tpu.barrier barrier_id(%barrier3A_163)
      %lt3A_164 = arith.constant 25 : i32
      %lt3A_165 = arith.cmpi slt, %scan3A_107, %lt3A_164 : i32
      %convert_element_type3A = arith.extui %lt3A_165 : i1 to i32
      %cond3A = arith.constant 0 : i32
      %cond3A_166 = arith.cmpi ne, %convert_element_type3A, %cond3A : i32
      scf.if %cond3A_166 {
        %add3A_283 = arith.constant 1 : i32
        %add3A_284 = arith.addi %scan3A_107, %add3A_283 : i32
        %mul3A_285 = arith.constant 38461 : i32
        %mul3A_286 = arith.muli %add3A_284, %mul3A_285 : i32
        %rem3A_287 = arith.constant 128 : i32
        %rem3A_288 = arith.remsi %mul3A_286, %rem3A_287 : i32
        %sub3A_289 = arith.subi %mul3A_286, %rem3A_288 : i32
        %min3A_290 = arith.constant 961152 : i32
        %min3A_291 = arith.minsi %sub3A_289, %min3A_290 : i32
        %multiple_of3A_292 = tpu.assume_multiple %min3A_291, 128 : i32
        %mul3A_293 = arith.constant 2 : i32
        %mul3A_294 = arith.muli %arg0, %mul3A_293 : i32
        %add3A_295 = arith.constant 0 : i32
        %add3A_296 = arith.addi %mul3A_294, %add3A_295 : i32
        %mul3A_297 = arith.constant 2432 : i32
        %mul3A_298 = arith.muli %arg1, %mul3A_297 : i32
        %add3A_299 = arith.addi %multiple_of3A_292, %mul3A_298 : i32
        %mul3A_300 = arith.constant 2432 : i32
        %mul3A_301 = arith.muli %arg1, %mul3A_300 : i32
        %dma_start3A_302 = arith.constant 0 : i32
        %dma_start3A_303 = arith.constant 0 : i32
        %dma_start3A_304 = tpu.memref_slice %arg5[%dma_start3A_302, %dma_start3A_303, %mul3A_301] : memref<2x8x38912xf32, #tpu.memory_space<vmem_shared>> -> memref<1x8x2432xf32, #tpu.memory_space<vmem_shared>>
        %dma_start3A_305 = tpu.memref_squeeze %dma_start3A_304 : memref<1x8x2432xf32, #tpu.memory_space<vmem_shared>> -> memref<8x2432xf32, #tpu.memory_space<vmem_shared>>
        %dma_start3A_306 = arith.constant 0 : i32
        %dma_start3A_307 = tpu.memref_slice %arg3[%add3A_296, %dma_start3A_306, %add3A_299] : memref<4x8x999986xf32, #tpu.memory_space<hbm>> -> memref<1x8x2432xf32, #tpu.memory_space<hbm>>
        %dma_start3A_308 = tpu.memref_squeeze %dma_start3A_307 : memref<1x8x2432xf32, #tpu.memory_space<hbm>> -> memref<8x2432xf32, #tpu.memory_space<hbm>>
        tpu.enqueue_dma source(%dma_start3A_308 : memref<8x2432xf32, #tpu.memory_space<hbm>>) target(%dma_start3A_305 : memref<8x2432xf32, #tpu.memory_space<vmem_shared>>) target_semaphore(%arg11 : memref<!tpu.dma_semaphore, #tpu.memory_space<semaphore_mem>>)
        %mul3A_309 = arith.constant 2 : i32
        %mul3A_310 = arith.muli %arg0, %mul3A_309 : i32
        %add3A_311 = arith.constant 1 : i32
        %add3A_312 = arith.addi %mul3A_310, %add3A_311 : i32
        %mul3A_313 = arith.constant 2432 : i32
        %mul3A_314 = arith.muli %arg1, %mul3A_313 : i32
        %add3A_315 = arith.addi %multiple_of3A_292, %mul3A_314 : i32
        %mul3A_316 = arith.constant 2432 : i32
        %mul3A_317 = arith.muli %arg1, %mul3A_316 : i32
        %dma_start3A_318 = arith.constant 1 : i32
        %dma_start3A_319 = arith.constant 0 : i32
        %dma_start3A_320 = tpu.memref_slice %arg5[%dma_start3A_318, %dma_start3A_319, %mul3A_317] : memref<2x8x38912xf32, #tpu.memory_space<vmem_shared>> -> memref<1x8x2432xf32, #tpu.memory_space<vmem_shared>>
        %dma_start3A_321 = tpu.memref_squeeze %dma_start3A_320 : memref<1x8x2432xf32, #tpu.memory_space<vmem_shared>> -> memref<8x2432xf32, #tpu.memory_space<vmem_shared>>
        %dma_start3A_322 = arith.constant 0 : i32
        %dma_start3A_323 = tpu.memref_slice %arg3[%add3A_312, %dma_start3A_322, %add3A_315] : memref<4x8x999986xf32, #tpu.memory_space<hbm>> -> memref<1x8x2432xf32, #tpu.memory_space<hbm>>
        %dma_start3A_324 = tpu.memref_squeeze %dma_start3A_323 : memref<1x8x2432xf32, #tpu.memory_space<hbm>> -> memref<8x2432xf32, #tpu.memory_space<hbm>>
        tpu.enqueue_dma source(%dma_start3A_324 : memref<8x2432xf32, #tpu.memory_space<hbm>>) target(%dma_start3A_321 : memref<8x2432xf32, #tpu.memory_space<vmem_shared>>) target_semaphore(%arg11 : memref<!tpu.dma_semaphore, #tpu.memory_space<semaphore_mem>>)
      } else {
      }
      %mul3A_167 = arith.constant 38461 : i32
      %mul3A_168 = arith.muli %scan3A_107, %mul3A_167 : i32
      %mul3A_169 = arith.constant 38461 : i32
      %mul3A_170 = arith.muli %scan3A_107, %mul3A_169 : i32
      %rem3A_171 = arith.constant 128 : i32
      %rem3A_172 = arith.remsi %mul3A_170, %rem3A_171 : i32
      %sub3A_173 = arith.subi %mul3A_170, %rem3A_172 : i32
      %min3A_174 = arith.constant 961152 : i32
      %min3A_175 = arith.minsi %sub3A_173, %min3A_174 : i32
      %multiple_of3A_176 = tpu.assume_multiple %min3A_175, 128 : i32
      %sub3A_177 = arith.subi %mul3A_168, %multiple_of3A_176 : i32
      %parallel_loop3A = arith.constant 0 : i32
      %parallel_loop3A_178 = arith.constant 16384 : i32
      %parallel_loop3A_179 = arith.constant 16 : i32
      scf.for %parallel_loop3A_283 = %parallel_loop3A to %parallel_loop3A_178 step %parallel_loop3A_179  : i32 {
        %parallel_loop3A_284 = arith.index_cast %parallel_loop3A_283 : i32 to index
        %parallel_loop3A_285 = tpu.vector_load %arg9[%parallel_loop3A_284] {strides = array<i32>} : memref<16384xi32, #tpu.memory_space<vmem>>, vector<16xi32>,
        %parallel_loop3A_286 = vector.broadcast %sub3A_177 : i32 to vector<16xi32>
        %parallel_loop3A_287 = arith.addi %parallel_loop3A_285, %parallel_loop3A_286 : vector<16xi32>
        %parallel_loop3A_288 = tpu.vector_load_idx %arg8[%parallel_loop3A_287] : memref<38912xf32, #tpu.memory_space<vmem>>[vector<16xi32>], vector<16xf32>,
        %parallel_loop3A_289 = arith.index_cast %parallel_loop3A_283 : i32 to index
        %parallel_loop3A_290 = tpu.vector_load %arg10[%parallel_loop3A_289] {strides = array<i32>} : memref<16384xf32, #tpu.memory_space<vmem>>, vector<16xf32>,
        tpu.vector_store %arg10[%parallel_loop3A_289], %parallel_loop3A_288 {strides = array<i32>} : memref<16384xf32, #tpu.memory_space<vmem>>, vector<16xf32>,
      } {sc.loop_unroll_factor = 16 : i64, sc.parallel_access}
      %run_scoped3A = arith.constant 0 : i32
      "tpu.region"() ({
        %run_scoped3A_283 = tpu.sem_alloc : memref<!tpu.dma_semaphore, #tpu.memory_space<semaphore_mem>>
        %dma_start3A_284 = arith.constant 0 : i32
        %dma_start3A_285 = tpu.memref_slice %arg10[%dma_start3A_284] : memref<16384xf32, #tpu.memory_space<vmem>> -> memref<4096xf32, #tpu.memory_space<vmem>>
        %dma_start3A_286 = arith.constant 0 : i32
        %dma_start3A_287 = tpu.memref_slice %arg7[%run_scoped3A, %arg1, %dma_start3A_286] : memref<2x16x4096xf32, #tpu.memory_space<vmem_shared>> -> memref<1x1x4096xf32, #tpu.memory_space<vmem_shared>>
        %dma_start3A_288 = tpu.memref_squeeze %dma_start3A_287 : memref<1x1x4096xf32, #tpu.memory_space<vmem_shared>> -> memref<4096xf32, #tpu.memory_space<vmem_shared>>
        %dma_start3A_289 = arith.constant 0 : i32
        %dma_start3A_290 = tpu.memref_slice %arg7[%run_scoped3A, %arg1, %dma_start3A_289] : memref<2x16x4096xf32, #tpu.memory_space<vmem_shared>> -> memref<1x1x4096xf32, #tpu.memory_space<vmem_shared>>
        %dma_start3A_291 = tpu.memref_squeeze %dma_start3A_290 : memref<1x1x4096xf32, #tpu.memory_space<vmem_shared>> -> memref<4096xf32, #tpu.memory_space<vmem_shared>>
        %dma_start3A_292 = arith.constant 0 : i32
        %dma_start3A_293 = tpu.memref_slice %arg10[%dma_start3A_292] : memref<16384xf32, #tpu.memory_space<vmem>> -> memref<4096xf32, #tpu.memory_space<vmem>>
        tpu.enqueue_dma source(%dma_start3A_293 : memref<4096xf32, #tpu.memory_space<vmem>>) target(%dma_start3A_291 : memref<4096xf32, #tpu.memory_space<vmem_shared>>) target_semaphore(%run_scoped3A_283 : memref<!tpu.dma_semaphore, #tpu.memory_space<semaphore_mem>>)
        %dma_wait3A_294 = arith.constant 0 : i32
        %dma_wait3A_295 = tpu.memref_slice %arg10[%dma_wait3A_294] : memref<16384xf32, #tpu.memory_space<vmem>> -> memref<4096xf32, #tpu.memory_space<vmem>>
        %dma_wait3A_296 = arith.constant 0 : i32
        %dma_wait3A_297 = tpu.memref_slice %arg7[%run_scoped3A, %arg1, %dma_wait3A_296] : memref<2x16x4096xf32, #tpu.memory_space<vmem_shared>> -> memref<1x1x4096xf32, #tpu.memory_space<vmem_shared>>
        %dma_wait3A_298 = tpu.memref_squeeze %dma_wait3A_297 : memref<1x1x4096xf32, #tpu.memory_space<vmem_shared>> -> memref<4096xf32, #tpu.memory_space<vmem_shared>>
        %dma_wait3A_299 = arith.constant 0 : i32
        %dma_wait3A_300 = tpu.memref_slice %arg7[%run_scoped3A, %arg1, %dma_wait3A_299] : memref<2x16x4096xf32, #tpu.memory_space<vmem_shared>> -> memref<1x1x4096xf32, #tpu.memory_space<vmem_shared>>
        %dma_wait3A_301 = tpu.memref_squeeze %dma_wait3A_300 : memref<1x1x4096xf32, #tpu.memory_space<vmem_shared>> -> memref<4096xf32, #tpu.memory_space<vmem_shared>>
        %dma_wait3A_302 = arith.constant 0 : i32
        %dma_wait3A_303 = tpu.memref_slice %arg10[%dma_wait3A_302] : memref<16384xf32, #tpu.memory_space<vmem>> -> memref<4096xf32, #tpu.memory_space<vmem>>
        tpu.wait_dma2 semaphore(%run_scoped3A_283 : memref<!tpu.dma_semaphore, #tpu.memory_space<semaphore_mem>>) src(%dma_wait3A_303 : memref<4096xf32, #tpu.memory_space<vmem>>) dst(%dma_wait3A_301 : memref<4096xf32, #tpu.memory_space<vmem_shared>>)
        tpu.yield
      }) : () -> ()
      %barrier3A_180 = arith.constant 0 : index
      tpu.barrier barrier_id(%barrier3A_180)
      %mul3A_181 = arith.constant 256 : i32
      %mul3A_182 = arith.muli %arg1, %mul3A_181 : i32
      %mul3A_183 = arith.constant 16 : i32
      %mul3A_184 = arith.muli %arg0, %mul3A_183 : i32
      %mul3A_185 = arith.constant 256 : i32
      %mul3A_186 = arith.muli %arg1, %mul3A_185 : i32
      %add3A_187 = arith.constant 0 : i32
      %add3A_188 = arith.addi %add3A_187, %mul3A_186 : i32
      %dma_start3A_189 = arith.constant 0 : i32
      %dma_start3A_190 = tpu.memref_slice %arg4[%scan3A_107, %mul3A_184, %add3A_188] : memref<26x32x16384xf32, #tpu.memory_space<hbm>> -> memref<1x16x256xf32, #tpu.memory_space<hbm>>
      %dma_start3A_191 = tpu.memref_squeeze %dma_start3A_190 : memref<1x16x256xf32, #tpu.memory_space<hbm>> -> memref<16x256xf32, #tpu.memory_space<hbm>>
      %dma_start3A_192 = arith.constant 0 : i32
      %dma_start3A_193 = tpu.memref_slice %arg7[%dma_start3A_189, %dma_start3A_192, %mul3A_182] : memref<2x16x4096xf32, #tpu.memory_space<vmem_shared>> -> memref<1x16x256xf32, #tpu.memory_space<vmem_shared>>
      %dma_start3A_194 = tpu.memref_squeeze %dma_start3A_193 : memref<1x16x256xf32, #tpu.memory_space<vmem_shared>> -> memref<16x256xf32, #tpu.memory_space<vmem_shared>>
      tpu.enqueue_dma source(%dma_start3A_194 : memref<16x256xf32, #tpu.memory_space<vmem_shared>>) target(%dma_start3A_191 : memref<16x256xf32, #tpu.memory_space<hbm>>) target_semaphore(%arg12 : memref<!tpu.dma_semaphore, #tpu.memory_space<semaphore_mem>>)
      %run_scoped3A_195 = arith.constant 1 : i32
      "tpu.region"() ({
        %run_scoped3A_283 = tpu.sem_alloc : memref<!tpu.dma_semaphore, #tpu.memory_space<semaphore_mem>>
        %dma_start3A_284 = arith.constant 4096 : i32
        %dma_start3A_285 = tpu.memref_slice %arg10[%dma_start3A_284] : memref<16384xf32, #tpu.memory_space<vmem>> -> memref<4096xf32, #tpu.memory_space<vmem>>
        %dma_start3A_286 = arith.constant 0 : i32
        %dma_start3A_287 = tpu.memref_slice %arg7[%run_scoped3A_195, %arg1, %dma_start3A_286] : memref<2x16x4096xf32, #tpu.memory_space<vmem_shared>> -> memref<1x1x4096xf32, #tpu.memory_space<vmem_shared>>
        %dma_start3A_288 = tpu.memref_squeeze %dma_start3A_287 : memref<1x1x4096xf32, #tpu.memory_space<vmem_shared>> -> memref<4096xf32, #tpu.memory_space<vmem_shared>>
        %dma_start3A_289 = arith.constant 0 : i32
        %dma_start3A_290 = tpu.memref_slice %arg7[%run_scoped3A_195, %arg1, %dma_start3A_289] : memref<2x16x4096xf32, #tpu.memory_space<vmem_shared>> -> memref<1x1x4096xf32, #tpu.memory_space<vmem_shared>>
        %dma_start3A_291 = tpu.memref_squeeze %dma_start3A_290 : memref<1x1x4096xf32, #tpu.memory_space<vmem_shared>> -> memref<4096xf32, #tpu.memory_space<vmem_shared>>
        %dma_start3A_292 = arith.constant 4096 : i32
        %dma_start3A_293 = tpu.memref_slice %arg10[%dma_start3A_292] : memref<16384xf32, #tpu.memory_space<vmem>> -> memref<4096xf32, #tpu.memory_space<vmem>>
        tpu.enqueue_dma source(%dma_start3A_293 : memref<4096xf32, #tpu.memory_space<vmem>>) target(%dma_start3A_291 : memref<4096xf32, #tpu.memory_space<vmem_shared>>) target_semaphore(%run_scoped3A_283 : memref<!tpu.dma_semaphore, #tpu.memory_space<semaphore_mem>>)
        %dma_wait3A_294 = arith.constant 4096 : i32
        %dma_wait3A_295 = tpu.memref_slice %arg10[%dma_wait3A_294] : memref<16384xf32, #tpu.memory_space<vmem>> -> memref<4096xf32, #tpu.memory_space<vmem>>
        %dma_wait3A_296 = arith.constant 0 : i32
        %dma_wait3A_297 = tpu.memref_slice %arg7[%run_scoped3A_195, %arg1, %dma_wait3A_296] : memref<2x16x4096xf32, #tpu.memory_space<vmem_shared>> -> memref<1x1x4096xf32, #tpu.memory_space<vmem_shared>>
        %dma_wait3A_298 = tpu.memref_squeeze %dma_wait3A_297 : memref<1x1x4096xf32, #tpu.memory_space<vmem_shared>> -> memref<4096xf32, #tpu.memory_space<vmem_shared>>
        %dma_wait3A_299 = arith.constant 0 : i32
        %dma_wait3A_300 = tpu.memref_slice %arg7[%run_scoped3A_195, %arg1, %dma_wait3A_299] : memref<2x16x4096xf32, #tpu.memory_space<vmem_shared>> -> memref<1x1x4096xf32, #tpu.memory_space<vmem_shared>>
        %dma_wait3A_301 = tpu.memref_squeeze %dma_wait3A_300 : memref<1x1x4096xf32, #tpu.memory_space<vmem_shared>> -> memref<4096xf32, #tpu.memory_space<vmem_shared>>
        %dma_wait3A_302 = arith.constant 4096 : i32
        %dma_wait3A_303 = tpu.memref_slice %arg10[%dma_wait3A_302] : memref<16384xf32, #tpu.memory_space<vmem>> -> memref<4096xf32, #tpu.memory_space<vmem>>
        tpu.wait_dma2 semaphore(%run_scoped3A_283 : memref<!tpu.dma_semaphore, #tpu.memory_space<semaphore_mem>>) src(%dma_wait3A_303 : memref<4096xf32, #tpu.memory_space<vmem>>) dst(%dma_wait3A_301 : memref<4096xf32, #tpu.memory_space<vmem_shared>>)
        tpu.yield
      }) : () -> ()
      %barrier3A_196 = arith.constant 0 : index
      tpu.barrier barrier_id(%barrier3A_196)
      %mul3A_197 = arith.constant 256 : i32
      %mul3A_198 = arith.muli %arg1, %mul3A_197 : i32
      %mul3A_199 = arith.constant 16 : i32
      %mul3A_200 = arith.muli %arg0, %mul3A_199 : i32
      %mul3A_201 = arith.constant 256 : i32
      %mul3A_202 = arith.muli %arg1, %mul3A_201 : i32
      %add3A_203 = arith.constant 4096 : i32
      %add3A_204 = arith.addi %add3A_203, %mul3A_202 : i32
      %dma_start3A_205 = arith.constant 1 : i32
      %dma_start3A_206 = tpu.memref_slice %arg4[%scan3A_107, %mul3A_200, %add3A_204] : memref<26x32x16384xf32, #tpu.memory_space<hbm>> -> memref<1x16x256xf32, #tpu.memory_space<hbm>>
      %dma_start3A_207 = tpu.memref_squeeze %dma_start3A_206 : memref<1x16x256xf32, #tpu.memory_space<hbm>> -> memref<16x256xf32, #tpu.memory_space<hbm>>
      %dma_start3A_208 = arith.constant 0 : i32
      %dma_start3A_209 = tpu.memref_slice %arg7[%dma_start3A_205, %dma_start3A_208, %mul3A_198] : memref<2x16x4096xf32, #tpu.memory_space<vmem_shared>> -> memref<1x16x256xf32, #tpu.memory_space<vmem_shared>>
      %dma_start3A_210 = tpu.memref_squeeze %dma_start3A_209 : memref<1x16x256xf32, #tpu.memory_space<vmem_shared>> -> memref<16x256xf32, #tpu.memory_space<vmem_shared>>
      tpu.enqueue_dma source(%dma_start3A_210 : memref<16x256xf32, #tpu.memory_space<vmem_shared>>) target(%dma_start3A_207 : memref<16x256xf32, #tpu.memory_space<hbm>>) target_semaphore(%arg13 : memref<!tpu.dma_semaphore, #tpu.memory_space<semaphore_mem>>)
      %mul3A_211 = arith.constant 16 : i32
      %mul3A_212 = arith.muli %arg0, %mul3A_211 : i32
      %dma_wait3A_213 = arith.constant 0 : i32
      %dma_wait3A_214 = arith.constant 0 : i32
      %dma_wait3A_215 = tpu.memref_slice %arg4[%scan3A_107, %mul3A_212, %dma_wait3A_214] : memref<26x32x16384xf32, #tpu.memory_space<hbm>> -> memref<1x16x256xf32, #tpu.memory_space<hbm>>
      %dma_wait3A_216 = tpu.memref_squeeze %dma_wait3A_215 : memref<1x16x256xf32, #tpu.memory_space<hbm>> -> memref<16x256xf32, #tpu.memory_space<hbm>>
      %dma_wait3A_217 = arith.constant 0 : i32
      %dma_wait3A_218 = arith.constant 0 : i32
      %dma_wait3A_219 = tpu.memref_slice %arg7[%dma_wait3A_213, %dma_wait3A_217, %dma_wait3A_218] : memref<2x16x4096xf32, #tpu.memory_space<vmem_shared>> -> memref<1x16x256xf32, #tpu.memory_space<vmem_shared>>
      %dma_wait3A_220 = tpu.memref_squeeze %dma_wait3A_219 : memref<1x16x256xf32, #tpu.memory_space<vmem_shared>> -> memref<16x256xf32, #tpu.memory_space<vmem_shared>>
      tpu.wait_dma2 semaphore(%arg12 : memref<!tpu.dma_semaphore, #tpu.memory_space<semaphore_mem>>) src(%dma_wait3A_220 : memref<16x256xf32, #tpu.memory_space<vmem_shared>>) dst(%dma_wait3A_216 : memref<16x256xf32, #tpu.memory_space<hbm>>)
      %run_scoped3A_221 = arith.constant 0 : i32
      "tpu.region"() ({
        %run_scoped3A_283 = tpu.sem_alloc : memref<!tpu.dma_semaphore, #tpu.memory_space<semaphore_mem>>
        %dma_start3A_284 = arith.constant 8192 : i32
        %dma_start3A_285 = tpu.memref_slice %arg10[%dma_start3A_284] : memref<16384xf32, #tpu.memory_space<vmem>> -> memref<4096xf32, #tpu.memory_space<vmem>>
        %dma_start3A_286 = arith.constant 0 : i32
        %dma_start3A_287 = tpu.memref_slice %arg7[%run_scoped3A_221, %arg1, %dma_start3A_286] : memref<2x16x4096xf32, #tpu.memory_space<vmem_shared>> -> memref<1x1x4096xf32, #tpu.memory_space<vmem_shared>>
        %dma_start3A_288 = tpu.memref_squeeze %dma_start3A_287 : memref<1x1x4096xf32, #tpu.memory_space<vmem_shared>> -> memref<4096xf32, #tpu.memory_space<vmem_shared>>
        %dma_start3A_289 = arith.constant 0 : i32
        %dma_start3A_290 = tpu.memref_slice %arg7[%run_scoped3A_221, %arg1, %dma_start3A_289] : memref<2x16x4096xf32, #tpu.memory_space<vmem_shared>> -> memref<1x1x4096xf32, #tpu.memory_space<vmem_shared>>
        %dma_start3A_291 = tpu.memref_squeeze %dma_start3A_290 : memref<1x1x4096xf32, #tpu.memory_space<vmem_shared>> -> memref<4096xf32, #tpu.memory_space<vmem_shared>>
        %dma_start3A_292 = arith.constant 8192 : i32
        %dma_start3A_293 = tpu.memref_slice %arg10[%dma_start3A_292] : memref<16384xf32, #tpu.memory_space<vmem>> -> memref<4096xf32, #tpu.memory_space<vmem>>
        tpu.enqueue_dma source(%dma_start3A_293 : memref<4096xf32, #tpu.memory_space<vmem>>) target(%dma_start3A_291 : memref<4096xf32, #tpu.memory_space<vmem_shared>>) target_semaphore(%run_scoped3A_283 : memref<!tpu.dma_semaphore, #tpu.memory_space<semaphore_mem>>)
        %dma_wait3A_294 = arith.constant 8192 : i32
        %dma_wait3A_295 = tpu.memref_slice %arg10[%dma_wait3A_294] : memref<16384xf32, #tpu.memory_space<vmem>> -> memref<4096xf32, #tpu.memory_space<vmem>>
        %dma_wait3A_296 = arith.constant 0 : i32
        %dma_wait3A_297 = tpu.memref_slice %arg7[%run_scoped3A_221, %arg1, %dma_wait3A_296] : memref<2x16x4096xf32, #tpu.memory_space<vmem_shared>> -> memref<1x1x4096xf32, #tpu.memory_space<vmem_shared>>
        %dma_wait3A_298 = tpu.memref_squeeze %dma_wait3A_297 : memref<1x1x4096xf32, #tpu.memory_space<vmem_shared>> -> memref<4096xf32, #tpu.memory_space<vmem_shared>>
        %dma_wait3A_299 = arith.constant 0 : i32
        %dma_wait3A_300 = tpu.memref_slice %arg7[%run_scoped3A_221, %arg1, %dma_wait3A_299] : memref<2x16x4096xf32, #tpu.memory_space<vmem_shared>> -> memref<1x1x4096xf32, #tpu.memory_space<vmem_shared>>
        %dma_wait3A_301 = tpu.memref_squeeze %dma_wait3A_300 : memref<1x1x4096xf32, #tpu.memory_space<vmem_shared>> -> memref<4096xf32, #tpu.memory_space<vmem_shared>>
        %dma_wait3A_302 = arith.constant 8192 : i32
        %dma_wait3A_303 = tpu.memref_slice %arg10[%dma_wait3A_302] : memref<16384xf32, #tpu.memory_space<vmem>> -> memref<4096xf32, #tpu.memory_space<vmem>>
        tpu.wait_dma2 semaphore(%run_scoped3A_283 : memref<!tpu.dma_semaphore, #tpu.memory_space<semaphore_mem>>) src(%dma_wait3A_303 : memref<4096xf32, #tpu.memory_space<vmem>>) dst(%dma_wait3A_301 : memref<4096xf32, #tpu.memory_space<vmem_shared>>)
        tpu.yield
      }) : () -> ()
      %barrier3A_222 = arith.constant 0 : index
      tpu.barrier barrier_id(%barrier3A_222)
      %mul3A_223 = arith.constant 256 : i32
      %mul3A_224 = arith.muli %arg1, %mul3A_223 : i32
      %mul3A_225 = arith.constant 16 : i32
      %mul3A_226 = arith.muli %arg0, %mul3A_225 : i32
      %mul3A_227 = arith.constant 256 : i32
      %mul3A_228 = arith.muli %arg1, %mul3A_227 : i32
      %add3A_229 = arith.constant 8192 : i32
      %add3A_230 = arith.addi %add3A_229, %mul3A_228 : i32
      %dma_start3A_231 = arith.constant 0 : i32
      %dma_start3A_232 = tpu.memref_slice %arg4[%scan3A_107, %mul3A_226, %add3A_230] : memref<26x32x16384xf32, #tpu.memory_space<hbm>> -> memref<1x16x256xf32, #tpu.memory_space<hbm>>
      %dma_start3A_233 = tpu.memref_squeeze %dma_start3A_232 : memref<1x16x256xf32, #tpu.memory_space<hbm>> -> memref<16x256xf32, #tpu.memory_space<hbm>>
      %dma_start3A_234 = arith.constant 0 : i32
      %dma_start3A_235 = tpu.memref_slice %arg7[%dma_start3A_231, %dma_start3A_234, %mul3A_224] : memref<2x16x4096xf32, #tpu.memory_space<vmem_shared>> -> memref<1x16x256xf32, #tpu.memory_space<vmem_shared>>
      %dma_start3A_236 = tpu.memref_squeeze %dma_start3A_235 : memref<1x16x256xf32, #tpu.memory_space<vmem_shared>> -> memref<16x256xf32, #tpu.memory_space<vmem_shared>>
      tpu.enqueue_dma source(%dma_start3A_236 : memref<16x256xf32, #tpu.memory_space<vmem_shared>>) target(%dma_start3A_233 : memref<16x256xf32, #tpu.memory_space<hbm>>) target_semaphore(%arg12 : memref<!tpu.dma_semaphore, #tpu.memory_space<semaphore_mem>>)
      %mul3A_237 = arith.constant 16 : i32
      %mul3A_238 = arith.muli %arg0, %mul3A_237 : i32
      %dma_wait3A_239 = arith.constant 1 : i32
      %dma_wait3A_240 = arith.constant 0 : i32
      %dma_wait3A_241 = tpu.memref_slice %arg4[%scan3A_107, %mul3A_238, %dma_wait3A_240] : memref<26x32x16384xf32, #tpu.memory_space<hbm>> -> memref<1x16x256xf32, #tpu.memory_space<hbm>>
      %dma_wait3A_242 = tpu.memref_squeeze %dma_wait3A_241 : memref<1x16x256xf32, #tpu.memory_space<hbm>> -> memref<16x256xf32, #tpu.memory_space<hbm>>
      %dma_wait3A_243 = arith.constant 0 : i32
      %dma_wait3A_244 = arith.constant 0 : i32
      %dma_wait3A_245 = tpu.memref_slice %arg7[%dma_wait3A_239, %dma_wait3A_243, %dma_wait3A_244] : memref<2x16x4096xf32, #tpu.memory_space<vmem_shared>> -> memref<1x16x256xf32, #tpu.memory_space<vmem_shared>>
      %dma_wait3A_246 = tpu.memref_squeeze %dma_wait3A_245 : memref<1x16x256xf32, #tpu.memory_space<vmem_shared>> -> memref<16x256xf32, #tpu.memory_space<vmem_shared>>
      tpu.wait_dma2 semaphore(%arg13 : memref<!tpu.dma_semaphore, #tpu.memory_space<semaphore_mem>>) src(%dma_wait3A_246 : memref<16x256xf32, #tpu.memory_space<vmem_shared>>) dst(%dma_wait3A_242 : memref<16x256xf32, #tpu.memory_space<hbm>>)
      %run_scoped3A_247 = arith.constant 1 : i32
      "tpu.region"() ({
        %run_scoped3A_283 = tpu.sem_alloc : memref<!tpu.dma_semaphore, #tpu.memory_space<semaphore_mem>>
        %dma_start3A_284 = arith.constant 12288 : i32
        %dma_start3A_285 = tpu.memref_slice %arg10[%dma_start3A_284] : memref<16384xf32, #tpu.memory_space<vmem>> -> memref<4096xf32, #tpu.memory_space<vmem>>
        %dma_start3A_286 = arith.constant 0 : i32
        %dma_start3A_287 = tpu.memref_slice %arg7[%run_scoped3A_247, %arg1, %dma_start3A_286] : memref<2x16x4096xf32, #tpu.memory_space<vmem_shared>> -> memref<1x1x4096xf32, #tpu.memory_space<vmem_shared>>
        %dma_start3A_288 = tpu.memref_squeeze %dma_start3A_287 : memref<1x1x4096xf32, #tpu.memory_space<vmem_shared>> -> memref<4096xf32, #tpu.memory_space<vmem_shared>>
        %dma_start3A_289 = arith.constant 0 : i32
        %dma_start3A_290 = tpu.memref_slice %arg7[%run_scoped3A_247, %arg1, %dma_start3A_289] : memref<2x16x4096xf32, #tpu.memory_space<vmem_shared>> -> memref<1x1x4096xf32, #tpu.memory_space<vmem_shared>>
        %dma_start3A_291 = tpu.memref_squeeze %dma_start3A_290 : memref<1x1x4096xf32, #tpu.memory_space<vmem_shared>> -> memref<4096xf32, #tpu.memory_space<vmem_shared>>
        %dma_start3A_292 = arith.constant 12288 : i32
        %dma_start3A_293 = tpu.memref_slice %arg10[%dma_start3A_292] : memref<16384xf32, #tpu.memory_space<vmem>> -> memref<4096xf32, #tpu.memory_space<vmem>>
        tpu.enqueue_dma source(%dma_start3A_293 : memref<4096xf32, #tpu.memory_space<vmem>>) target(%dma_start3A_291 : memref<4096xf32, #tpu.memory_space<vmem_shared>>) target_semaphore(%run_scoped3A_283 : memref<!tpu.dma_semaphore, #tpu.memory_space<semaphore_mem>>)
        %dma_wait3A_294 = arith.constant 12288 : i32
        %dma_wait3A_295 = tpu.memref_slice %arg10[%dma_wait3A_294] : memref<16384xf32, #tpu.memory_space<vmem>> -> memref<4096xf32, #tpu.memory_space<vmem>>
        %dma_wait3A_296 = arith.constant 0 : i32
        %dma_wait3A_297 = tpu.memref_slice %arg7[%run_scoped3A_247, %arg1, %dma_wait3A_296] : memref<2x16x4096xf32, #tpu.memory_space<vmem_shared>> -> memref<1x1x4096xf32, #tpu.memory_space<vmem_shared>>
        %dma_wait3A_298 = tpu.memref_squeeze %dma_wait3A_297 : memref<1x1x4096xf32, #tpu.memory_space<vmem_shared>> -> memref<4096xf32, #tpu.memory_space<vmem_shared>>
        %dma_wait3A_299 = arith.constant 0 : i32
        %dma_wait3A_300 = tpu.memref_slice %arg7[%run_scoped3A_247, %arg1, %dma_wait3A_299] : memref<2x16x4096xf32, #tpu.memory_space<vmem_shared>> -> memref<1x1x4096xf32, #tpu.memory_space<vmem_shared>>
        %dma_wait3A_301 = tpu.memref_squeeze %dma_wait3A_300 : memref<1x1x4096xf32, #tpu.memory_space<vmem_shared>> -> memref<4096xf32, #tpu.memory_space<vmem_shared>>
        %dma_wait3A_302 = arith.constant 12288 : i32
        %dma_wait3A_303 = tpu.memref_slice %arg10[%dma_wait3A_302] : memref<16384xf32, #tpu.memory_space<vmem>> -> memref<4096xf32, #tpu.memory_space<vmem>>
        tpu.wait_dma2 semaphore(%run_scoped3A_283 : memref<!tpu.dma_semaphore, #tpu.memory_space<semaphore_mem>>) src(%dma_wait3A_303 : memref<4096xf32, #tpu.memory_space<vmem>>) dst(%dma_wait3A_301 : memref<4096xf32, #tpu.memory_space<vmem_shared>>)
        tpu.yield
      }) : () -> ()
      %barrier3A_248 = arith.constant 0 : index
      tpu.barrier barrier_id(%barrier3A_248)
      %mul3A_249 = arith.constant 256 : i32
      %mul3A_250 = arith.muli %arg1, %mul3A_249 : i32
      %mul3A_251 = arith.constant 16 : i32
      %mul3A_252 = arith.muli %arg0, %mul3A_251 : i32
      %mul3A_253 = arith.constant 256 : i32
      %mul3A_254 = arith.muli %arg1, %mul3A_253 : i32
      %add3A_255 = arith.constant 12288 : i32
      %add3A_256 = arith.addi %add3A_255, %mul3A_254 : i32
      %dma_start3A_257 = arith.constant 1 : i32
      %dma_start3A_258 = tpu.memref_slice %arg4[%scan3A_107, %mul3A_252, %add3A_256] : memref<26x32x16384xf32, #tpu.memory_space<hbm>> -> memref<1x16x256xf32, #tpu.memory_space<hbm>>
      %dma_start3A_259 = tpu.memref_squeeze %dma_start3A_258 : memref<1x16x256xf32, #tpu.memory_space<hbm>> -> memref<16x256xf32, #tpu.memory_space<hbm>>
      %dma_start3A_260 = arith.constant 0 : i32
      %dma_start3A_261 = tpu.memref_slice %arg7[%dma_start3A_257, %dma_start3A_260, %mul3A_250] : memref<2x16x4096xf32, #tpu.memory_space<vmem_shared>> -> memref<1x16x256xf32, #tpu.memory_space<vmem_shared>>
      %dma_start3A_262 = tpu.memref_squeeze %dma_start3A_261 : memref<1x16x256xf32, #tpu.memory_space<vmem_shared>> -> memref<16x256xf32, #tpu.memory_space<vmem_shared>>
      tpu.enqueue_dma source(%dma_start3A_262 : memref<16x256xf32, #tpu.memory_space<vmem_shared>>) target(%dma_start3A_259 : memref<16x256xf32, #tpu.memory_space<hbm>>) target_semaphore(%arg13 : memref<!tpu.dma_semaphore, #tpu.memory_space<semaphore_mem>>)
      %mul3A_263 = arith.constant 16 : i32
      %mul3A_264 = arith.muli %arg0, %mul3A_263 : i32
      %dma_wait3A_265 = arith.constant 0 : i32
      %dma_wait3A_266 = arith.constant 0 : i32
      %dma_wait3A_267 = tpu.memref_slice %arg4[%scan3A_107, %mul3A_264, %dma_wait3A_266] : memref<26x32x16384xf32, #tpu.memory_space<hbm>> -> memref<1x16x256xf32, #tpu.memory_space<hbm>>
      %dma_wait3A_268 = tpu.memref_squeeze %dma_wait3A_267 : memref<1x16x256xf32, #tpu.memory_space<hbm>> -> memref<16x256xf32, #tpu.memory_space<hbm>>
      %dma_wait3A_269 = arith.constant 0 : i32
      %dma_wait3A_270 = arith.constant 0 : i32
      %dma_wait3A_271 = tpu.memref_slice %arg7[%dma_wait3A_265, %dma_wait3A_269, %dma_wait3A_270] : memref<2x16x4096xf32, #tpu.memory_space<vmem_shared>> -> memref<1x16x256xf32, #tpu.memory_space<vmem_shared>>
      %dma_wait3A_272 = tpu.memref_squeeze %dma_wait3A_271 : memref<1x16x256xf32, #tpu.memory_space<vmem_shared>> -> memref<16x256xf32, #tpu.memory_space<vmem_shared>>
      tpu.wait_dma2 semaphore(%arg12 : memref<!tpu.dma_semaphore, #tpu.memory_space<semaphore_mem>>) src(%dma_wait3A_272 : memref<16x256xf32, #tpu.memory_space<vmem_shared>>) dst(%dma_wait3A_268 : memref<16x256xf32, #tpu.memory_space<hbm>>)
      %mul3A_273 = arith.constant 16 : i32
      %mul3A_274 = arith.muli %arg0, %mul3A_273 : i32
      %dma_wait3A_275 = arith.constant 1 : i32
      %dma_wait3A_276 = arith.constant 0 : i32
      %dma_wait3A_277 = tpu.memref_slice %arg4[%scan3A_107, %mul3A_274, %dma_wait3A_276] : memref<26x32x16384xf32, #tpu.memory_space<hbm>> -> memref<1x16x256xf32, #tpu.memory_space<hbm>>
      %dma_wait3A_278 = tpu.memref_squeeze %dma_wait3A_277 : memref<1x16x256xf32, #tpu.memory_space<hbm>> -> memref<16x256xf32, #tpu.memory_space<hbm>>
      %dma_wait3A_279 = arith.constant 0 : i32
      %dma_wait3A_280 = arith.constant 0 : i32
      %dma_wait3A_281 = tpu.memref_slice %arg7[%dma_wait3A_275, %dma_wait3A_279, %dma_wait3A_280] : memref<2x16x4096xf32, #tpu.memory_space<vmem_shared>> -> memref<1x16x256xf32, #tpu.memory_space<vmem_shared>>
      %dma_wait3A_282 = tpu.memref_squeeze %dma_wait3A_281 : memref<1x16x256xf32, #tpu.memory_space<vmem_shared>> -> memref<16x256xf32, #tpu.memory_space<vmem_shared>>
      tpu.wait_dma2 semaphore(%arg13 : memref<!tpu.dma_semaphore, #tpu.memory_space<semaphore_mem>>) src(%dma_wait3A_282 : memref<16x256xf32, #tpu.memory_space<vmem_shared>>) dst(%dma_wait3A_278 : memref<16x256xf32, #tpu.memory_space<hbm>>)
    }
    %scan3A_106 = arith.constant 2 : i32
    return
  }
}

</mosaic_0001>

<sc_bundles>
// kernel: kernel.3.cloned.1.call-start
scs
__scs_entry_jumppad:
0x0: {  	(pc) =	sbr.rel $0x88, $3  }
0x1: {  	(tag) =	ssettag $0x0;
	lr =	simm.s32 $0x1  }
0x2: {  	[smem:$0x3F9F] =	sst lr;
	_ =	strace $0xD0000000  }
0x3: {  	_ = 	snop  }
0x4: {  	_ = 	snop  }
0x5: {  	_ = 	snop  }
0x6: {  	_ = 	snop  }
0x7: {  	_ = 	snop  }
__scs_overlays_trampoline_lowered:
0x8: {  	[smem:$0x3FAE] =	sst s0  }
0x9: {  	[smem:$0x3FAF] =	sst s1  }
0xa: {  	[smem:$0x3FB0] =	sst s2  }
0xb: {  	[smem:$0x3FB1] =	sst s3  }
0xc: {  	[smem:$0x3FB2] =	sst s4  }
0xd: {  	[smem:$0x3FB3] =	sst s5  }
0xe: {  	[smem:$0x3FB4] =	sst s6  }
0xf: {  	[smem:$0x3FB5] =	sst s7  }
0x10: {  	[smem:$0x3FB6] =	sst s8  }
0x11: {  	[smem:$0x3FB7] =	sst s9;
	s0 =	simm.s32 @!p0 $0x0  }
0x12: {  	s1 =	sld [smem:$0x3F9D];
	s0 =	simm.s32 @p0 $0x1  }
0x13: {  	[smem:$0x3FB8] =	sst s0;
	s0 =	simm.s32 @!p1 $0x0  }
0x14: {  	s2 =	sld [smem:$0x3F9C];
	s0 =	simm.s32 @p1 $0x1  }
0x15: {  	[smem:$0x3FB9] =	sst s0;
	s0 =	simm.s32 @!p2 $0x0  }
0x16: {  	s3 =	sld [smem:$0x3FDB];
	s0 =	simm.s32 @p2 $0x1  }
0x17: {  	s4 =	simm.s32 $0x1BF5;
	[smem:$0x3FBB] =	sst s0  }
0x18: {  	s0 =	sld [smem:$0x3F9E];
	_ =	swait.ge [sflag:s4], $0x0  }
0x19: {  	s7 =	sld [smem:$0x3F9F]  }
0x1a: {  	s8 =	sadd.s32 $0xFFFFE003, lr  }
0x1b: {  	s9 =	sadd.s32 $0xFFFFFEF7, lr;
	s5 =	simm.s32 $0xFFFFFFFF;
	p2 =	slt.u32 s8, $0xFFFFF086  }
0x1c: {  	p1 =	slt.u32 s9, $0xF7A;
	s5 =	simm.s32 @!p2 $0x0  }
0x1d: {  	s5 =	simm.s32 @p1 $0x1;
	p0 =	seq.s32 s7, s2  }
0x1e: {  	s7 =	smul.u32 @!p0 $0xF7A, s2;
	p2 =	seq.s32 @!p0 s5, $0x0  }
0x1f: {  	s9 =	smul.u32 $0xF7A, s1;
	s8 =	simm.s32 @!p0 $0x1BF5;
	p2 =	por !p2, p0  }
0x20: {  	[sflag:s8] =	ssyncset.s32 @!p0 $0xFFFFF086;
	s6 =	sadd.s32 @!p0 s3, s7;
	s7 =	simm.s32 @!p0 $0x108  }
0x21: {  	s3 =	sadd.s32 s3, s9;
	s6 =	sadd.s32 @!p0 $0x88, s6;
	s7 =	simm.s32 @p2 $0x1082  }
0x22: {  	[simem:s7], [sflag:s8] =	dma.local @!p0 [hbm:s6], $0xF7A  }
0x23: {  	s9 =	sor.u32 $0xD0000000, s2;
	s6 =	simm.s32 $0x108;
	_ =	swait.ge @!p0 [sflag:s8], $0x0  }
0x24: {  	s3 =	sadd.s32 $0x88, s3;
	s6 =	simm.s32 @!p1 $0x1082;
	[sflag:s4] =	ssyncset.s32 $0xFFFFF086  }
0x25: {  	[simem:s6], [sflag:s4] =	dma.local [hbm:s3], $0xF7A  }
0x26: {  	[smem:$0x3F9F] =	sst s1;
	(tag) =	ssettag s2;
	_ =	strace s9  }
0x27: {  	s1 =	sld [smem:$0x3FAF]  }
0x28: {  	s2 =	sld [smem:$0x3FB0]  }
0x29: {  	s4 =	sld [smem:$0x3FB2]  }
0x2a: {  	p0 =	seq.s32 s5, $0x0;
	s5 =	sld [smem:$0x3FB3]  }
0x2b: {  	s6 =	sld [smem:$0x3FB4]  }
0x2c: {  	s7 =	sld [smem:$0x3FB5]  }
0x2d: {  	s3 =	simm.s32 $0x108;
	s8 =	sld [smem:$0x3FB6]  }
0x2e: {  	s3 =	simm.s32 @!p0 $0x1082;
	s9 =	sld [smem:$0x3FB7]  }
0x2f: {  	lr =	sadd.s32 s0, s3;
	s0 =	sld [smem:$0x3FAE]  }
0x30: {  	s3 =	sld [smem:$0x3FB1]  }
0x31: {  	[smem:$0x3FBA] =	sst s10  }
0x32: {  	s10 =	sld [smem:$0x3FB8];
	_ =	sdelay $0x3  }
0x33: {  	p0 =	seq.s32 s10, $0x1;
	s10 =	sld [smem:$0x3FBA];
	_ =	sdelay $0x3  }
0x34: {  	[smem:$0x3FBA] =	sst s10  }
0x35: {  	s10 =	sld [smem:$0x3FB9];
	_ =	sdelay $0x3  }
0x36: {  	p1 =	seq.s32 s10, $0x1;
	s10 =	sld [smem:$0x3FBA];
	_ =	sdelay $0x3  }
0x37: {  	[smem:$0x3FBA] =	sst s10  }
0x38: {  	s10 =	sld [smem:$0x3FBB]  }
0x39: {  	_ = 	snop;
	(pc) =	sbr.ind lr, $3  }
0x3a: {  	_ = 	snop  }
0x3b: {  	_ = 	snop  }
0x3c: {  	p2 =	seq.s32 s10, $0x1;
	s10 =	sld [smem:$0x3FBA]  }
0x3d: {  	_ =	shalt  }
0x3e: {  	_ =	shalt  }
0x3f: {  	_ =	shalt  }
0x40: {  	_ =	shalt  }
0x41: {  	_ =	shalt  }
0x42: {  	_ =	shalt  }
0x43: {  	_ =	shalt  }
0x44: {  	_ =	shalt  }
0x45: {  	_ =	shalt  }
0x46: {  	_ =	shalt  }
0x47: {  	_ =	shalt  }
0x48: {  	_ =	shalt  }
0x49: {  	_ =	shalt  }
0x4a: {  	_ =	shalt  }
0x4b: {  	_ =	shalt  }
0x4c: {  	_ =	shalt  }
0x4d: {  	_ =	shalt  }
0x4e: {  	_ =	shalt  }
0x4f: {  	_ =	shalt  }
0x50: {  	_ =	shalt  }
0x51: {  	_ =	shalt  }
0x52: {  	_ =	shalt  }
0x53: {  	_ =	shalt  }
0x54: {  	_ =	shalt  }
0x55: {  	_ =	shalt  }
0x56: {  	_ =	shalt  }
0x57: {  	_ =	shalt  }
0x58: {  	_ =	shalt  }
0x59: {  	_ =	shalt  }
0x5a: {  	_ =	shalt  }
0x5b: {  	_ =	shalt  }
0x5c: {  	_ =	shalt  }
0x5d: {  	_ =	shalt  }
0x5e: {  	_ =	shalt  }
0x5f: {  	_ =	shalt  }
0x60: {  	_ =	shalt  }
0x61: {  	_ =	shalt  }
0x62: {  	_ =	shalt  }
0x63: {  	_ =	shalt  }
0x64: {  	_ =	shalt  }
0x65: {  	_ =	shalt  }
0x66: {  	_ =	shalt  }
0x67: {  	_ =	shalt  }
0x68: {  	_ =	shalt  }
0x69: {  	_ =	shalt  }
0x6a: {  	_ =	shalt  }
0x6b: {  	_ =	shalt  }
0x6c: {  	_ =	shalt  }
0x6d: {  	_ =	shalt  }
0x6e: {  	_ =	shalt  }
0x6f: {  	_ =	shalt  }
0x70: {  	_ =	shalt  }
0x71: {  	_ =	shalt  }
0x72: {  	_ =	shalt  }
0x73: {  	_ =	shalt  }
0x74: {  	_ =	shalt  }
0x75: {  	_ =	shalt  }
0x76: {  	_ =	shalt  }
0x77: {  	_ =	shalt  }
0x78: {  	_ =	shalt  }
0x79: {  	_ =	shalt  }
0x7a: {  	_ =	shalt  }
0x7b: {  	_ =	shalt  }
0x7c: {  	_ =	shalt  }
0x7d: {  	_ =	shalt  }
0x7e: {  	_ =	shalt  }
0x7f: {  	_ =	shalt  }
0x80: {  	_ =	shalt  }
0x81: {  	_ =	shalt  }
0x82: {  	_ =	shalt  }
0x83: {  	_ =	shalt  }
0x84: {  	_ =	shalt  }
0x85: {  	_ =	shalt  }
0x86: {  	_ =	shalt  }
0x87: {  	_ =	shalt  }
.Lfunc_end0:
.L_simem_size_0:
called_computation_lowered:
.L_overlay_start_0:
0x88: {  	s2 =	sld [smem:$0x3FD9]  }
0x89: {  	s3 =	sld [smem:$0x3FFE];
	_ =	sdelay $0x1  }
0x8a: {  	s1 =	srdreg.scid  }
0x8b: {  	s0 =	sand.u32 $0x1, s1  }
0x8c: {  	s18 =	sshll.u32 s0, $0xA;
	s2 =	sadd.s32 s3, s2  }
0x8d: {  	s2 =	sadd.s32 s2, s18  }
0x8e: {  	[smem:$0x3FC6] =	sst s2  }
0x8f: {  	_ = 	snop  }
0x90: {  	s2 =	sld [smem:$0x3FC9]  }
0x91: {  	s19 =	sld [smem:$0x3FC8]  }
0x92: {  	s4 =	sld [smem:$0x3FD0];
	(tm) =	ssettm $0x1  }
0x93: {  	s5 =	sld [smem:$0x3FFB];
	_ =	sdelay $0x3  }
0x94: {  	_ =	strace s5  }
0x95: {  	s5 =	sld [smem:$0x3FFC];
	_ =	sdelay $0x3  }
0x96: {  	_ =	strace s5  }
0x97: {  	s5 =	sld [smem:$0x3FFD];
	_ =	sdelay $0x3  }
0x98: {  	_ =	strace s5  }
0x99: {  	_ =	strace $0x8FFFFFFF  }
0x9a: {  	s20 =	sld [smem:$0x3FDB];
	_ =	sdelay $0x1  }
0x9b: {  	s6 =	simm.s32 $_scs_section_size  }
0x9c: {  	s7 =	simm.s32 $_size__tile_overlayer_lowered;
	s8 =	simm.s32 $_tile_overlayer_lowered  }
0x9d: {  	s23 =	simm.s32 $0x1BFF;
	s22 =	sshll.u32 s8, $0x1;
	s5 =	sadd.s32 s6, s20  }
0x9e: {  	s9 =	simm.s32 $0x0;
	s21 =	sshll.u32 s7, $0x1;
	s7 =	sadd.s32 s22, s5  }
0x9f: {  	[timem:s9], [sflag:s23] =	dma.local [hbm:s7], s21  }
0xa0: {  	_ =	swait.ge [sflag:s23], s21  }
0xa1: {  	s6 =	ssub.s32 $0x0, s21;
	[sflag:s23] =	ssyncset.done $0x0  }
0xa2: {  	[sflag:s23] =	ssyncadd.s32 s6;
	_ =	sdelay $0x1  }
0xa3: {  	s24 =	simm.s32 $0x1B8B  }
0xa4: {  	_ =	swait.ge [sflag:s24], $0x1  }
0xa5: {  	[sflag:s24] =	ssyncset.done $0x0  }
0xa6: {  	s25 =	simm.s32 $0x1B8E;
	[sflag:s24] =	ssyncadd.s32 $0xFFFFFFFF  }
0xa7: {  	s26 =	simm.s32 $execute0_lowered;
	[smem:$0x3FD2] =	sst s25  }
0xa8: {  	s6 =	sshll.u32 s26, $0x1;
	_ =	strace $0x80000046;
	[dreg:$0x1] =	wrdreg $0xFFFFFFFF  }
0xa9: {  	s28 =	simm.s32 $_size_execute0_lowered;
	s5 =	sadd.s32 s5, s6;
	[dreg:$0x0] =	wrdreg $0x0  }
0xaa: {  	s6 =	sshll.u32 s28, $0x1;
	[dreg:$0x2] =	wrdreg s5  }
0xab: {  	[dreg:$0x3] =	wrdreg s6  }
0xac: {  	[dreg:$0x4] =	wrdreg $0xC0  }
0xad: {  	_ =	task [dreg:s9], $0x5FFFF  }
0xae: {  	[dreg:$0x1] =	wrdreg $0xFFFFFFFF  }
0xaf: {  	[dreg:$0x0] =	wrdreg $0x60  }
0xb0: {  	[dreg:$0x2] =	wrdreg s2  }
0xb1: {  	[dreg:$0x3] =	wrdreg s19  }
0xb2: {  	[dreg:$0x4] =	wrdreg s4  }
0xb3: {  	[dreg:$0x5] =	wrdreg $0x0  }
0xb4: {  	[dreg:$0x6] =	wrdreg $0x98000  }
0xb5: {  	[dreg:$0x7] =	wrdreg $0xB8000  }
0xb6: {  	[dreg:$0x8] =	wrdreg $0x9  }
0xb7: {  	_ =	task.clear_ibuf [dreg:s9], $0x9FFFF;
	_ =	strace $0x90000046  }
0xb8: {  	s29 =	simm.s32 $0x9;
	_ =	strace $0x80000048  }
0xb9: {  	_ =	swait.ge [sflag:s29], $0x1  }
0xba: {  	[sflag:s29] =	ssyncadd.s32 $0xFFFFFFFF  }
0xbb: {  	_ =	strace $0x90000048  }
0xbc: {  	_ =	sfence  }
0xbd: {  	s30 =	sld [smem:$0x0];
	_ =	sdelay $0x2  }
0xbe: {  	s31 =	sshll.u32 s1, $0xD;
	s1 =	sshrl.u32 s1, $0x2  }
0xbf: {  	s3 =	sand.u32 $0x4000, s31;
	s1 =	sadd.s32 s1, s30  }
0xc0: {  	s0 =	sor.u32 s3, s0;
	s1 =	sshll.u32 s1, $0x11  }
0xc1: {  	s0 =	sor.u32 s1, s0  }
0xc2: {  	s0 =	sadd.s32 $0x8F2B, s0  }
0xc3: {  	[sflag:s0] =	ssyncadd.remote.s32 $0x1  }
0xc4: {  	_ =	sfence.sel $0xFFFF  }
0xc5: {  	[dreg:$0x0] =	wrdreg $0xFFFFFFFF;
	(pc) =	sbr.abs _section_cstart, $3  }
0xc6: {  	[dreg:$0x1] =	wrdreg $0xFFFFFFFF  }
0xc7: {  	_ =	task.clear_ibuf [dreg:s9], $0x2FFFF;
	_ =	strace $0x9FFFFFFF  }
0xc8: {  	(tm) =	ssettm $0x7FFFFFFF  }
0xc9: {  	_ =	shalt  }
tec
execute0_lowered:
.L_overlay_start_1:
0x0: {  	(tag) =	ssettag $0x1  }
0x1: {  	s0 =	rddreg [dreg:$0x0]  }
0x2: {  	s1 =	rddreg [dreg:$0x1]  }
0x3: {  	s26 =	rddreg [dreg:$0x2]  }
0x4: {  	s2 =	rddreg [dreg:$0x3]  }
0x5: {  	s14 =	rddreg [dreg:$0x4]  }
0x6: {  	s3 =	rddreg [dreg:$0x5]  }
0x7: {  	s4 =	srdreg.scid;
	s18 =	stileid.u32  }
0x8: {  	s20 =	simm.s32 $0x0;
	s29 =	simm.s32 $0x4;
	s30 =	simm.s32 $0x1  }
0x9: {  	s31 =	simm.s32 $0x80;
	s4 =	sand.u32 $0x1, s4;
	s6 =	smul.u32 $0x4C00, s18  }
0xa: {  	[smem:$0x7FF] =	sst s20;
	s10 =	sshrl.u32 s18, $0x3;
	s12 =	sshll.u32 s18, $0x6  }
0xb: {  	s13 =	sshll.u32 s18, $0xA;
	s22 =	sshll.u32 s18, $0xD;
	s23 =	sshll.u32 s18, $0x7  }
0xc: {  	s25 =	sshll.u32 s18, $0xC;
	s5 =	ssub.s32 $0x2, s4;
	s8 =	smul.u32 $0xF42800, s4  }
0xd: {  	_ =	strace $0x80000047;
	[dreg:$0x9] =	wrdreg s12;
	s10 =	smul.u32 $0x130000, s10  }
0xe: {  	s13 =	sadd.s32 s0, s13;
	s24 =	sand.u32 $0x380, s23;
	s0 =	sadd.s32 s22, s14  }
0xf: {  	s15 =	sand.u32 $0x8000, s25;
	s22 =	sshll.u32 s4, $0x12;
	s7 =	sshrl.u32 s5, $0x1  }
0x10: {  	s28 =	sadd.s32 s6, s2;
	[dreg:$0xe] =	wrdreg s0;
	s0 =	sadd.s32 s15, s3  }
0x11: {  	s23 =	sadd.s32 $0x755400, s6;
	[dreg:$0xd] =	wrdreg s13;
	s7 =	ssub.s32 s5, s7  }
0x12: {  	s5 =	smul.u32 $0x980, s18;
	s9 =	sadd.s32 s6, s8;
	s11 =	sadd.s32 $0x7A1400, s8  }
0x13: {  	s19 =	sadd.s32 $0x4C000, s28;
	s10 =	sshrl.u32 s10, $0x2;
	s16 =	sshrl.u32 s8, $0x3  }
0x14: {  	s25 =	sadd.s32 s8, s23;
	[dreg:$0x8] =	wrdreg s28;
	s9 =	sshrl.u32 s9, $0x3  }
0x15: {  	s21 =	sadd.s32 s6, s11;
	s2 =	sadd.s32 s10, s2;
	s17 =	sshrl.u32 s11, $0x3  }
0x16: {  	s15 =	sadd.s32 s16, s1;
	s4 =	sadd.s32 s23, s11;
	s11 =	smov.u32 s19  }
0x17: {  	s9 =	sadd.s32 s1, s9;
	s14 =	sadd.s32 s24, s2;
	s16 =	sadd.s32 s17, s1  }
0x18: {  	s17 =	sadd.s32 s24, s0;
	s4 =	sshrl.u32 s4, $0x3;
	s0 =	simm.s32 $0x400  }
0x19: {  	[dreg:$0xa] =	wrdreg s9;
	s9 =	sor.u32 $0x1C01, s12;
	s12 =	sshrl.u32 s21, $0x3  }
0x1a: {  	[dreg:$0xb] =	wrdreg s11;
	s21 =	sshll.u32 s18, $0xB;
	s12 =	sadd.s32 s1, s12  }
0x1b: {  	s2 =	simm.s32 $0xD800;
	s24 =	sadd.s32 s21, s3;
	[dreg:$0xc] =	wrdreg s12  }
0x1c: {  	s23 =	sor.u32 s22, s21;
	s21 =	sadd.s32 $0x4000, s13;
	[dreg:$0xf] =	wrdreg s24  }
0x1d: {  	s19 =	sadd.s32 $0x10000, s17;
	s22 =	smax.u32 s7, $0x1;
	[dreg:$0x13] =	wrdreg s21  }
0x1e: {  	s3 =	sshrl.u32 s25, $0x3;
	s25 =	sadd.s32 $0xC000, s13;
	[dreg:$0x14] =	wrdreg s22  }
0x1f: {  	s8 =	sadd.s32 s1, s3;
	s1 =	sadd.s32 s1, s4;
	[dreg:$0x16] =	wrdreg s25  }
0x20: {  	s18 =	sadd.s32 $0x10000, s24;
	s24 =	sadd.s32 $0x8000, s13;
	[dreg:$0x11] =	wrdreg s1  }
0x21: {  	s13 =	simm.s32 $0x10;
	s25 =	simm.s32 $0x1000;
	[dreg:$0x12] =	wrdreg s18  }
0x22: {  	s12 =	simm.s32 $0x2;
	s4 =	simm.s32 $0x3;
	[dreg:$0x15] =	wrdreg s24  }
0x23: {  	s24 =	simm.s32 $0x4000;
	s18 =	simm.s32 $0x1E000;
	[dreg:$0x10] =	wrdreg s8  }
.LBB2_1:
0x24: {  	[dreg:$0x7] =	wrdreg s20  }
0x25: {  	s10 =	sshrl.u32 s28, $0x3;
	s1 =	rddreg [dreg:$0xa]  }
0x26: {  	[spmem:s10], [sflag:s9] =	dma.local [hbm:s1], $0x980  }
0x27: {  	s1 =	sshrl.u32 s11, $0x3;
	s3 =	rddreg [dreg:$0xc]  }
0x28: {  	[spmem:s1], [sflag:s9] =	dma.local [hbm:s3], $0x980  }
0x29: {  	s3 =	rddreg [dreg:$0x9]  }
0x2a: {  	s22 =	rddreg [dreg:$0xe]  }
0x2b: {  	s28 =	rddreg [dreg:$0xd];
	s6 =	sor.u32 $0x1C04, s3  }
0x2c: {  	s7 =	sshrl.u32 s22, $0x3;
	[dreg:$0x17] =	wrdreg s6  }
0x2d: {  	[dreg:$0x18] =	wrdreg s7  }
0x2e: {  	[spmem:s7], [sflag:s6] =	dma.local [hbm:s28], $0x400  }
0x2f: {  	_ =	swait.ge [sflag:s29], $0x400  }
0x30: {  	[sflag:s29] =	ssyncset.done $0x0  }
0x31: {  	[sflag:s29] =	ssyncadd.s32 $0xFFFFFC00  }
0x32: {  	s3 =	simm.s32 $0x0;
	[bflag:$0x0] =	sbarrier.arrive $0xFFFF  }
.LBB2_2:
0x33: {  	_ =	swait.ge [sflag:s30], $0x980  }
0x34: {  	[sflag:s30] =	ssyncset.done $0x0  }
0x35: {  	[sflag:s30] =	ssyncadd.s32 $0xFFFFF680  }
0x36: {  	_ =	swait.ge [sflag:s30], $0x980  }
0x37: {  	[sflag:s30] =	ssyncset.done $0x0  }
0x38: {  	[sflag:s30] =	ssyncadd.s32 $0xFFFFF680  }
0x39: {  	s6 =	sshll.u32 s3, $0x7;
	[bflag:$0x0] =	sbarrier.arrive $0xFFFF  }
0x3a: {  	[tilespmem:s2], [sflag:$0x1] =	stream.strided.gather [spmem:s14], $0x9800, s0, s31, $0x38;
	[tilespmem:$0x1F000] =	vst v63  }
0x3b: {  	s6 =	sand.u32 $0x3FFFFF80, s6;
	s7 =	rddreg [dreg:$0x4]  }
0x3c: {  	s20 =	simm.s32 $0x17000;
	s6 =	sadd.s32 s6, s7  }
0x3d: {  	[tilespmem:s20], [sflag:$0x1] =	stream.strided.gather [spmem:s6], $0x4000, s0, s31, $0x38;
	[tilespmem:$0x1F000] =	vst v63  }
0x3e: {  	_ =	swait.ge [sflag:s30], $0x9800  }
0x3f: {  	s7 =	sadd.s32 $0x1, s3;
	[sflag:s30] =	ssyncset.done $0x0  }
0x40: {  	s21 =	smul.u32 $0x963D, s7;
	[sflag:s30] =	ssyncadd.s32 $0xFFFF6800  }
0x41: {  	_ =	swait.ge [sflag:s30], $0x4000  }
0x42: {  	s6 =	sand.u32 $0xFFF80, s21;
	[sflag:s30] =	ssyncset.done $0x0  }
0x43: {  	s22 =	simm.s32 $0x17080;
	s6 =	sadd.s32 s5, s6;
	[sflag:s30] =	ssyncadd.s32 $0xFFFFC000  }
0x44: {  	s8 =	sadd.s32 s15, s6;
	s6 =	sadd.s32 s16, s6;
	[bflag:$0x0] =	sbarrier.arrive $0xFFFF  }
0x45: {  	[spmem:s10], [sflag:s9] =	dma.local [hbm:s8], $0x980  }
0x46: {  	[spmem:s1], [sflag:s9] =	dma.local [hbm:s6], $0x980  }
0x47: {  	v1 =	vld [tilespmem:s22+$0x70]  }
0x48: {  	v2 =	vld [tilespmem:s22+$0xFFFFFF90]  }
0x49: {  	v3 =	vld [tilespmem:s22+$0xFFFFFFA0]  }
0x4a: {  	v4 =	vld [tilespmem:s22+$0xFFFFFFB0]  }
0x4b: {  	v5 =	vld [tilespmem:s22+$0xFFFFFFC0]  }
0x4c: {  	v6 =	vld [tilespmem:s22+$0xFFFFFFD0]  }
0x4d: {  	v7 =	vld [tilespmem:s22+$0xFFFFFFE0]  }
0x4e: {  	s28 =	smul.u32 $0x3D, s3;
	v8 =	vld [tilespmem:s22+$0xFFFFFFF0]  }
0x4f: {  	v9 =	vld [tilespmem:s22+$0x0]  }
0x50: {  	s8 =	sand.u32 $0x7F, s28;
	v10 =	vld [tilespmem:s22+$0x10]  }
0x51: {  	v0 =	vmov s8;
	v11 =	vld [tilespmem:s22+$0x20]  }
0x52: {  	v12 =	vld [tilespmem:s22+$0x30];
	v1 =	vadd.s32 v0, v1  }
0x53: {  	v13 =	vld [tilespmem:s22+$0x40];
	v2 =	vadd.s32 v0, v2  }
0x54: {  	v14 =	vld [tilespmem:s22+$0x50];
	v3 =	vadd.s32 v0, v3  }
0x55: {  	v15 =	vld [tilespmem:s22+$0x60];
	v4 =	vadd.s32 v0, v4  }
0x56: {  	v16 =	vld [tilespmem:s22+$0xFFFFFF80];
	v5 =	vadd.s32 v0, v5  }
0x57: {  	v6 =	vadd.s32 v0, v6;
	v1 =	vld.idx.msk [tilespmem:v1+s2+$0x0], $0xffff  }
0x58: {  	v7 =	vadd.s32 v0, v7;
	v2 =	vld.idx.msk [tilespmem:v2+s2+$0x0], $0xffff  }
0x59: {  	v8 =	vadd.s32 v0, v8;
	v3 =	vld.idx.msk [tilespmem:v3+s2+$0x0], $0xffff  }
0x5a: {  	v9 =	vadd.s32 v0, v9;
	v4 =	vld.idx.msk [tilespmem:v4+s2+$0x0], $0xffff  }
0x5b: {  	v10 =	vadd.s32 v0, v10;
	v5 =	vld.idx.msk [tilespmem:v5+s2+$0x0], $0xffff  }
0x5c: {  	s6 =	simm.s32 $0x1B080;
	v16 =	vadd.s32 v0, v16;
	v6 =	vld.idx.msk [tilespmem:v6+s2+$0x0], $0xffff  }
0x5d: {  	v11 =	vadd.s32 v0, v11;
	v7 =	vld.idx.msk [tilespmem:v7+s2+$0x0], $0xffff;
	[tilespmem:s6+$0x70] =	vst v1  }
0x5e: {  	v12 =	vadd.s32 v0, v12;
	v8 =	vld.idx.msk [tilespmem:v8+s2+$0x0], $0xffff;
	[tilespmem:s6+$0xFFFFFF90] =	vst v2  }
0x5f: {  	v13 =	vadd.s32 v0, v13;
	v9 =	vld.idx.msk [tilespmem:v9+s2+$0x0], $0xffff;
	[tilespmem:s6+$0xFFFFFFA0] =	vst v3  }
0x60: {  	v14 =	vadd.s32 v0, v14;
	v10 =	vld.idx.msk [tilespmem:v10+s2+$0x0], $0xffff;
	[tilespmem:s6+$0xFFFFFFB0] =	vst v4  }
0x61: {  	v15 =	vadd.s32 v0, v15;
	v1 =	vld.idx.msk [tilespmem:v16+s2+$0x0], $0xffff;
	[tilespmem:s6+$0xFFFFFFC0] =	vst v5  }
0x62: {  	[tilespmem:s6+$0xFFFFFFD0] =	vst v6;
	v2 =	vld.idx.msk [tilespmem:v11+s2+$0x0], $0xffff  }
0x63: {  	[tilespmem:s6+$0xFFFFFFE0] =	vst v7;
	v3 =	vld.idx.msk [tilespmem:v12+s2+$0x0], $0xffff  }
0x64: {  	[tilespmem:s6+$0xFFFFFFF0] =	vst v8;
	v4 =	vld.idx.msk [tilespmem:v13+s2+$0x0], $0xffff  }
0x65: {  	[tilespmem:s6+$0x0] =	vst v9;
	v5 =	vld.idx.msk [tilespmem:v14+s2+$0x0], $0xffff  }
0x66: {  	s11 =	simm.s32 $0x17180;
	s8 =	simm.s32 $0x0;
	[tilespmem:s6+$0x10] =	vst v10;
	v6 =	vld.idx.msk [tilespmem:v15+s2+$0x0], $0xffff  }
.LBB2_3:
0x67: {  	v7 =	vld [tilespmem:s11+$0x70];
	s8 =	sadd.s32 $0x100, s8;
	[tilespmem:s6+$0xFFFFFF80] =	vst v1  }
0x68: {  	v1 =	vld [tilespmem:s11+$0xFFFFFF90];
	p0 =	slt.u32 s8, $0x3F00;
	[tilespmem:s6+$0x20] =	vst v2  }
0x69: {  	v2 =	vld [tilespmem:s11+$0xFFFFFFA0];
	[tilespmem:s6+$0x30] =	vst v3  }
0x6a: {  	v3 =	vld [tilespmem:s11+$0xFFFFFFB0];
	[tilespmem:s6+$0x40] =	vst v4  }
0x6b: {  	v4 =	vld [tilespmem:s11+$0xFFFFFFC0];
	[tilespmem:s6+$0x50] =	vst v5  }
0x6c: {  	v5 =	vld [tilespmem:s11+$0xFFFFFFD0];
	v7 =	vadd.s32 v0, v7;
	[tilespmem:s6+$0x60] =	vst v6  }
0x6d: {  	v1 =	vadd.s32 v0, v1;
	v6 =	vld [tilespmem:s11+$0xFFFFFFE0]  }
0x6e: {  	v2 =	vadd.s32 v0, v2;
	v8 =	vld [tilespmem:s11+$0xFFFFFFF0]  }
0x6f: {  	v3 =	vadd.s32 v0, v3;
	v9 =	vld [tilespmem:s11+$0x0]  }
0x70: {  	v4 =	vadd.s32 v0, v4;
	v10 =	vld [tilespmem:s11+$0x10]  }
0x71: {  	v5 =	vadd.s32 v0, v5;
	v7 =	vld.idx.msk [tilespmem:v7+s2+$0x0], $0xffff  }
0x72: {  	v6 =	vadd.s32 v0, v6;
	v11 =	vld [tilespmem:s11+$0x20]  }
0x73: {  	v8 =	vadd.s32 v0, v8;
	v12 =	vld [tilespmem:s11+$0x30]  }
0x74: {  	v9 =	vadd.s32 v0, v9;
	v13 =	vld [tilespmem:s11+$0x40]  }
0x75: {  	v10 =	vadd.s32 v0, v10;
	v14 =	vld [tilespmem:s11+$0x50]  }
0x76: {  	s6 =	sadd.s32 $0x100, s6;
	v15 =	vld [tilespmem:s11+$0x60]  }
0x77: {  	v16 =	vld [tilespmem:s11+$0xFFFFFF80];
	v11 =	vadd.s32 v0, v11;
	[tilespmem:s6+$0x70] =	vst v7  }
0x78: {  	v1 =	vld.idx.msk [tilespmem:v1+s2+$0x0], $0xffff;
	v7 =	vadd.s32 v0, v12  }
0x79: {  	v2 =	vld.idx.msk [tilespmem:v2+s2+$0x0], $0xffff;
	v12 =	vadd.s32 v0, v13  }
0x7a: {  	v3 =	vld.idx.msk [tilespmem:v3+s2+$0x0], $0xffff;
	v13 =	vadd.s32 v0, v14  }
0x7b: {  	v4 =	vld.idx.msk [tilespmem:v4+s2+$0x0], $0xffff;
	v14 =	vadd.s32 v0, v15  }
0x7c: {  	v15 =	vadd.s32 v0, v16;
	v5 =	vld.idx.msk [tilespmem:v5+s2+$0x0], $0xffff  }
0x7d: {  	v6 =	vld.idx.msk [tilespmem:v6+s2+$0x0], $0xffff  }
0x7e: {  	[tilespmem:s6+$0xFFFFFF90] =	vst v1;
	v8 =	vld.idx.msk [tilespmem:v8+s2+$0x0], $0xffff  }
0x7f: {  	[tilespmem:s6+$0xFFFFFFA0] =	vst v2;
	v9 =	vld.idx.msk [tilespmem:v9+s2+$0x0], $0xffff  }
0x80: {  	[tilespmem:s6+$0xFFFFFFB0] =	vst v3;
	v10 =	vld.idx.msk [tilespmem:v10+s2+$0x0], $0xffff  }
0x81: {  	v1 =	vld.idx.msk [tilespmem:v15+s2+$0x0], $0xffff;
	[tilespmem:s6+$0xFFFFFFC0] =	vst v4  }
.Ltmp0:
0x82: {  	[tilespmem:s6+$0xFFFFFFD0] =	vst v5;
	v2 =	vld.idx.msk [tilespmem:v11+s2+$0x0], $0xffff;
	(pc) =	sbr.rel @p0 .LBB2_3-.Ltmp0, $4  }
0x83: {  	[tilespmem:s6+$0xFFFFFFE0] =	vst v6;
	v3 =	vld.idx.msk [tilespmem:v7+s2+$0x0], $0xffff  }
0x84: {  	[tilespmem:s6+$0xFFFFFFF0] =	vst v8;
	v4 =	vld.idx.msk [tilespmem:v12+s2+$0x0], $0xffff  }
0x85: {  	[tilespmem:s6+$0x0] =	vst v9;
	v5 =	vld.idx.msk [tilespmem:v13+s2+$0x0], $0xffff  }
0x86: {  	s11 =	sadd.s32 $0x100, s11;
	[tilespmem:s6+$0x10] =	vst v10;
	v6 =	vld.idx.msk [tilespmem:v14+s2+$0x0], $0xffff  }
0x87: {  	[tilespmem:s6+$0xFFFFFF80] =	vst v1  }
0x88: {  	[tilespmem:s6+$0x20] =	vst v2  }
0x89: {  	[tilespmem:s6+$0x30] =	vst v3  }
0x8a: {  	[tilespmem:s6+$0x40] =	vst v4  }
0x8b: {  	[tilespmem:s6+$0x50] =	vst v5  }
0x8c: {  	s21 =	simm.s32 $0x1B000;
	[tilespmem:s6+$0x60] =	vst v6  }
0x8d: {  	[spmem:s17] =	stream.strided.scatter [tilespmem:s21], [sflag:$0x4], $0x1000, s0, s31, $0x38;
	[tilespmem:$0x1F000] =	vst v63  }
0x8e: {  	_ =	swait.ge [sflag:s29], $0x1000  }
0x8f: {  	[sflag:s29] =	ssyncset.done $0x0  }
0x90: {  	[sflag:s29] =	ssyncadd.s32 $0xFFFFF000  }
0x91: {  	s3 =	sshll.u32 s3, $0x13;
	[bflag:$0x0] =	sbarrier.arrive $0xFFFF  }
0x92: {  	s3 =	sor.u32 s23, s3;
	s11 =	rddreg [dreg:$0x9]  }
0x93: {  	s22 =	simm.s32 $0x1C000;
	s3 =	sshrl.u32 s3, $0x3;
	s8 =	rddreg [dreg:$0xf]  }
0x94: {  	s3 =	sadd.s32 s26, s3;
	s6 =	sor.u32 $0x1C02, s11;
	s20 =	sshrl.u32 s8, $0x3  }
0x95: {  	[hbm:s3@s24], [sflag:s6] =	dma.strided [spmem:s20@s25], $0x200, s13, $0x10   }
0x96: {  	[spmem:s19] =	stream.strided.scatter [tilespmem:s22], [sflag:$0x4], $0x1000, s0, s31, $0x38;
	[tilespmem:$0x1F000] =	vst v63  }
0x97: {  	_ =	swait.ge [sflag:s29], $0x1000  }
0x98: {  	[sflag:s29] =	ssyncset.done $0x0  }
0x99: {  	[sflag:s29] =	ssyncadd.s32 $0xFFFFF000  }
0x9a: {  	[bflag:$0x0] =	sbarrier.arrive $0xFFFF  }
0x9b: {  	s28 =	rddreg [dreg:$0x12]  }
0x9c: {  	s8 =	sadd.s32 $0x1000, s3;
	s21 =	sor.u32 $0x1C03, s11;
	s22 =	sshrl.u32 s28, $0x3  }
0x9d: {  	[hbm:s8@s24], [sflag:s21] =	dma.strided [spmem:s22@s25], $0x200, s13, $0x10   }
0x9e: {  	_ =	swait.ge [sflag:s12], $0x200  }
0x9f: {  	[sflag:s12] =	ssyncset.done $0x0  }
0xa0: {  	s11 =	simm.s32 $0x1D000;
	[sflag:s12] =	ssyncadd.s32 $0xFFFFFE00  }
0xa1: {  	[spmem:s17] =	stream.strided.scatter [tilespmem:s11], [sflag:$0x4], $0x1000, s0, s31, $0x38;
	[tilespmem:$0x1F000] =	vst v63  }
0xa2: {  	_ =	swait.ge [sflag:s29], $0x1000  }
0xa3: {  	[sflag:s29] =	ssyncset.done $0x0  }
0xa4: {  	[sflag:s29] =	ssyncadd.s32 $0xFFFFF000  }
0xa5: {  	s28 =	sadd.s32 $0x2000, s3;
	[bflag:$0x0] =	sbarrier.arrive $0xFFFF  }
0xa6: {  	[hbm:s28@s24], [sflag:s6] =	dma.strided [spmem:s20@s25], $0x200, s13, $0x10   }
0xa7: {  	_ =	swait.ge [sflag:s4], $0x200  }
0xa8: {  	[sflag:s4] =	ssyncset.done $0x0  }
0xa9: {  	[sflag:s4] =	ssyncadd.s32 $0xFFFFFE00  }
0xaa: {  	[spmem:s19] =	stream.strided.scatter [tilespmem:s18], [sflag:$0x4], $0x1000, s0, s31, $0x38;
	[tilespmem:$0x1F000] =	vst v63  }
0xab: {  	_ =	swait.ge [sflag:s29], $0x1000  }
0xac: {  	[sflag:s29] =	ssyncset.done $0x0  }
0xad: {  	[sflag:s29] =	ssyncadd.s32 $0xFFFFF000  }
0xae: {  	s3 =	sadd.s32 $0x3000, s3;
	[bflag:$0x0] =	sbarrier.arrive $0xFFFF  }
0xaf: {  	[hbm:s3@s24], [sflag:s21] =	dma.strided [spmem:s22@s25], $0x200, s13, $0x10   }
0xb0: {  	p0 =	sne.s32 s7, $0x8;
	_ =	swait.ge [sflag:s12], $0x200  }
.Ltmp1:
0xb1: {  	[sflag:s12] =	ssyncset.done $0x0;
	(pc) =	sbr.rel @p0 .LBB2_2-.Ltmp1, $4  }
0xb2: {  	[sflag:s12] =	ssyncadd.s32 $0xFFFFFE00  }
0xb3: {  	_ =	swait.ge [sflag:s4], $0x200  }
0xb4: {  	[sflag:s4] =	ssyncset.done $0x0  }
0xb5: {  	s3 =	smov.u32 s7;
	[sflag:s4] =	ssyncadd.s32 $0xFFFFFE00  }
0xb6: {  	s3 =	rddreg [dreg:$0x13]  }
0xb7: {  	s7 =	rddreg [dreg:$0x17]  }
0xb8: {  	s8 =	rddreg [dreg:$0x18]  }
0xb9: {  	[spmem:s8], [sflag:s7] =	dma.local [hbm:s3], $0x400  }
0xba: {  	_ =	swait.ge [sflag:s29], $0x400  }
0xbb: {  	[sflag:s29] =	ssyncset.done $0x0  }
0xbc: {  	[sflag:s29] =	ssyncadd.s32 $0xFFFFFC00  }
0xbd: {  	s7 =	simm.s32 $0x8;
	[bflag:$0x0] =	sbarrier.arrive $0xFFFF  }
.LBB2_6:
0xbe: {  	_ =	swait.ge [sflag:s30], $0x980  }
0xbf: {  	[sflag:s30] =	ssyncset.done $0x0  }
0xc0: {  	[sflag:s30] =	ssyncadd.s32 $0xFFFFF680  }
0xc1: {  	_ =	swait.ge [sflag:s30], $0x980  }
0xc2: {  	[sflag:s30] =	ssyncset.done $0x0  }
0xc3: {  	[sflag:s30] =	ssyncadd.s32 $0xFFFFF680  }
0xc4: {  	s3 =	sshll.u32 s7, $0x7;
	[bflag:$0x0] =	sbarrier.arrive $0xFFFF  }
0xc5: {  	[tilespmem:s2], [sflag:$0x1] =	stream.strided.gather [spmem:s14], $0x9800, s0, s31, $0x38;
	[tilespmem:$0x1F000] =	vst v63  }
0xc6: {  	s3 =	sand.u32 $0x380, s3;
	s8 =	rddreg [dreg:$0x4]  }
0xc7: {  	s28 =	smov.u32 s26;
	s26 =	simm.s32 $0x17000;
	s3 =	sadd.s32 s3, s8  }
0xc8: {  	[tilespmem:s26], [sflag:$0x1] =	stream.strided.gather [spmem:s3], $0x4000, s0, s31, $0x38;
	[tilespmem:$0x1F000] =	vst v63  }
0xc9: {  	_ =	swait.ge [sflag:s30], $0x9800  }
0xca: {  	s3 =	sadd.s32 $0x1, s7;
	[sflag:s30] =	ssyncset.done $0x0  }
0xcb: {  	s11 =	smul.u32 $0x963D, s3;
	[sflag:s30] =	ssyncadd.s32 $0xFFFF6800  }
0xcc: {  	_ =	swait.ge [sflag:s30], $0x4000  }
0xcd: {  	s8 =	sand.u32 $0x1FFF80, s11;
	[sflag:s30] =	ssyncset.done $0x0  }
0xce: {  	s8 =	sadd.s32 s5, s8;
	[sflag:s30] =	ssyncadd.s32 $0xFFFFC000  }
0xcf: {  	s11 =	sadd.s32 s15, s8;
	s8 =	sadd.s32 s16, s8;
	[bflag:$0x0] =	sbarrier.arrive $0xFFFF  }
0xd0: {  	[spmem:s10], [sflag:s9] =	dma.local [hbm:s11], $0x980  }
0xd1: {  	[spmem:s1], [sflag:s9] =	dma.local [hbm:s8], $0x980  }
0xd2: {  	s8 =	simm.s32 $0x17080  }
0xd3: {  	v1 =	vld [tilespmem:s8+$0x70]  }
0xd4: {  	v2 =	vld [tilespmem:s8+$0xFFFFFF90]  }
0xd5: {  	v3 =	vld [tilespmem:s8+$0xFFFFFFA0]  }
0xd6: {  	v4 =	vld [tilespmem:s8+$0xFFFFFFB0]  }
0xd7: {  	v5 =	vld [tilespmem:s8+$0xFFFFFFC0]  }
0xd8: {  	v6 =	vld [tilespmem:s8+$0xFFFFFFD0]  }
0xd9: {  	v7 =	vld [tilespmem:s8+$0xFFFFFFE0]  }
0xda: {  	s26 =	smul.u32 $0x3D, s7;
	v8 =	vld [tilespmem:s8+$0xFFFFFFF0]  }
0xdb: {  	v9 =	vld [tilespmem:s8+$0x0]  }
0xdc: {  	s11 =	sand.u32 $0x7F, s26;
	v10 =	vld [tilespmem:s8+$0x10]  }
0xdd: {  	v0 =	vmov s11;
	v11 =	vld [tilespmem:s8+$0x20]  }
0xde: {  	v12 =	vld [tilespmem:s8+$0x30];
	v1 =	vadd.s32 v0, v1  }
0xdf: {  	v13 =	vld [tilespmem:s8+$0x40];
	v2 =	vadd.s32 v0, v2  }
0xe0: {  	v14 =	vld [tilespmem:s8+$0x50];
	v3 =	vadd.s32 v0, v3  }
0xe1: {  	v15 =	vld [tilespmem:s8+$0x60];
	v4 =	vadd.s32 v0, v4  }
0xe2: {  	v16 =	vld [tilespmem:s8+$0xFFFFFF80];
	v5 =	vadd.s32 v0, v5  }
0xe3: {  	v6 =	vadd.s32 v0, v6;
	v1 =	vld.idx.msk [tilespmem:v1+s2+$0x0], $0xffff  }
0xe4: {  	v7 =	vadd.s32 v0, v7;
	v2 =	vld.idx.msk [tilespmem:v2+s2+$0x0], $0xffff  }
0xe5: {  	v8 =	vadd.s32 v0, v8;
	v3 =	vld.idx.msk [tilespmem:v3+s2+$0x0], $0xffff  }
0xe6: {  	v9 =	vadd.s32 v0, v9;
	v4 =	vld.idx.msk [tilespmem:v4+s2+$0x0], $0xffff  }
0xe7: {  	v10 =	vadd.s32 v0, v10;
	v5 =	vld.idx.msk [tilespmem:v5+s2+$0x0], $0xffff  }
0xe8: {  	s8 =	simm.s32 $0x1B080;
	v16 =	vadd.s32 v0, v16;
	v6 =	vld.idx.msk [tilespmem:v6+s2+$0x0], $0xffff  }
0xe9: {  	v11 =	vadd.s32 v0, v11;
	v7 =	vld.idx.msk [tilespmem:v7+s2+$0x0], $0xffff;
	[tilespmem:s8+$0x70] =	vst v1  }
0xea: {  	v12 =	vadd.s32 v0, v12;
	v8 =	vld.idx.msk [tilespmem:v8+s2+$0x0], $0xffff;
	[tilespmem:s8+$0xFFFFFF90] =	vst v2  }
0xeb: {  	v13 =	vadd.s32 v0, v13;
	v9 =	vld.idx.msk [tilespmem:v9+s2+$0x0], $0xffff;
	[tilespmem:s8+$0xFFFFFFA0] =	vst v3  }
0xec: {  	v14 =	vadd.s32 v0, v14;
	v10 =	vld.idx.msk [tilespmem:v10+s2+$0x0], $0xffff;
	[tilespmem:s8+$0xFFFFFFB0] =	vst v4  }
0xed: {  	v15 =	vadd.s32 v0, v15;
	v1 =	vld.idx.msk [tilespmem:v16+s2+$0x0], $0xffff;
	[tilespmem:s8+$0xFFFFFFC0] =	vst v5  }
0xee: {  	[tilespmem:s8+$0xFFFFFFD0] =	vst v6;
	v2 =	vld.idx.msk [tilespmem:v11+s2+$0x0], $0xffff  }
0xef: {  	[tilespmem:s8+$0xFFFFFFE0] =	vst v7;
	v3 =	vld.idx.msk [tilespmem:v12+s2+$0x0], $0xffff  }
0xf0: {  	[tilespmem:s8+$0xFFFFFFF0] =	vst v8;
	v4 =	vld.idx.msk [tilespmem:v13+s2+$0x0], $0xffff  }
0xf1: {  	[tilespmem:s8+$0x0] =	vst v9;
	v5 =	vld.idx.msk [tilespmem:v14+s2+$0x0], $0xffff  }
0xf2: {  	s26 =	simm.s32 $0x17180;
	s11 =	simm.s32 $0x0;
	[tilespmem:s8+$0x10] =	vst v10;
	v6 =	vld.idx.msk [tilespmem:v15+s2+$0x0], $0xffff  }
.LBB2_7:
0xf3: {  	v7 =	vld [tilespmem:s26+$0x70];
	s11 =	sadd.s32 $0x100, s11;
	[tilespmem:s8+$0xFFFFFF80] =	vst v1  }
0xf4: {  	v1 =	vld [tilespmem:s26+$0xFFFFFF90];
	p0 =	slt.u32 s11, $0x3F00;
	[tilespmem:s8+$0x20] =	vst v2  }
0xf5: {  	v2 =	vld [tilespmem:s26+$0xFFFFFFA0];
	[tilespmem:s8+$0x30] =	vst v3  }
0xf6: {  	v3 =	vld [tilespmem:s26+$0xFFFFFFB0];
	[tilespmem:s8+$0x40] =	vst v4  }
0xf7: {  	v4 =	vld [tilespmem:s26+$0xFFFFFFC0];
	[tilespmem:s8+$0x50] =	vst v5  }
0xf8: {  	v5 =	vld [tilespmem:s26+$0xFFFFFFD0];
	v7 =	vadd.s32 v0, v7;
	[tilespmem:s8+$0x60] =	vst v6  }
0xf9: {  	v1 =	vadd.s32 v0, v1;
	v6 =	vld [tilespmem:s26+$0xFFFFFFE0]  }
0xfa: {  	v2 =	vadd.s32 v0, v2;
	v8 =	vld [tilespmem:s26+$0xFFFFFFF0]  }
0xfb: {  	v3 =	vadd.s32 v0, v3;
	v9 =	vld [tilespmem:s26+$0x0]  }
0xfc: {  	v4 =	vadd.s32 v0, v4;
	v10 =	vld [tilespmem:s26+$0x10]  }
0xfd: {  	v5 =	vadd.s32 v0, v5;
	v7 =	vld.idx.msk [tilespmem:v7+s2+$0x0], $0xffff  }
0xfe: {  	v6 =	vadd.s32 v0, v6;
	v11 =	vld [tilespmem:s26+$0x20]  }
0xff: {  	v8 =	vadd.s32 v0, v8;
	v12 =	vld [tilespmem:s26+$0x30]  }
0x100: {  	v9 =	vadd.s32 v0, v9;
	v13 =	vld [tilespmem:s26+$0x40]  }
0x101: {  	v10 =	vadd.s32 v0, v10;
	v14 =	vld [tilespmem:s26+$0x50]  }
0x102: {  	s8 =	sadd.s32 $0x100, s8;
	v15 =	vld [tilespmem:s26+$0x60]  }
0x103: {  	v16 =	vld [tilespmem:s26+$0xFFFFFF80];
	v11 =	vadd.s32 v0, v11;
	[tilespmem:s8+$0x70] =	vst v7  }
0x104: {  	v1 =	vld.idx.msk [tilespmem:v1+s2+$0x0], $0xffff;
	v7 =	vadd.s32 v0, v12  }
0x105: {  	v2 =	vld.idx.msk [tilespmem:v2+s2+$0x0], $0xffff;
	v12 =	vadd.s32 v0, v13  }
0x106: {  	v3 =	vld.idx.msk [tilespmem:v3+s2+$0x0], $0xffff;
	v13 =	vadd.s32 v0, v14  }
0x107: {  	v4 =	vld.idx.msk [tilespmem:v4+s2+$0x0], $0xffff;
	v14 =	vadd.s32 v0, v15  }
0x108: {  	v15 =	vadd.s32 v0, v16;
	v5 =	vld.idx.msk [tilespmem:v5+s2+$0x0], $0xffff  }
0x109: {  	v6 =	vld.idx.msk [tilespmem:v6+s2+$0x0], $0xffff  }
0x10a: {  	[tilespmem:s8+$0xFFFFFF90] =	vst v1;
	v8 =	vld.idx.msk [tilespmem:v8+s2+$0x0], $0xffff  }
0x10b: {  	[tilespmem:s8+$0xFFFFFFA0] =	vst v2;
	v9 =	vld.idx.msk [tilespmem:v9+s2+$0x0], $0xffff  }
0x10c: {  	[tilespmem:s8+$0xFFFFFFB0] =	vst v3;
	v10 =	vld.idx.msk [tilespmem:v10+s2+$0x0], $0xffff  }
0x10d: {  	v1 =	vld.idx.msk [tilespmem:v15+s2+$0x0], $0xffff;
	[tilespmem:s8+$0xFFFFFFC0] =	vst v4  }
.Ltmp2:
0x10e: {  	[tilespmem:s8+$0xFFFFFFD0] =	vst v5;
	v2 =	vld.idx.msk [tilespmem:v11+s2+$0x0], $0xffff;
	(pc) =	sbr.rel @p0 .LBB2_7-.Ltmp2, $4  }
0x10f: {  	[tilespmem:s8+$0xFFFFFFE0] =	vst v6;
	v3 =	vld.idx.msk [tilespmem:v7+s2+$0x0], $0xffff  }
0x110: {  	[tilespmem:s8+$0xFFFFFFF0] =	vst v8;
	v4 =	vld.idx.msk [tilespmem:v12+s2+$0x0], $0xffff  }
0x111: {  	[tilespmem:s8+$0x0] =	vst v9;
	v5 =	vld.idx.msk [tilespmem:v13+s2+$0x0], $0xffff  }
0x112: {  	s26 =	sadd.s32 $0x100, s26;
	[tilespmem:s8+$0x10] =	vst v10;
	v6 =	vld.idx.msk [tilespmem:v14+s2+$0x0], $0xffff  }
0x113: {  	[tilespmem:s8+$0xFFFFFF80] =	vst v1  }
0x114: {  	[tilespmem:s8+$0x20] =	vst v2  }
0x115: {  	[tilespmem:s8+$0x30] =	vst v3  }
0x116: {  	[tilespmem:s8+$0x40] =	vst v4  }
0x117: {  	[tilespmem:s8+$0x50] =	vst v5  }
0x118: {  	s26 =	simm.s32 $0x1B000;
	[tilespmem:s8+$0x60] =	vst v6  }
0x119: {  	[spmem:s17] =	stream.strided.scatter [tilespmem:s26], [sflag:$0x4], $0x1000, s0, s31, $0x38;
	[tilespmem:$0x1F000] =	vst v63  }
0x11a: {  	s7 =	sshll.u32 s7, $0x13;
	_ =	swait.ge [sflag:s29], $0x1000  }
0x11b: {  	s7 =	sor.u32 s23, s7;
	[sflag:s29] =	ssyncset.done $0x0  }
0x11c: {  	s7 =	sshrl.u32 s7, $0x3;
	[sflag:s29] =	ssyncadd.s32 $0xFFFFF000  }
0x11d: {  	s11 =	simm.s32 $0x1C000;
	s7 =	sadd.s32 s28, s7;
	[bflag:$0x0] =	sbarrier.arrive $0xFFFF  }
0x11e: {  	[hbm:s7@s24], [sflag:s6] =	dma.strided [spmem:s20@s25], $0x200, s13, $0x10   }
0x11f: {  	[spmem:s19] =	stream.strided.scatter [tilespmem:s11], [sflag:$0x4], $0x1000, s0, s31, $0x38;
	[tilespmem:$0x1F000] =	vst v63  }
0x120: {  	_ =	swait.ge [sflag:s29], $0x1000  }
0x121: {  	[sflag:s29] =	ssyncset.done $0x0  }
0x122: {  	[sflag:s29] =	ssyncadd.s32 $0xFFFFF000  }
0x123: {  	s11 =	sadd.s32 $0x1000, s7;
	[bflag:$0x0] =	sbarrier.arrive $0xFFFF  }
0x124: {  	[hbm:s11@s24], [sflag:s21] =	dma.strided [spmem:s22@s25], $0x200, s13, $0x10   }
0x125: {  	_ =	swait.ge [sflag:s12], $0x200  }
0x126: {  	[sflag:s12] =	ssyncset.done $0x0  }
0x127: {  	s11 =	simm.s32 $0x1D000;
	[sflag:s12] =	ssyncadd.s32 $0xFFFFFE00  }
0x128: {  	[spmem:s17] =	stream.strided.scatter [tilespmem:s11], [sflag:$0x4], $0x1000, s0, s31, $0x38;
	[tilespmem:$0x1F000] =	vst v63  }
0x129: {  	_ =	swait.ge [sflag:s29], $0x1000  }
0x12a: {  	[sflag:s29] =	ssyncset.done $0x0  }
0x12b: {  	[sflag:s29] =	ssyncadd.s32 $0xFFFFF000  }
0x12c: {  	s11 =	sadd.s32 $0x2000, s7;
	[bflag:$0x0] =	sbarrier.arrive $0xFFFF  }
0x12d: {  	[hbm:s11@s24], [sflag:s6] =	dma.strided [spmem:s20@s25], $0x200, s13, $0x10   }
0x12e: {  	_ =	swait.ge [sflag:s4], $0x200  }
0x12f: {  	[sflag:s4] =	ssyncset.done $0x0  }
0x130: {  	[sflag:s4] =	ssyncadd.s32 $0xFFFFFE00  }
0x131: {  	[spmem:s19] =	stream.strided.scatter [tilespmem:s18], [sflag:$0x4], $0x1000, s0, s31, $0x38;
	[tilespmem:$0x1F000] =	vst v63  }
0x132: {  	_ =	swait.ge [sflag:s29], $0x1000  }
0x133: {  	[sflag:s29] =	ssyncset.done $0x0  }
0x134: {  	[sflag:s29] =	ssyncadd.s32 $0xFFFFF000  }
0x135: {  	s7 =	sadd.s32 $0x3000, s7;
	[bflag:$0x0] =	sbarrier.arrive $0xFFFF  }
0x136: {  	[hbm:s7@s24], [sflag:s21] =	dma.strided [spmem:s22@s25], $0x200, s13, $0x10   }
0x137: {  	p0 =	sne.s32 s3, $0x10;
	_ =	swait.ge [sflag:s12], $0x200  }
.Ltmp3:
0x138: {  	[sflag:s12] =	ssyncset.done $0x0;
	(pc) =	sbr.rel @p0 .LBB2_6-.Ltmp3, $4  }
0x139: {  	[sflag:s12] =	ssyncadd.s32 $0xFFFFFE00  }
0x13a: {  	_ =	swait.ge [sflag:s4], $0x200  }
0x13b: {  	[sflag:s4] =	ssyncset.done $0x0  }
0x13c: {  	s26 =	smov.u32 s28;
	s7 =	smov.u32 s3;
	[sflag:s4] =	ssyncadd.s32 $0xFFFFFE00  }
0x13d: {  	s3 =	rddreg [dreg:$0x15]  }
0x13e: {  	s7 =	rddreg [dreg:$0x17]  }
0x13f: {  	s8 =	rddreg [dreg:$0x18]  }
0x140: {  	[spmem:s8], [sflag:s7] =	dma.local [hbm:s3], $0x400  }
0x141: {  	_ =	swait.ge [sflag:s29], $0x400  }
0x142: {  	[sflag:s29] =	ssyncset.done $0x0  }
0x143: {  	[sflag:s29] =	ssyncadd.s32 $0xFFFFFC00  }
0x144: {  	s7 =	simm.s32 $0x10;
	[bflag:$0x0] =	sbarrier.arrive $0xFFFF  }
.LBB2_10:
0x145: {  	_ =	swait.ge [sflag:s30], $0x980  }
0x146: {  	[sflag:s30] =	ssyncset.done $0x0  }
0x147: {  	[sflag:s30] =	ssyncadd.s32 $0xFFFFF680  }
0x148: {  	_ =	swait.ge [sflag:s30], $0x980  }
0x149: {  	[sflag:s30] =	ssyncset.done $0x0  }
0x14a: {  	[sflag:s30] =	ssyncadd.s32 $0xFFFFF680  }
0x14b: {  	s3 =	sshll.u32 s7, $0x7;
	[bflag:$0x0] =	sbarrier.arrive $0xFFFF  }
0x14c: {  	[tilespmem:s2], [sflag:$0x1] =	stream.strided.gather [spmem:s14], $0x9800, s0, s31, $0x38;
	[tilespmem:$0x1F000] =	vst v63  }
0x14d: {  	s3 =	sand.u32 $0x380, s3;
	s8 =	rddreg [dreg:$0x4]  }
0x14e: {  	s26 =	simm.s32 $0x17000;
	s3 =	sadd.s32 s3, s8  }
0x14f: {  	[tilespmem:s26], [sflag:$0x1] =	stream.strided.gather [spmem:s3], $0x4000, s0, s31, $0x38;
	[tilespmem:$0x1F000] =	vst v63  }
0x150: {  	_ =	swait.ge [sflag:s30], $0x9800  }
0x151: {  	s3 =	sadd.s32 $0x1, s7;
	[sflag:s30] =	ssyncset.done $0x0  }
0x152: {  	s11 =	smul.u32 $0x963D, s3;
	[sflag:s30] =	ssyncadd.s32 $0xFFFF6800  }
0x153: {  	_ =	swait.ge [sflag:s30], $0x4000  }
0x154: {  	s8 =	sand.u32 $0x3FFF80, s11;
	[sflag:s30] =	ssyncset.done $0x0  }
0x155: {  	s8 =	sadd.s32 s5, s8;
	[sflag:s30] =	ssyncadd.s32 $0xFFFFC000  }
0x156: {  	s11 =	sadd.s32 s15, s8;
	s8 =	sadd.s32 s16, s8;
	[bflag:$0x0] =	sbarrier.arrive $0xFFFF  }
0x157: {  	[spmem:s10], [sflag:s9] =	dma.local [hbm:s11], $0x980  }
0x158: {  	[spmem:s1], [sflag:s9] =	dma.local [hbm:s8], $0x980  }
0x159: {  	s8 =	simm.s32 $0x17080  }
0x15a: {  	v1 =	vld [tilespmem:s8+$0x70]  }
0x15b: {  	v2 =	vld [tilespmem:s8+$0xFFFFFF90]  }
0x15c: {  	v3 =	vld [tilespmem:s8+$0xFFFFFFA0]  }
0x15d: {  	v4 =	vld [tilespmem:s8+$0xFFFFFFB0]  }
0x15e: {  	v5 =	vld [tilespmem:s8+$0xFFFFFFC0]  }
0x15f: {  	v6 =	vld [tilespmem:s8+$0xFFFFFFD0]  }
0x160: {  	v7 =	vld [tilespmem:s8+$0xFFFFFFE0]  }
0x161: {  	s26 =	smul.u32 $0x3D, s7;
	v8 =	vld [tilespmem:s8+$0xFFFFFFF0]  }
0x162: {  	v9 =	vld [tilespmem:s8+$0x0]  }
0x163: {  	s11 =	sand.u32 $0x7F, s26;
	v10 =	vld [tilespmem:s8+$0x10]  }
0x164: {  	v0 =	vmov s11;
	v11 =	vld [tilespmem:s8+$0x20]  }
0x165: {  	v12 =	vld [tilespmem:s8+$0x30];
	v1 =	vadd.s32 v0, v1  }
0x166: {  	v13 =	vld [tilespmem:s8+$0x40];
	v2 =	vadd.s32 v0, v2  }
0x167: {  	v14 =	vld [tilespmem:s8+$0x50];
	v3 =	vadd.s32 v0, v3  }
0x168: {  	v15 =	vld [tilespmem:s8+$0x60];
	v4 =	vadd.s32 v0, v4  }
0x169: {  	v16 =	vld [tilespmem:s8+$0xFFFFFF80];
	v5 =	vadd.s32 v0, v5  }
0x16a: {  	v6 =	vadd.s32 v0, v6;
	v1 =	vld.idx.msk [tilespmem:v1+s2+$0x0], $0xffff  }
0x16b: {  	v7 =	vadd.s32 v0, v7;
	v2 =	vld.idx.msk [tilespmem:v2+s2+$0x0], $0xffff  }
0x16c: {  	v8 =	vadd.s32 v0, v8;
	v3 =	vld.idx.msk [tilespmem:v3+s2+$0x0], $0xffff  }
0x16d: {  	v9 =	vadd.s32 v0, v9;
	v4 =	vld.idx.msk [tilespmem:v4+s2+$0x0], $0xffff  }
0x16e: {  	v10 =	vadd.s32 v0, v10;
	v5 =	vld.idx.msk [tilespmem:v5+s2+$0x0], $0xffff  }
0x16f: {  	s8 =	simm.s32 $0x1B080;
	v16 =	vadd.s32 v0, v16;
	v6 =	vld.idx.msk [tilespmem:v6+s2+$0x0], $0xffff  }
0x170: {  	v11 =	vadd.s32 v0, v11;
	v7 =	vld.idx.msk [tilespmem:v7+s2+$0x0], $0xffff;
	[tilespmem:s8+$0x70] =	vst v1  }
0x171: {  	v12 =	vadd.s32 v0, v12;
	v8 =	vld.idx.msk [tilespmem:v8+s2+$0x0], $0xffff;
	[tilespmem:s8+$0xFFFFFF90] =	vst v2  }
0x172: {  	v13 =	vadd.s32 v0, v13;
	v9 =	vld.idx.msk [tilespmem:v9+s2+$0x0], $0xffff;
	[tilespmem:s8+$0xFFFFFFA0] =	vst v3  }
0x173: {  	v14 =	vadd.s32 v0, v14;
	v10 =	vld.idx.msk [tilespmem:v10+s2+$0x0], $0xffff;
	[tilespmem:s8+$0xFFFFFFB0] =	vst v4  }
0x174: {  	v15 =	vadd.s32 v0, v15;
	v1 =	vld.idx.msk [tilespmem:v16+s2+$0x0], $0xffff;
	[tilespmem:s8+$0xFFFFFFC0] =	vst v5  }
0x175: {  	[tilespmem:s8+$0xFFFFFFD0] =	vst v6;
	v2 =	vld.idx.msk [tilespmem:v11+s2+$0x0], $0xffff  }
0x176: {  	[tilespmem:s8+$0xFFFFFFE0] =	vst v7;
	v3 =	vld.idx.msk [tilespmem:v12+s2+$0x0], $0xffff  }
0x177: {  	[tilespmem:s8+$0xFFFFFFF0] =	vst v8;
	v4 =	vld.idx.msk [tilespmem:v13+s2+$0x0], $0xffff  }
0x178: {  	[tilespmem:s8+$0x0] =	vst v9;
	v5 =	vld.idx.msk [tilespmem:v14+s2+$0x0], $0xffff  }
0x179: {  	s26 =	simm.s32 $0x17180;
	s11 =	simm.s32 $0x0;
	[tilespmem:s8+$0x10] =	vst v10;
	v6 =	vld.idx.msk [tilespmem:v15+s2+$0x0], $0xffff  }
.LBB2_11:
0x17a: {  	v7 =	vld [tilespmem:s26+$0x70];
	s11 =	sadd.s32 $0x100, s11;
	[tilespmem:s8+$0xFFFFFF80] =	vst v1  }
0x17b: {  	v1 =	vld [tilespmem:s26+$0xFFFFFF90];
	p0 =	slt.u32 s11, $0x3F00;
	[tilespmem:s8+$0x20] =	vst v2  }
0x17c: {  	v2 =	vld [tilespmem:s26+$0xFFFFFFA0];
	[tilespmem:s8+$0x30] =	vst v3  }
0x17d: {  	v3 =	vld [tilespmem:s26+$0xFFFFFFB0];
	[tilespmem:s8+$0x40] =	vst v4  }
0x17e: {  	v4 =	vld [tilespmem:s26+$0xFFFFFFC0];
	[tilespmem:s8+$0x50] =	vst v5  }
0x17f: {  	v5 =	vld [tilespmem:s26+$0xFFFFFFD0];
	v7 =	vadd.s32 v0, v7;
	[tilespmem:s8+$0x60] =	vst v6  }
0x180: {  	v1 =	vadd.s32 v0, v1;
	v6 =	vld [tilespmem:s26+$0xFFFFFFE0]  }
0x181: {  	v2 =	vadd.s32 v0, v2;
	v8 =	vld [tilespmem:s26+$0xFFFFFFF0]  }
0x182: {  	v3 =	vadd.s32 v0, v3;
	v9 =	vld [tilespmem:s26+$0x0]  }
0x183: {  	v4 =	vadd.s32 v0, v4;
	v10 =	vld [tilespmem:s26+$0x10]  }
0x184: {  	v5 =	vadd.s32 v0, v5;
	v7 =	vld.idx.msk [tilespmem:v7+s2+$0x0], $0xffff  }
0x185: {  	v6 =	vadd.s32 v0, v6;
	v11 =	vld [tilespmem:s26+$0x20]  }
0x186: {  	v8 =	vadd.s32 v0, v8;
	v12 =	vld [tilespmem:s26+$0x30]  }
0x187: {  	v9 =	vadd.s32 v0, v9;
	v13 =	vld [tilespmem:s26+$0x40]  }
0x188: {  	v10 =	vadd.s32 v0, v10;
	v14 =	vld [tilespmem:s26+$0x50]  }
0x189: {  	s8 =	sadd.s32 $0x100, s8;
	v15 =	vld [tilespmem:s26+$0x60]  }
0x18a: {  	v16 =	vld [tilespmem:s26+$0xFFFFFF80];
	v11 =	vadd.s32 v0, v11;
	[tilespmem:s8+$0x70] =	vst v7  }
0x18b: {  	v1 =	vld.idx.msk [tilespmem:v1+s2+$0x0], $0xffff;
	v7 =	vadd.s32 v0, v12  }
0x18c: {  	v2 =	vld.idx.msk [tilespmem:v2+s2+$0x0], $0xffff;
	v12 =	vadd.s32 v0, v13  }
0x18d: {  	v3 =	vld.idx.msk [tilespmem:v3+s2+$0x0], $0xffff;
	v13 =	vadd.s32 v0, v14  }
0x18e: {  	v4 =	vld.idx.msk [tilespmem:v4+s2+$0x0], $0xffff;
	v14 =	vadd.s32 v0, v15  }
0x18f: {  	v15 =	vadd.s32 v0, v16;
	v5 =	vld.idx.msk [tilespmem:v5+s2+$0x0], $0xffff  }
0x190: {  	v6 =	vld.idx.msk [tilespmem:v6+s2+$0x0], $0xffff  }
0x191: {  	[tilespmem:s8+$0xFFFFFF90] =	vst v1;
	v8 =	vld.idx.msk [tilespmem:v8+s2+$0x0], $0xffff  }
0x192: {  	[tilespmem:s8+$0xFFFFFFA0] =	vst v2;
	v9 =	vld.idx.msk [tilespmem:v9+s2+$0x0], $0xffff  }
0x193: {  	[tilespmem:s8+$0xFFFFFFB0] =	vst v3;
	v10 =	vld.idx.msk [tilespmem:v10+s2+$0x0], $0xffff  }
0x194: {  	v1 =	vld.idx.msk [tilespmem:v15+s2+$0x0], $0xffff;
	[tilespmem:s8+$0xFFFFFFC0] =	vst v4  }
.Ltmp4:
0x195: {  	[tilespmem:s8+$0xFFFFFFD0] =	vst v5;
	v2 =	vld.idx.msk [tilespmem:v11+s2+$0x0], $0xffff;
	(pc) =	sbr.rel @p0 .LBB2_11-.Ltmp4, $4  }
0x196: {  	[tilespmem:s8+$0xFFFFFFE0] =	vst v6;
	v3 =	vld.idx.msk [tilespmem:v7+s2+$0x0], $0xffff  }
0x197: {  	[tilespmem:s8+$0xFFFFFFF0] =	vst v8;
	v4 =	vld.idx.msk [tilespmem:v12+s2+$0x0], $0xffff  }
0x198: {  	[tilespmem:s8+$0x0] =	vst v9;
	v5 =	vld.idx.msk [tilespmem:v13+s2+$0x0], $0xffff  }
0x199: {  	s26 =	sadd.s32 $0x100, s26;
	[tilespmem:s8+$0x10] =	vst v10;
	v6 =	vld.idx.msk [tilespmem:v14+s2+$0x0], $0xffff  }
0x19a: {  	[tilespmem:s8+$0xFFFFFF80] =	vst v1  }
0x19b: {  	[tilespmem:s8+$0x20] =	vst v2  }
0x19c: {  	[tilespmem:s8+$0x30] =	vst v3  }
0x19d: {  	[tilespmem:s8+$0x40] =	vst v4  }
0x19e: {  	[tilespmem:s8+$0x50] =	vst v5  }
0x19f: {  	s26 =	simm.s32 $0x1B000;
	[tilespmem:s8+$0x60] =	vst v6  }
0x1a0: {  	[spmem:s17] =	stream.strided.scatter [tilespmem:s26], [sflag:$0x4], $0x1000, s0, s31, $0x38;
	[tilespmem:$0x1F000] =	vst v63  }
0x1a1: {  	s7 =	sshll.u32 s7, $0x13;
	_ =	swait.ge [sflag:s29], $0x1000  }
0x1a2: {  	s7 =	sor.u32 s23, s7;
	[sflag:s29] =	ssyncset.done $0x0  }
0x1a3: {  	s7 =	sshrl.u32 s7, $0x3;
	[sflag:s29] =	ssyncadd.s32 $0xFFFFF000  }
0x1a4: {  	s11 =	simm.s32 $0x1C000;
	s7 =	sadd.s32 s28, s7;
	[bflag:$0x0] =	sbarrier.arrive $0xFFFF  }
0x1a5: {  	[hbm:s7@s24], [sflag:s6] =	dma.strided [spmem:s20@s25], $0x200, s13, $0x10   }
0x1a6: {  	[spmem:s19] =	stream.strided.scatter [tilespmem:s11], [sflag:$0x4], $0x1000, s0, s31, $0x38;
	[tilespmem:$0x1F000] =	vst v63  }
0x1a7: {  	_ =	swait.ge [sflag:s29], $0x1000  }
0x1a8: {  	[sflag:s29] =	ssyncset.done $0x0  }
0x1a9: {  	[sflag:s29] =	ssyncadd.s32 $0xFFFFF000  }
0x1aa: {  	s26 =	sadd.s32 $0x1000, s7;
	[bflag:$0x0] =	sbarrier.arrive $0xFFFF  }
0x1ab: {  	[hbm:s26@s24], [sflag:s21] =	dma.strided [spmem:s22@s25], $0x200, s13, $0x10   }
0x1ac: {  	_ =	swait.ge [sflag:s12], $0x200  }
0x1ad: {  	[sflag:s12] =	ssyncset.done $0x0  }
0x1ae: {  	s11 =	simm.s32 $0x1D000;
	[sflag:s12] =	ssyncadd.s32 $0xFFFFFE00  }
0x1af: {  	[spmem:s17] =	stream.strided.scatter [tilespmem:s11], [sflag:$0x4], $0x1000, s0, s31, $0x38;
	[tilespmem:$0x1F000] =	vst v63  }
0x1b0: {  	_ =	swait.ge [sflag:s29], $0x1000  }
0x1b1: {  	[sflag:s29] =	ssyncset.done $0x0  }
0x1b2: {  	[sflag:s29] =	ssyncadd.s32 $0xFFFFF000  }
0x1b3: {  	s26 =	sadd.s32 $0x2000, s7;
	[bflag:$0x0] =	sbarrier.arrive $0xFFFF  }
0x1b4: {  	[hbm:s26@s24], [sflag:s6] =	dma.strided [spmem:s20@s25], $0x200, s13, $0x10   }
0x1b5: {  	_ =	swait.ge [sflag:s4], $0x200  }
0x1b6: {  	[sflag:s4] =	ssyncset.done $0x0  }
0x1b7: {  	[sflag:s4] =	ssyncadd.s32 $0xFFFFFE00  }
0x1b8: {  	[spmem:s19] =	stream.strided.scatter [tilespmem:s18], [sflag:$0x4], $0x1000, s0, s31, $0x38;
	[tilespmem:$0x1F000] =	vst v63  }
0x1b9: {  	_ =	swait.ge [sflag:s29], $0x1000  }
0x1ba: {  	[sflag:s29] =	ssyncset.done $0x0  }
0x1bb: {  	[sflag:s29] =	ssyncadd.s32 $0xFFFFF000  }
0x1bc: {  	s7 =	sadd.s32 $0x3000, s7;
	[bflag:$0x0] =	sbarrier.arrive $0xFFFF  }
0x1bd: {  	[hbm:s7@s24], [sflag:s21] =	dma.strided [spmem:s22@s25], $0x200, s13, $0x10   }
0x1be: {  	p0 =	sne.s32 s3, $0x18;
	_ =	swait.ge [sflag:s12], $0x200  }
.Ltmp5:
0x1bf: {  	[sflag:s12] =	ssyncset.done $0x0;
	(pc) =	sbr.rel @p0 .LBB2_10-.Ltmp5, $4  }
0x1c0: {  	[sflag:s12] =	ssyncadd.s32 $0xFFFFFE00  }
0x1c1: {  	_ =	swait.ge [sflag:s4], $0x200  }
0x1c2: {  	[sflag:s4] =	ssyncset.done $0x0  }
0x1c3: {  	s7 =	smov.u32 s3;
	[sflag:s4] =	ssyncadd.s32 $0xFFFFFE00  }
0x1c4: {  	s1 =	rddreg [dreg:$0x16]  }
0x1c5: {  	s7 =	rddreg [dreg:$0x17]  }
0x1c6: {  	s3 =	simm.s32 $0x40;
	s8 =	rddreg [dreg:$0x18]  }
0x1c7: {  	[spmem:s8@s31], [sflag:s7] =	dma.strided [hbm:s1@s24], $0x0, s3, $0x10   }
0x1c8: {  	[spmem:s8@s31], [sflag:s7] =	dma.strided [hbm:s1@s31], $0x100, s12, $0x10   }
0x1c9: {  	_ =	swait.ge [sflag:s29], $0x100  }
0x1ca: {  	[sflag:s29] =	ssyncset.done $0x0  }
0x1cb: {  	[sflag:s29] =	ssyncadd.s32 $0xFFFFFF00  }
0x1cc: {  	[bflag:$0x0] =	sbarrier.arrive $0xFFFF  }
0x1cd: {  	s26 =	smov.u32 s28;
	s28 =	rddreg [dreg:$0x8]  }
0x1ce: {  	s11 =	rddreg [dreg:$0xb]  }
0x1cf: {  	p1 =	por $0x0, $0x0;
	s1 =	simm.s32 $0x18;
	s10 =	rddreg [dreg:$0x10]  }
.LBB2_14:
0x1d0: {  	_ =	swait.ge [sflag:s30], $0x980  }
0x1d1: {  	[sflag:s30] =	ssyncset.done $0x0  }
0x1d2: {  	[sflag:s30] =	ssyncadd.s32 $0xFFFFF680  }
0x1d3: {  	_ =	swait.ge [sflag:s30], $0x980  }
0x1d4: {  	[sflag:s30] =	ssyncset.done $0x0  }
0x1d5: {  	[sflag:s30] =	ssyncadd.s32 $0xFFFFF680  }
0x1d6: {  	s3 =	sshll.u32 s1, $0x7;
	[bflag:$0x0] =	sbarrier.arrive $0xFFFF  }
0x1d7: {  	[tilespmem:s2], [sflag:$0x1] =	stream.strided.gather [spmem:s14], $0x9800, s0, s31, $0x38;
	[tilespmem:$0x1F000] =	vst v63  }
0x1d8: {  	s3 =	sand.u32 $0x80, s3;
	s7 =	rddreg [dreg:$0x4]  }
0x1d9: {  	s8 =	simm.s32 $0x17000;
	s3 =	sadd.s32 s3, s7  }
0x1da: {  	[tilespmem:s8], [sflag:$0x1] =	stream.strided.gather [spmem:s3], $0x4000, s0, s31, $0x38;
	[tilespmem:$0x1F000] =	vst v63  }
0x1db: {  	_ =	swait.ge [sflag:s30], $0x9800  }
0x1dc: {  	[sflag:s30] =	ssyncset.done $0x0  }
0x1dd: {  	[sflag:s30] =	ssyncadd.s32 $0xFFFF6800  }
0x1de: {  	_ =	swait.ge [sflag:s30], $0x4000  }
0x1df: {  	[sflag:s30] =	ssyncset.done $0x0  }
0x1e0: {  	[sflag:s30] =	ssyncadd.s32 $0xFFFFC000  }
0x1e1: {  	s3 =	sshrl.u32 @!p1 s28, $0x3;
	[bflag:$0x0] =	sbarrier.arrive $0xFFFF  }
0x1e2: {  	[spmem:s3], [sflag:s9] =	dma.local @!p1 [hbm:s10], $0x980  }
0x1e3: {  	s3 =	sshrl.u32 @!p1 s11, $0x3;
	s7 =	rddreg [dreg:$0x11]  }
0x1e4: {  	[spmem:s3], [sflag:s9] =	dma.local @!p1 [hbm:s7], $0x980  }
0x1e5: {  	s7 =	simm.s32 $0x17080  }
0x1e6: {  	v1 =	vld [tilespmem:s7+$0x70]  }
0x1e7: {  	v2 =	vld [tilespmem:s7+$0xFFFFFF90]  }
0x1e8: {  	v3 =	vld [tilespmem:s7+$0xFFFFFFA0]  }
0x1e9: {  	v4 =	vld [tilespmem:s7+$0xFFFFFFB0]  }
0x1ea: {  	v5 =	vld [tilespmem:s7+$0xFFFFFFC0]  }
0x1eb: {  	s3 =	smul.u32 $0x963D, s1;
	v6 =	vld [tilespmem:s7+$0xFFFFFFD0]  }
0x1ec: {  	v7 =	vld [tilespmem:s7+$0xFFFFFFE0]  }
0x1ed: {  	v8 =	vld [tilespmem:s7+$0xFFFFFFF0];
	s8 =	sand.u32 $0xFFF80, s3  }
0x1ee: {  	v9 =	vld [tilespmem:s7+$0x0];
	s8 =	smin.u32 s8, $0xEAA80  }
0x1ef: {  	v10 =	vld [tilespmem:s7+$0x10];
	s3 =	ssub.s32 s3, s8  }
0x1f0: {  	v11 =	vld [tilespmem:s7+$0x20];
	v0 =	vmov s3  }
0x1f1: {  	v12 =	vld [tilespmem:s7+$0x30];
	v1 =	vadd.s32 v0, v1  }
0x1f2: {  	v13 =	vld [tilespmem:s7+$0x40];
	v2 =	vadd.s32 v0, v2  }
0x1f3: {  	v14 =	vld [tilespmem:s7+$0x50];
	v3 =	vadd.s32 v0, v3  }
0x1f4: {  	v15 =	vld [tilespmem:s7+$0x60];
	v4 =	vadd.s32 v0, v4  }
0x1f5: {  	v16 =	vld [tilespmem:s7+$0xFFFFFF80];
	v5 =	vadd.s32 v0, v5  }
0x1f6: {  	v6 =	vadd.s32 v0, v6;
	v1 =	vld.idx.msk [tilespmem:v1+s2+$0x0], $0xffff  }
0x1f7: {  	v7 =	vadd.s32 v0, v7;
	v2 =	vld.idx.msk [tilespmem:v2+s2+$0x0], $0xffff  }
0x1f8: {  	v8 =	vadd.s32 v0, v8;
	v3 =	vld.idx.msk [tilespmem:v3+s2+$0x0], $0xffff  }
0x1f9: {  	v9 =	vadd.s32 v0, v9;
	v4 =	vld.idx.msk [tilespmem:v4+s2+$0x0], $0xffff  }
0x1fa: {  	v10 =	vadd.s32 v0, v10;
	v5 =	vld.idx.msk [tilespmem:v5+s2+$0x0], $0xffff  }
0x1fb: {  	s3 =	simm.s32 $0x1B080;
	v16 =	vadd.s32 v0, v16;
	v6 =	vld.idx.msk [tilespmem:v6+s2+$0x0], $0xffff  }
0x1fc: {  	v11 =	vadd.s32 v0, v11;
	v7 =	vld.idx.msk [tilespmem:v7+s2+$0x0], $0xffff;
	[tilespmem:s3+$0x70] =	vst v1  }
0x1fd: {  	v12 =	vadd.s32 v0, v12;
	v8 =	vld.idx.msk [tilespmem:v8+s2+$0x0], $0xffff;
	[tilespmem:s3+$0xFFFFFF90] =	vst v2  }
0x1fe: {  	v13 =	vadd.s32 v0, v13;
	v9 =	vld.idx.msk [tilespmem:v9+s2+$0x0], $0xffff;
	[tilespmem:s3+$0xFFFFFFA0] =	vst v3  }
0x1ff: {  	v14 =	vadd.s32 v0, v14;
	v10 =	vld.idx.msk [tilespmem:v10+s2+$0x0], $0xffff;
	[tilespmem:s3+$0xFFFFFFB0] =	vst v4  }
0x200: {  	v15 =	vadd.s32 v0, v15;
	v1 =	vld.idx.msk [tilespmem:v16+s2+$0x0], $0xffff;
	[tilespmem:s3+$0xFFFFFFC0] =	vst v5  }
0x201: {  	[tilespmem:s3+$0xFFFFFFD0] =	vst v6;
	v2 =	vld.idx.msk [tilespmem:v11+s2+$0x0], $0xffff  }
0x202: {  	[tilespmem:s3+$0xFFFFFFE0] =	vst v7;
	v3 =	vld.idx.msk [tilespmem:v12+s2+$0x0], $0xffff  }
0x203: {  	[tilespmem:s3+$0xFFFFFFF0] =	vst v8;
	v4 =	vld.idx.msk [tilespmem:v13+s2+$0x0], $0xffff  }
0x204: {  	[tilespmem:s3+$0x0] =	vst v9;
	v5 =	vld.idx.msk [tilespmem:v14+s2+$0x0], $0xffff  }
0x205: {  	p0 =	por p1, p1;
	s7 =	simm.s32 $0x0;
	s8 =	simm.s32 $0x17180;
	[tilespmem:s3+$0x10] =	vst v10;
	v6 =	vld.idx.msk [tilespmem:v15+s2+$0x0], $0xffff  }
.LBB2_15:
0x206: {  	v7 =	vld [tilespmem:s8+$0x70];
	s7 =	sadd.s32 $0x100, s7;
	[tilespmem:s3+$0xFFFFFF80] =	vst v1  }
0x207: {  	v1 =	vld [tilespmem:s8+$0xFFFFFF90];
	p1 =	slt.u32 s7, $0x3F00;
	[tilespmem:s3+$0x20] =	vst v2  }
0x208: {  	v2 =	vld [tilespmem:s8+$0xFFFFFFA0];
	[tilespmem:s3+$0x30] =	vst v3  }
0x209: {  	v3 =	vld [tilespmem:s8+$0xFFFFFFB0];
	[tilespmem:s3+$0x40] =	vst v4  }
0x20a: {  	v4 =	vld [tilespmem:s8+$0xFFFFFFC0];
	[tilespmem:s3+$0x50] =	vst v5  }
0x20b: {  	v5 =	vld [tilespmem:s8+$0xFFFFFFD0];
	v7 =	vadd.s32 v0, v7;
	[tilespmem:s3+$0x60] =	vst v6  }
0x20c: {  	v1 =	vadd.s32 v0, v1;
	v6 =	vld [tilespmem:s8+$0xFFFFFFE0]  }
0x20d: {  	v2 =	vadd.s32 v0, v2;
	v8 =	vld [tilespmem:s8+$0xFFFFFFF0]  }
0x20e: {  	v3 =	vadd.s32 v0, v3;
	v9 =	vld [tilespmem:s8+$0x0]  }
0x20f: {  	v4 =	vadd.s32 v0, v4;
	v10 =	vld [tilespmem:s8+$0x10]  }
0x210: {  	v5 =	vadd.s32 v0, v5;
	v7 =	vld.idx.msk [tilespmem:v7+s2+$0x0], $0xffff  }
0x211: {  	v6 =	vadd.s32 v0, v6;
	v11 =	vld [tilespmem:s8+$0x20]  }
0x212: {  	v8 =	vadd.s32 v0, v8;
	v12 =	vld [tilespmem:s8+$0x30]  }
0x213: {  	v9 =	vadd.s32 v0, v9;
	v13 =	vld [tilespmem:s8+$0x40]  }
0x214: {  	v10 =	vadd.s32 v0, v10;
	v14 =	vld [tilespmem:s8+$0x50]  }
0x215: {  	s3 =	sadd.s32 $0x100, s3;
	v15 =	vld [tilespmem:s8+$0x60]  }
0x216: {  	v16 =	vld [tilespmem:s8+$0xFFFFFF80];
	v11 =	vadd.s32 v0, v11;
	[tilespmem:s3+$0x70] =	vst v7  }
0x217: {  	v1 =	vld.idx.msk [tilespmem:v1+s2+$0x0], $0xffff;
	v7 =	vadd.s32 v0, v12  }
0x218: {  	v2 =	vld.idx.msk [tilespmem:v2+s2+$0x0], $0xffff;
	v12 =	vadd.s32 v0, v13  }
0x219: {  	v3 =	vld.idx.msk [tilespmem:v3+s2+$0x0], $0xffff;
	v13 =	vadd.s32 v0, v14  }
0x21a: {  	v4 =	vld.idx.msk [tilespmem:v4+s2+$0x0], $0xffff;
	v14 =	vadd.s32 v0, v15  }
0x21b: {  	v15 =	vadd.s32 v0, v16;
	v5 =	vld.idx.msk [tilespmem:v5+s2+$0x0], $0xffff  }
0x21c: {  	v6 =	vld.idx.msk [tilespmem:v6+s2+$0x0], $0xffff  }
0x21d: {  	[tilespmem:s3+$0xFFFFFF90] =	vst v1;
	v8 =	vld.idx.msk [tilespmem:v8+s2+$0x0], $0xffff  }
0x21e: {  	[tilespmem:s3+$0xFFFFFFA0] =	vst v2;
	v9 =	vld.idx.msk [tilespmem:v9+s2+$0x0], $0xffff  }
0x21f: {  	[tilespmem:s3+$0xFFFFFFB0] =	vst v3;
	v10 =	vld.idx.msk [tilespmem:v10+s2+$0x0], $0xffff  }
0x220: {  	v1 =	vld.idx.msk [tilespmem:v15+s2+$0x0], $0xffff;
	[tilespmem:s3+$0xFFFFFFC0] =	vst v4  }
.Ltmp6:
0x221: {  	[tilespmem:s3+$0xFFFFFFD0] =	vst v5;
	v2 =	vld.idx.msk [tilespmem:v11+s2+$0x0], $0xffff;
	(pc) =	sbr.rel @p1 .LBB2_15-.Ltmp6, $4  }
0x222: {  	[tilespmem:s3+$0xFFFFFFE0] =	vst v6;
	v3 =	vld.idx.msk [tilespmem:v7+s2+$0x0], $0xffff  }
0x223: {  	[tilespmem:s3+$0xFFFFFFF0] =	vst v8;
	v4 =	vld.idx.msk [tilespmem:v12+s2+$0x0], $0xffff  }
0x224: {  	[tilespmem:s3+$0x0] =	vst v9;
	v5 =	vld.idx.msk [tilespmem:v13+s2+$0x0], $0xffff  }
0x225: {  	s8 =	sadd.s32 $0x100, s8;
	[tilespmem:s3+$0x10] =	vst v10;
	v6 =	vld.idx.msk [tilespmem:v14+s2+$0x0], $0xffff  }
0x226: {  	[tilespmem:s3+$0xFFFFFF80] =	vst v1  }
0x227: {  	[tilespmem:s3+$0x20] =	vst v2  }
0x228: {  	[tilespmem:s3+$0x30] =	vst v3  }
0x229: {  	[tilespmem:s3+$0x40] =	vst v4  }
0x22a: {  	[tilespmem:s3+$0x50] =	vst v5  }
0x22b: {  	s8 =	simm.s32 $0x1B000;
	[tilespmem:s3+$0x60] =	vst v6  }
0x22c: {  	[spmem:s17] =	stream.strided.scatter [tilespmem:s8], [sflag:$0x4], $0x1000, s0, s31, $0x38;
	[tilespmem:$0x1F000] =	vst v63  }
0x22d: {  	s1 =	sshll.u32 s1, $0x13;
	_ =	swait.ge [sflag:s29], $0x1000  }
0x22e: {  	s1 =	sor.u32 s23, s1;
	[sflag:s29] =	ssyncset.done $0x0  }
0x22f: {  	s1 =	sshrl.u32 s1, $0x3;
	[sflag:s29] =	ssyncadd.s32 $0xFFFFF000  }
0x230: {  	s7 =	simm.s32 $0x1C000;
	s1 =	sadd.s32 s26, s1;
	[bflag:$0x0] =	sbarrier.arrive $0xFFFF  }
0x231: {  	[hbm:s1@s24], [sflag:s6] =	dma.strided [spmem:s20@s25], $0x200, s13, $0x10   }
0x232: {  	[spmem:s19] =	stream.strided.scatter [tilespmem:s7], [sflag:$0x4], $0x1000, s0, s31, $0x38;
	[tilespmem:$0x1F000] =	vst v63  }
0x233: {  	_ =	swait.ge [sflag:s29], $0x1000  }
0x234: {  	[sflag:s29] =	ssyncset.done $0x0  }
0x235: {  	[sflag:s29] =	ssyncadd.s32 $0xFFFFF000  }
0x236: {  	s8 =	sadd.s32 $0x1000, s1;
	[bflag:$0x0] =	sbarrier.arrive $0xFFFF  }
0x237: {  	[hbm:s8@s24], [sflag:s21] =	dma.strided [spmem:s22@s25], $0x200, s13, $0x10   }
0x238: {  	_ =	swait.ge [sflag:s12], $0x200  }
0x239: {  	[sflag:s12] =	ssyncset.done $0x0  }
0x23a: {  	s7 =	simm.s32 $0x1D000;
	[sflag:s12] =	ssyncadd.s32 $0xFFFFFE00  }
0x23b: {  	[spmem:s17] =	stream.strided.scatter [tilespmem:s7], [sflag:$0x4], $0x1000, s0, s31, $0x38;
	[tilespmem:$0x1F000] =	vst v63  }
0x23c: {  	_ =	swait.ge [sflag:s29], $0x1000  }
0x23d: {  	[sflag:s29] =	ssyncset.done $0x0  }
0x23e: {  	[sflag:s29] =	ssyncadd.s32 $0xFFFFF000  }
0x23f: {  	s8 =	sadd.s32 $0x2000, s1;
	[bflag:$0x0] =	sbarrier.arrive $0xFFFF  }
0x240: {  	[hbm:s8@s24], [sflag:s6] =	dma.strided [spmem:s20@s25], $0x200, s13, $0x10   }
0x241: {  	_ =	swait.ge [sflag:s4], $0x200  }
0x242: {  	[sflag:s4] =	ssyncset.done $0x0  }
0x243: {  	[sflag:s4] =	ssyncadd.s32 $0xFFFFFE00  }
0x244: {  	[spmem:s19] =	stream.strided.scatter [tilespmem:s18], [sflag:$0x4], $0x1000, s0, s31, $0x38;
	[tilespmem:$0x1F000] =	vst v63  }
0x245: {  	_ =	swait.ge [sflag:s29], $0x1000  }
0x246: {  	[sflag:s29] =	ssyncset.done $0x0  }
0x247: {  	[sflag:s29] =	ssyncadd.s32 $0xFFFFF000  }
0x248: {  	s1 =	sadd.s32 $0x3000, s1;
	[bflag:$0x0] =	sbarrier.arrive $0xFFFF  }
0x249: {  	[hbm:s1@s24], [sflag:s21] =	dma.strided [spmem:s22@s25], $0x200, s13, $0x10   }
0x24a: {  	_ =	swait.ge [sflag:s12], $0x200  }
.Ltmp7:
0x24b: {  	[sflag:s12] =	ssyncset.done $0x0;
	(pc) =	sbr.rel @!p0 .LBB2_14-.Ltmp7, $4  }
0x24c: {  	[sflag:s12] =	ssyncadd.s32 $0xFFFFFE00  }
0x24d: {  	_ =	swait.ge [sflag:s4], $0x200  }
0x24e: {  	[sflag:s4] =	ssyncset.done $0x0  }
0x24f: {  	p1 =	por $0x1, $0x1;
	s1 =	simm.s32 $0x19;
	[sflag:s4] =	ssyncadd.s32 $0xFFFFFE00  }
0x250: {  	s20 =	rddreg [dreg:$0x7]  }
0x251: {  	s1 =	rddreg [dreg:$0x14];
	s20 =	sadd.s32 $0x1, s20  }
0x252: {  	p0 =	sne.s32 s20, s1  }
.Ltmp8:
0x253: {  	_ = 	snop;
	(pc) =	sbr.rel @p0 .LBB2_1-.Ltmp8, $1  }
0x254: {  	_ =	sdelay $0x3  }
0x255: {  	_ =	sfence.sel $0x180000  }
0x256: {  	[bflag:$0x0] =	sbarrier.arrive $0xFFFF  }
0x257: {  	_ =	strace $0x90000047  }
0x258: {  	s0 =	stileid.u32;
	[bflag:$0x2] =	sbarrier.arrive $0xFFFF  }
0x259: {  	p0 =	sne.s32 s0, $0x0;
	s0 =	rddreg [dreg:$0x6]  }
0x25a: {  	s0 =	sadd.s32 @!p0 $0x100000, s0  }
0x25b: {  	[sflag:s0] =	ssyncadd.tile.s32 @!p0 $0x1;
	_ =	shalt  }
.Lfunc_end2:
_tile_overlayer_lowered:
.L_overlay_start_2:
0x25c: {  	(tag) =	ssettag $0x2  }
0x25d: {  	s0 =	rddreg [dreg:$0x0];
	s2 =	stileid.u32  }
0x25e: {  	s1 =	rddreg [dreg:$0x1];
	p0 =	sne.s32 s2, $0x0  }
0x25f: {  	s3 =	rddreg [dreg:$0x2];
	[bflag:$0x3] =	sbarrier.arrive $0xFFFF;
	s2 =	simm.s32 @!p0 $0x1C04  }
0x260: {  	[timem:s3], [sflag:s2] =	dma.local @!p0 [hbm:s0], s1  }
0x261: {  	s0 =	simm.s32 @!p0 $0x4  }
0x262: {  	_ =	swait.ge @!p0 [sflag:s0], s1  }
0x263: {  	s1 =	ssub.s32 @!p0 $0x0, s1;
	[sflag:s0] =	ssyncset.done @!p0 $0x0  }
0x264: {  	[sflag:s0] =	ssyncadd.s32 @!p0 s1  }
0x265: {  	[bflag:$0x3] =	sbarrier.arrive $0xFFFF  }
0x266: {  	_ =	shalt  }

</sc_bundles>
